<compile_context>
chip_gen: v7x
topology: tpu7x:2x2x1
jax: 0.10.2.dev20260603
libtpu: 0.0.44.dev20260713+nightly
codegen_flags: <defaults>
</compile_context>

<pallas_src>
import functools

import jax
import jax.numpy as jnp
from jax import lax
from jax.experimental import pallas as pl
from jax.experimental.pallas import tpu as pltpu
from jax.experimental.pallas import tpu_sc as plsc

N = 32768
D = 512
C = 10
S = 16
BN = 4096
GRID = N // BN

_SC_INFO = plsc.get_sparse_core_info()
NC = _SC_INFO.num_cores
NS = _SC_INFO.num_subcores
NW = NC * NS
NWATOMS = N // NW


def _tc_dense(emb_ref, bi_ref, w_ref, b_ref, hact_ref, sums_ref):
    i = pl.program_id(0)
    h = jax.lax.dot_general(
        w_ref[...], emb_ref[...], (((0,), (1,)), ((), ())),
        preferred_element_type=jnp.float32) + b_ref[...]
    row = jax.lax.broadcasted_iota(jnp.int32, (2 * C, BN), 0)
    hact = jnp.where(row < C, jax.nn.softplus(h), h)
    hact_ref[...] = hact

    bi = bi_ref[:, pl.ds(i * BN, BN)]
    oh = (bi == jax.lax.broadcasted_iota(jnp.int32, (S, BN), 0)
          ).astype(jnp.float32)
    part = jax.lax.dot_general(
        hact, oh, (((1,), (1,)), ((), ())),
        preferred_element_type=jnp.float32)

    @pl.when(i == 0)
    def _init():
        sums_ref[...] = part

    @pl.when(i != 0)
    def _acc():
        sums_ref[...] += part


@functools.partial(
    pl.kernel,
    mesh=plsc.VectorSubcoreMesh(core_axis_name="c", subcore_axis_name="s"),
    out_type=jax.ShapeDtypeStruct((C, N), jnp.float32),
    scratch_types=[
        pltpu.VMEM((NWATOMS,), jnp.int32),
        pltpu.VMEM((2 * C, S), jnp.float32),
        pltpu.VMEM((S,), jnp.float32),
        pltpu.VMEM((2 * C, NWATOMS), jnp.float32),
        pltpu.VMEM((C, NWATOMS), jnp.float32),
        pltpu.SemaphoreType.DMA,
    ],
)
def _sc_combine(hact_hbm, sums_hbm, qtot_hbm, bi_hbm, q_hbm,
                bi_v, sums_v, qtot_v, row_v, q_v, sem):
    wid = lax.axis_index("s") * NC + lax.axis_index("c")
    base = wid * NWATOMS
    pltpu.sync_copy(bi_hbm.at[pl.ds(base, NWATOMS)], bi_v)
    pltpu.sync_copy(sums_hbm, sums_v)
    pltpu.sync_copy(qtot_hbm, qtot_v)
    copies = [pltpu.async_copy(hact_hbm.at[r, pl.ds(base, NWATOMS)],
                               row_v.at[r], sem)
              for r in range(2 * C)]
    for cp in copies:
        cp.wait()

    qtot = qtot_v[...]
    zero = jnp.zeros((S,), jnp.float32)
    one = jnp.ones((S,), jnp.float32)
    fsys = []
    for c in range(C):
        ws = sums_v[c, :]
        qs = sums_v[C + c, :]
        good = ws > zero
        fsys.append(jnp.where(
            good, (qtot - qs) / jnp.where(good, ws, one), zero))

    gdn = lax.GatherDimensionNumbers(
        offset_dims=(), collapsed_slice_dims=(0,), start_index_map=(0,))

    def body(j, carry):
        sl = pl.ds(j * 16, 16)
        sid = bi_v[sl]
        for c in range(C):
            f = lax.gather(fsys[c], sid[:, None], gdn, (1,),
                           mode=lax.GatherScatterMode.PROMISE_IN_BOUNDS)
            q_v[c, sl] = row_v[C + c, sl] + row_v[c, sl] * f
        return carry

    lax.fori_loop(0, NWATOMS // 16, body, 0, unroll=4)

    pltpu.sync_copy(q_v, q_hbm.at[:, pl.ds(base, NWATOMS)])


@jax.jit
def _run(embedding, batch_index, total_charge, W_wi, b_wi, W_qi, b_qi):
    bi_row = batch_index.reshape(1, N)
    w_cat = jnp.concatenate([W_wi, W_qi], axis=1)
    b_cat = jnp.concatenate([b_wi, b_qi]).reshape(2 * C, 1)

    hact, sums = pl.pallas_call(
        _tc_dense,
        grid=(GRID,),
        in_specs=[
            pl.BlockSpec((BN, D), lambda i: (i, 0)),
            pl.BlockSpec((1, N), lambda i: (0, 0)),
            pl.BlockSpec((D, 2 * C), lambda i: (0, 0)),
            pl.BlockSpec((2 * C, 1), lambda i: (0, 0)),
        ],
        out_specs=[
            pl.BlockSpec((2 * C, BN), lambda i: (0, i)),
            pl.BlockSpec((2 * C, S), lambda i: (0, 0)),
        ],
        out_shape=[
            jax.ShapeDtypeStruct((2 * C, N), jnp.float32),
            jax.ShapeDtypeStruct((2 * C, S), jnp.float32),
        ],
    )(embedding, bi_row, w_cat, b_cat)

    q_t = _sc_combine(hact, sums, total_charge, batch_index)
    return q_t.T


def kernel(embedding, coordinates, batch_index, natoms, total_charge,
           W_wi, b_wi, W_qi, b_qi):
    del coordinates, natoms
    return _run(embedding.astype(jnp.float32), batch_index,
                total_charge.astype(jnp.float32), W_wi, b_wi, W_qi, b_qi)

# --- scband reference (transcript-rebuilt; emitter-appended) ---
"""Pipeline reference for scband-charge-hypothesis-36378372997393 (READ-ONLY COPY).

The authoritative reference and input builder live on the scoring server;
editing this copy changes nothing except your own understanding.
"""

import jax, jax.numpy as jnp
import numpy as np


def setup_inputs(seed: int = 0) -> dict:
    key = jax.random.key(seed)
    ks = jax.random.split(key, 8)
    N, D, C, S = 32768, 512, 10, 16
    embedding = jax.random.normal(ks[0], (N, D), dtype=jnp.float32)
    coordinates = jax.random.normal(ks[1], (N, 3), dtype=jnp.float32)
    batch_index = jnp.sort(jax.random.randint(ks[2], (N,), 0, S, dtype=jnp.int32))
    natoms = jax.random.randint(ks[3], (S,), 0, 4096, dtype=jnp.int32)
    total_charge = jax.random.normal(ks[4], (S,), dtype=jnp.float32)
    W_wi = jax.random.normal(ks[5], (D, C), dtype=jnp.float32) * (1.0 / np.sqrt(D))
    b_wi = jnp.zeros((C,), dtype=jnp.float32)
    W_qi = jax.random.normal(ks[6], (D, C), dtype=jnp.float32) * (1.0 / np.sqrt(D))
    b_qi = jnp.zeros((C,), dtype=jnp.float32)
    return {"embedding": embedding, "coordinates": coordinates, "batch_index": batch_index,
            "natoms": natoms, "total_charge": total_charge,
            "W_wi": W_wi, "b_wi": b_wi, "W_qi": W_qi, "b_qi": b_qi}


def reference(embedding, coordinates, batch_index, natoms, total_charge, W_wi, b_wi, W_qi, b_qi):
    # ChargeHypothesis forward (mode='qeq'), ncharges=10 so no squeeze
    emb = embedding.astype(coordinates.dtype)
    wi = jax.nn.softplus(emb @ W_wi + b_wi)          # [N, C] electron-affinity weights
    nsys = natoms.shape[0]
    wtot = jax.ops.segment_sum(wi, batch_index, nsys)  # [S, C]
    Qtot = total_charge.astype(wi.dtype)                # [S]
    qtilde = emb @ W_qi + b_qi                          # [N, C] raw charges
    qtot = jax.ops.segment_sum(qtilde, batch_index, nsys)  # [S, C]
    dq = Qtot[:, None] - qtot                           # [S, C] charge deficit per system
    f = (dq / wtot)[batch_index]                        # gather back to atoms [N, C]
    q = qtilde + wi * f                                 # charge-constrained output
    return q

if __name__ == "__main__":
    import jax
    _d = setup_inputs()
    print(jax.jit(kernel)(*tuple(_d.values())))

</pallas_src>

<mosaic_0001>
#map = affine_map<(d0, d1) -> (0, 0)>
#map1 = affine_map<(d0, d1) -> (0)>
module attributes {stable_mosaic.version = 14 : i64} {
  func.func @_sc_combine(%arg0: i32, %arg1: i32, %arg2: memref<20x32768xf32, #tpu.memory_space<hbm>>, %arg3: memref<20x16xf32, #tpu.memory_space<hbm>>, %arg4: memref<16xf32, #tpu.memory_space<hbm>>, %arg5: memref<32768xi32, #tpu.memory_space<hbm>>, %arg6: memref<10x32768xf32, #tpu.memory_space<hbm>>, %arg7: memref<1024xi32, #tpu.memory_space<vmem>>, %arg8: memref<20x16xf32, #tpu.memory_space<vmem>>, %arg9: memref<16xf32, #tpu.memory_space<vmem>>, %arg10: memref<20x1024xf32, #tpu.memory_space<vmem>>, %arg11: memref<10x1024xf32, #tpu.memory_space<vmem>>, %arg12: memref<!tpu.dma_semaphore, #tpu.memory_space<semaphore_mem>>) attributes {dimension_semantics = [#tpu.dimension_semantics<core_parallel>, #tpu.dimension_semantics<subcore_parallel>], iteration_bounds = array<i64: 2, 16>, scalar_prefetch = 0 : i64, scratch_operands = 6 : i64, tpu.core_type = #tpu.core_type<sc_vector_subcore>, window_params = [{transform_indices = #map}, {transform_indices = #map}, {transform_indices = #map1}, {transform_indices = #map1}, {transform_indices = #map}]} {
    %mul3A = arith.constant 2 : i32
    %mul3A_0 = arith.muli %arg1, %mul3A : i32
    %add3A = arith.addi %mul3A_0, %arg0 : i32
    %mul3A_1 = arith.constant 1024 : i32
    %mul3A_2 = arith.muli %add3A, %mul3A_1 : i32
    "tpu.region"() ({
      %run_scoped3A = tpu.sem_alloc : memref<!tpu.dma_semaphore, #tpu.memory_space<semaphore_mem>>
      %dma_start3A_637 = tpu.memref_slice %arg5[%mul3A_2] : memref<32768xi32, #tpu.memory_space<hbm>> -> memref<1024xi32, #tpu.memory_space<hbm>>
      %dma_start3A_638 = tpu.memref_slice %arg5[%mul3A_2] : memref<32768xi32, #tpu.memory_space<hbm>> -> memref<1024xi32, #tpu.memory_space<hbm>>
      tpu.enqueue_dma source(%dma_start3A_638 : memref<1024xi32, #tpu.memory_space<hbm>>) target(%arg7 : memref<1024xi32, #tpu.memory_space<vmem>>) target_semaphore(%run_scoped3A : memref<!tpu.dma_semaphore, #tpu.memory_space<semaphore_mem>>)
      %dma_wait3A_639 = tpu.memref_slice %arg5[%mul3A_2] : memref<32768xi32, #tpu.memory_space<hbm>> -> memref<1024xi32, #tpu.memory_space<hbm>>
      %dma_wait3A_640 = tpu.memref_slice %arg5[%mul3A_2] : memref<32768xi32, #tpu.memory_space<hbm>> -> memref<1024xi32, #tpu.memory_space<hbm>>
      tpu.wait_dma2 semaphore(%run_scoped3A : memref<!tpu.dma_semaphore, #tpu.memory_space<semaphore_mem>>) src(%dma_wait3A_640 : memref<1024xi32, #tpu.memory_space<hbm>>) dst(%arg7 : memref<1024xi32, #tpu.memory_space<vmem>>)
      tpu.yield
    }) : () -> ()
    "tpu.region"() ({
      %run_scoped3A = tpu.sem_alloc : memref<!tpu.dma_semaphore, #tpu.memory_space<semaphore_mem>>
      tpu.enqueue_dma source(%arg3 : memref<20x16xf32, #tpu.memory_space<hbm>>) target(%arg8 : memref<20x16xf32, #tpu.memory_space<vmem>>) target_semaphore(%run_scoped3A : memref<!tpu.dma_semaphore, #tpu.memory_space<semaphore_mem>>)
      tpu.wait_dma2 semaphore(%run_scoped3A : memref<!tpu.dma_semaphore, #tpu.memory_space<semaphore_mem>>) src(%arg3 : memref<20x16xf32, #tpu.memory_space<hbm>>) dst(%arg8 : memref<20x16xf32, #tpu.memory_space<vmem>>)
      tpu.yield
    }) : () -> ()
    "tpu.region"() ({
      %run_scoped3A = tpu.sem_alloc : memref<!tpu.dma_semaphore, #tpu.memory_space<semaphore_mem>>
      tpu.enqueue_dma source(%arg4 : memref<16xf32, #tpu.memory_space<hbm>>) target(%arg9 : memref<16xf32, #tpu.memory_space<vmem>>) target_semaphore(%run_scoped3A : memref<!tpu.dma_semaphore, #tpu.memory_space<semaphore_mem>>)
      tpu.wait_dma2 semaphore(%run_scoped3A : memref<!tpu.dma_semaphore, #tpu.memory_space<semaphore_mem>>) src(%arg4 : memref<16xf32, #tpu.memory_space<hbm>>) dst(%arg9 : memref<16xf32, #tpu.memory_space<vmem>>)
      tpu.yield
    }) : () -> ()
    %dma_start3A = arith.constant 0 : i32
    %dma_start3A_3 = arith.constant 0 : i32
    %dma_start3A_4 = arith.constant 0 : i32
    %dma_start3A_5 = tpu.memref_slice %arg10[%dma_start3A_3, %dma_start3A_4] : memref<20x1024xf32, #tpu.memory_space<vmem>> -> memref<1x1024xf32, #tpu.memory_space<vmem>>
    %dma_start3A_6 = tpu.memref_squeeze %dma_start3A_5 : memref<1x1024xf32, #tpu.memory_space<vmem>> -> memref<1024xf32, #tpu.memory_space<vmem>>
    %dma_start3A_7 = tpu.memref_slice %arg2[%dma_start3A, %mul3A_2] : memref<20x32768xf32, #tpu.memory_space<hbm>> -> memref<1x1024xf32, #tpu.memory_space<hbm>>
    %dma_start3A_8 = tpu.memref_squeeze %dma_start3A_7 : memref<1x1024xf32, #tpu.memory_space<hbm>> -> memref<1024xf32, #tpu.memory_space<hbm>>
    %dma_start3A_9 = arith.constant 0 : i32
    %dma_start3A_10 = tpu.memref_slice %arg10[%dma_start3A_3, %dma_start3A_9] : memref<20x1024xf32, #tpu.memory_space<vmem>> -> memref<1x1024xf32, #tpu.memory_space<vmem>>
    %dma_start3A_11 = tpu.memref_squeeze %dma_start3A_10 : memref<1x1024xf32, #tpu.memory_space<vmem>> -> memref<1024xf32, #tpu.memory_space<vmem>>
    %dma_start3A_12 = tpu.memref_slice %arg2[%dma_start3A, %mul3A_2] : memref<20x32768xf32, #tpu.memory_space<hbm>> -> memref<1x1024xf32, #tpu.memory_space<hbm>>
    %dma_start3A_13 = tpu.memref_squeeze %dma_start3A_12 : memref<1x1024xf32, #tpu.memory_space<hbm>> -> memref<1024xf32, #tpu.memory_space<hbm>>
    tpu.enqueue_dma source(%dma_start3A_13 : memref<1024xf32, #tpu.memory_space<hbm>>) target(%dma_start3A_11 : memref<1024xf32, #tpu.memory_space<vmem>>) target_semaphore(%arg12 : memref<!tpu.dma_semaphore, #tpu.memory_space<semaphore_mem>>)
    %dma_start3A_14 = arith.constant 1 : i32
    %dma_start3A_15 = arith.constant 1 : i32
    %dma_start3A_16 = arith.constant 0 : i32
    %dma_start3A_17 = tpu.memref_slice %arg10[%dma_start3A_15, %dma_start3A_16] : memref<20x1024xf32, #tpu.memory_space<vmem>> -> memref<1x1024xf32, #tpu.memory_space<vmem>>
    %dma_start3A_18 = tpu.memref_squeeze %dma_start3A_17 : memref<1x1024xf32, #tpu.memory_space<vmem>> -> memref<1024xf32, #tpu.memory_space<vmem>>
    %dma_start3A_19 = tpu.memref_slice %arg2[%dma_start3A_14, %mul3A_2] : memref<20x32768xf32, #tpu.memory_space<hbm>> -> memref<1x1024xf32, #tpu.memory_space<hbm>>
    %dma_start3A_20 = tpu.memref_squeeze %dma_start3A_19 : memref<1x1024xf32, #tpu.memory_space<hbm>> -> memref<1024xf32, #tpu.memory_space<hbm>>
    %dma_start3A_21 = arith.constant 0 : i32
    %dma_start3A_22 = tpu.memref_slice %arg10[%dma_start3A_15, %dma_start3A_21] : memref<20x1024xf32, #tpu.memory_space<vmem>> -> memref<1x1024xf32, #tpu.memory_space<vmem>>
    %dma_start3A_23 = tpu.memref_squeeze %dma_start3A_22 : memref<1x1024xf32, #tpu.memory_space<vmem>> -> memref<1024xf32, #tpu.memory_space<vmem>>
    %dma_start3A_24 = tpu.memref_slice %arg2[%dma_start3A_14, %mul3A_2] : memref<20x32768xf32, #tpu.memory_space<hbm>> -> memref<1x1024xf32, #tpu.memory_space<hbm>>
    %dma_start3A_25 = tpu.memref_squeeze %dma_start3A_24 : memref<1x1024xf32, #tpu.memory_space<hbm>> -> memref<1024xf32, #tpu.memory_space<hbm>>
    tpu.enqueue_dma source(%dma_start3A_25 : memref<1024xf32, #tpu.memory_space<hbm>>) target(%dma_start3A_23 : memref<1024xf32, #tpu.memory_space<vmem>>) target_semaphore(%arg12 : memref<!tpu.dma_semaphore, #tpu.memory_space<semaphore_mem>>)
    %dma_start3A_26 = arith.constant 2 : i32
    %dma_start3A_27 = arith.constant 2 : i32
    %dma_start3A_28 = arith.constant 0 : i32
    %dma_start3A_29 = tpu.memref_slice %arg10[%dma_start3A_27, %dma_start3A_28] : memref<20x1024xf32, #tpu.memory_space<vmem>> -> memref<1x1024xf32, #tpu.memory_space<vmem>>
    %dma_start3A_30 = tpu.memref_squeeze %dma_start3A_29 : memref<1x1024xf32, #tpu.memory_space<vmem>> -> memref<1024xf32, #tpu.memory_space<vmem>>
    %dma_start3A_31 = tpu.memref_slice %arg2[%dma_start3A_26, %mul3A_2] : memref<20x32768xf32, #tpu.memory_space<hbm>> -> memref<1x1024xf32, #tpu.memory_space<hbm>>
    %dma_start3A_32 = tpu.memref_squeeze %dma_start3A_31 : memref<1x1024xf32, #tpu.memory_space<hbm>> -> memref<1024xf32, #tpu.memory_space<hbm>>
    %dma_start3A_33 = arith.constant 0 : i32
    %dma_start3A_34 = tpu.memref_slice %arg10[%dma_start3A_27, %dma_start3A_33] : memref<20x1024xf32, #tpu.memory_space<vmem>> -> memref<1x1024xf32, #tpu.memory_space<vmem>>
    %dma_start3A_35 = tpu.memref_squeeze %dma_start3A_34 : memref<1x1024xf32, #tpu.memory_space<vmem>> -> memref<1024xf32, #tpu.memory_space<vmem>>
    %dma_start3A_36 = tpu.memref_slice %arg2[%dma_start3A_26, %mul3A_2] : memref<20x32768xf32, #tpu.memory_space<hbm>> -> memref<1x1024xf32, #tpu.memory_space<hbm>>
    %dma_start3A_37 = tpu.memref_squeeze %dma_start3A_36 : memref<1x1024xf32, #tpu.memory_space<hbm>> -> memref<1024xf32, #tpu.memory_space<hbm>>
    tpu.enqueue_dma source(%dma_start3A_37 : memref<1024xf32, #tpu.memory_space<hbm>>) target(%dma_start3A_35 : memref<1024xf32, #tpu.memory_space<vmem>>) target_semaphore(%arg12 : memref<!tpu.dma_semaphore, #tpu.memory_space<semaphore_mem>>)
    %dma_start3A_38 = arith.constant 3 : i32
    %dma_start3A_39 = arith.constant 3 : i32
    %dma_start3A_40 = arith.constant 0 : i32
    %dma_start3A_41 = tpu.memref_slice %arg10[%dma_start3A_39, %dma_start3A_40] : memref<20x1024xf32, #tpu.memory_space<vmem>> -> memref<1x1024xf32, #tpu.memory_space<vmem>>
    %dma_start3A_42 = tpu.memref_squeeze %dma_start3A_41 : memref<1x1024xf32, #tpu.memory_space<vmem>> -> memref<1024xf32, #tpu.memory_space<vmem>>
    %dma_start3A_43 = tpu.memref_slice %arg2[%dma_start3A_38, %mul3A_2] : memref<20x32768xf32, #tpu.memory_space<hbm>> -> memref<1x1024xf32, #tpu.memory_space<hbm>>
    %dma_start3A_44 = tpu.memref_squeeze %dma_start3A_43 : memref<1x1024xf32, #tpu.memory_space<hbm>> -> memref<1024xf32, #tpu.memory_space<hbm>>
    %dma_start3A_45 = arith.constant 0 : i32
    %dma_start3A_46 = tpu.memref_slice %arg10[%dma_start3A_39, %dma_start3A_45] : memref<20x1024xf32, #tpu.memory_space<vmem>> -> memref<1x1024xf32, #tpu.memory_space<vmem>>
    %dma_start3A_47 = tpu.memref_squeeze %dma_start3A_46 : memref<1x1024xf32, #tpu.memory_space<vmem>> -> memref<1024xf32, #tpu.memory_space<vmem>>
    %dma_start3A_48 = tpu.memref_slice %arg2[%dma_start3A_38, %mul3A_2] : memref<20x32768xf32, #tpu.memory_space<hbm>> -> memref<1x1024xf32, #tpu.memory_space<hbm>>
    %dma_start3A_49 = tpu.memref_squeeze %dma_start3A_48 : memref<1x1024xf32, #tpu.memory_space<hbm>> -> memref<1024xf32, #tpu.memory_space<hbm>>
    tpu.enqueue_dma source(%dma_start3A_49 : memref<1024xf32, #tpu.memory_space<hbm>>) target(%dma_start3A_47 : memref<1024xf32, #tpu.memory_space<vmem>>) target_semaphore(%arg12 : memref<!tpu.dma_semaphore, #tpu.memory_space<semaphore_mem>>)
    %dma_start3A_50 = arith.constant 4 : i32
    %dma_start3A_51 = arith.constant 4 : i32
    %dma_start3A_52 = arith.constant 0 : i32
    %dma_start3A_53 = tpu.memref_slice %arg10[%dma_start3A_51, %dma_start3A_52] : memref<20x1024xf32, #tpu.memory_space<vmem>> -> memref<1x1024xf32, #tpu.memory_space<vmem>>
    %dma_start3A_54 = tpu.memref_squeeze %dma_start3A_53 : memref<1x1024xf32, #tpu.memory_space<vmem>> -> memref<1024xf32, #tpu.memory_space<vmem>>
    %dma_start3A_55 = tpu.memref_slice %arg2[%dma_start3A_50, %mul3A_2] : memref<20x32768xf32, #tpu.memory_space<hbm>> -> memref<1x1024xf32, #tpu.memory_space<hbm>>
    %dma_start3A_56 = tpu.memref_squeeze %dma_start3A_55 : memref<1x1024xf32, #tpu.memory_space<hbm>> -> memref<1024xf32, #tpu.memory_space<hbm>>
    %dma_start3A_57 = arith.constant 0 : i32
    %dma_start3A_58 = tpu.memref_slice %arg10[%dma_start3A_51, %dma_start3A_57] : memref<20x1024xf32, #tpu.memory_space<vmem>> -> memref<1x1024xf32, #tpu.memory_space<vmem>>
    %dma_start3A_59 = tpu.memref_squeeze %dma_start3A_58 : memref<1x1024xf32, #tpu.memory_space<vmem>> -> memref<1024xf32, #tpu.memory_space<vmem>>
    %dma_start3A_60 = tpu.memref_slice %arg2[%dma_start3A_50, %mul3A_2] : memref<20x32768xf32, #tpu.memory_space<hbm>> -> memref<1x1024xf32, #tpu.memory_space<hbm>>
    %dma_start3A_61 = tpu.memref_squeeze %dma_start3A_60 : memref<1x1024xf32, #tpu.memory_space<hbm>> -> memref<1024xf32, #tpu.memory_space<hbm>>
    tpu.enqueue_dma source(%dma_start3A_61 : memref<1024xf32, #tpu.memory_space<hbm>>) target(%dma_start3A_59 : memref<1024xf32, #tpu.memory_space<vmem>>) target_semaphore(%arg12 : memref<!tpu.dma_semaphore, #tpu.memory_space<semaphore_mem>>)
    %dma_start3A_62 = arith.constant 5 : i32
    %dma_start3A_63 = arith.constant 5 : i32
    %dma_start3A_64 = arith.constant 0 : i32
    %dma_start3A_65 = tpu.memref_slice %arg10[%dma_start3A_63, %dma_start3A_64] : memref<20x1024xf32, #tpu.memory_space<vmem>> -> memref<1x1024xf32, #tpu.memory_space<vmem>>
    %dma_start3A_66 = tpu.memref_squeeze %dma_start3A_65 : memref<1x1024xf32, #tpu.memory_space<vmem>> -> memref<1024xf32, #tpu.memory_space<vmem>>
    %dma_start3A_67 = tpu.memref_slice %arg2[%dma_start3A_62, %mul3A_2] : memref<20x32768xf32, #tpu.memory_space<hbm>> -> memref<1x1024xf32, #tpu.memory_space<hbm>>
    %dma_start3A_68 = tpu.memref_squeeze %dma_start3A_67 : memref<1x1024xf32, #tpu.memory_space<hbm>> -> memref<1024xf32, #tpu.memory_space<hbm>>
    %dma_start3A_69 = arith.constant 0 : i32
    %dma_start3A_70 = tpu.memref_slice %arg10[%dma_start3A_63, %dma_start3A_69] : memref<20x1024xf32, #tpu.memory_space<vmem>> -> memref<1x1024xf32, #tpu.memory_space<vmem>>
    %dma_start3A_71 = tpu.memref_squeeze %dma_start3A_70 : memref<1x1024xf32, #tpu.memory_space<vmem>> -> memref<1024xf32, #tpu.memory_space<vmem>>
    %dma_start3A_72 = tpu.memref_slice %arg2[%dma_start3A_62, %mul3A_2] : memref<20x32768xf32, #tpu.memory_space<hbm>> -> memref<1x1024xf32, #tpu.memory_space<hbm>>
    %dma_start3A_73 = tpu.memref_squeeze %dma_start3A_72 : memref<1x1024xf32, #tpu.memory_space<hbm>> -> memref<1024xf32, #tpu.memory_space<hbm>>
    tpu.enqueue_dma source(%dma_start3A_73 : memref<1024xf32, #tpu.memory_space<hbm>>) target(%dma_start3A_71 : memref<1024xf32, #tpu.memory_space<vmem>>) target_semaphore(%arg12 : memref<!tpu.dma_semaphore, #tpu.memory_space<semaphore_mem>>)
    %dma_start3A_74 = arith.constant 6 : i32
    %dma_start3A_75 = arith.constant 6 : i32
    %dma_start3A_76 = arith.constant 0 : i32
    %dma_start3A_77 = tpu.memref_slice %arg10[%dma_start3A_75, %dma_start3A_76] : memref<20x1024xf32, #tpu.memory_space<vmem>> -> memref<1x1024xf32, #tpu.memory_space<vmem>>
    %dma_start3A_78 = tpu.memref_squeeze %dma_start3A_77 : memref<1x1024xf32, #tpu.memory_space<vmem>> -> memref<1024xf32, #tpu.memory_space<vmem>>
    %dma_start3A_79 = tpu.memref_slice %arg2[%dma_start3A_74, %mul3A_2] : memref<20x32768xf32, #tpu.memory_space<hbm>> -> memref<1x1024xf32, #tpu.memory_space<hbm>>
    %dma_start3A_80 = tpu.memref_squeeze %dma_start3A_79 : memref<1x1024xf32, #tpu.memory_space<hbm>> -> memref<1024xf32, #tpu.memory_space<hbm>>
    %dma_start3A_81 = arith.constant 0 : i32
    %dma_start3A_82 = tpu.memref_slice %arg10[%dma_start3A_75, %dma_start3A_81] : memref<20x1024xf32, #tpu.memory_space<vmem>> -> memref<1x1024xf32, #tpu.memory_space<vmem>>
    %dma_start3A_83 = tpu.memref_squeeze %dma_start3A_82 : memref<1x1024xf32, #tpu.memory_space<vmem>> -> memref<1024xf32, #tpu.memory_space<vmem>>
    %dma_start3A_84 = tpu.memref_slice %arg2[%dma_start3A_74, %mul3A_2] : memref<20x32768xf32, #tpu.memory_space<hbm>> -> memref<1x1024xf32, #tpu.memory_space<hbm>>
    %dma_start3A_85 = tpu.memref_squeeze %dma_start3A_84 : memref<1x1024xf32, #tpu.memory_space<hbm>> -> memref<1024xf32, #tpu.memory_space<hbm>>
    tpu.enqueue_dma source(%dma_start3A_85 : memref<1024xf32, #tpu.memory_space<hbm>>) target(%dma_start3A_83 : memref<1024xf32, #tpu.memory_space<vmem>>) target_semaphore(%arg12 : memref<!tpu.dma_semaphore, #tpu.memory_space<semaphore_mem>>)
    %dma_start3A_86 = arith.constant 7 : i32
    %dma_start3A_87 = arith.constant 7 : i32
    %dma_start3A_88 = arith.constant 0 : i32
    %dma_start3A_89 = tpu.memref_slice %arg10[%dma_start3A_87, %dma_start3A_88] : memref<20x1024xf32, #tpu.memory_space<vmem>> -> memref<1x1024xf32, #tpu.memory_space<vmem>>
    %dma_start3A_90 = tpu.memref_squeeze %dma_start3A_89 : memref<1x1024xf32, #tpu.memory_space<vmem>> -> memref<1024xf32, #tpu.memory_space<vmem>>
    %dma_start3A_91 = tpu.memref_slice %arg2[%dma_start3A_86, %mul3A_2] : memref<20x32768xf32, #tpu.memory_space<hbm>> -> memref<1x1024xf32, #tpu.memory_space<hbm>>
    %dma_start3A_92 = tpu.memref_squeeze %dma_start3A_91 : memref<1x1024xf32, #tpu.memory_space<hbm>> -> memref<1024xf32, #tpu.memory_space<hbm>>
    %dma_start3A_93 = arith.constant 0 : i32
    %dma_start3A_94 = tpu.memref_slice %arg10[%dma_start3A_87, %dma_start3A_93] : memref<20x1024xf32, #tpu.memory_space<vmem>> -> memref<1x1024xf32, #tpu.memory_space<vmem>>
    %dma_start3A_95 = tpu.memref_squeeze %dma_start3A_94 : memref<1x1024xf32, #tpu.memory_space<vmem>> -> memref<1024xf32, #tpu.memory_space<vmem>>
    %dma_start3A_96 = tpu.memref_slice %arg2[%dma_start3A_86, %mul3A_2] : memref<20x32768xf32, #tpu.memory_space<hbm>> -> memref<1x1024xf32, #tpu.memory_space<hbm>>
    %dma_start3A_97 = tpu.memref_squeeze %dma_start3A_96 : memref<1x1024xf32, #tpu.memory_space<hbm>> -> memref<1024xf32, #tpu.memory_space<hbm>>
    tpu.enqueue_dma source(%dma_start3A_97 : memref<1024xf32, #tpu.memory_space<hbm>>) target(%dma_start3A_95 : memref<1024xf32, #tpu.memory_space<vmem>>) target_semaphore(%arg12 : memref<!tpu.dma_semaphore, #tpu.memory_space<semaphore_mem>>)
    %dma_start3A_98 = arith.constant 8 : i32
    %dma_start3A_99 = arith.constant 8 : i32
    %dma_start3A_100 = arith.constant 0 : i32
    %dma_start3A_101 = tpu.memref_slice %arg10[%dma_start3A_99, %dma_start3A_100] : memref<20x1024xf32, #tpu.memory_space<vmem>> -> memref<1x1024xf32, #tpu.memory_space<vmem>>
    %dma_start3A_102 = tpu.memref_squeeze %dma_start3A_101 : memref<1x1024xf32, #tpu.memory_space<vmem>> -> memref<1024xf32, #tpu.memory_space<vmem>>
    %dma_start3A_103 = tpu.memref_slice %arg2[%dma_start3A_98, %mul3A_2] : memref<20x32768xf32, #tpu.memory_space<hbm>> -> memref<1x1024xf32, #tpu.memory_space<hbm>>
    %dma_start3A_104 = tpu.memref_squeeze %dma_start3A_103 : memref<1x1024xf32, #tpu.memory_space<hbm>> -> memref<1024xf32, #tpu.memory_space<hbm>>
    %dma_start3A_105 = arith.constant 0 : i32
    %dma_start3A_106 = tpu.memref_slice %arg10[%dma_start3A_99, %dma_start3A_105] : memref<20x1024xf32, #tpu.memory_space<vmem>> -> memref<1x1024xf32, #tpu.memory_space<vmem>>
    %dma_start3A_107 = tpu.memref_squeeze %dma_start3A_106 : memref<1x1024xf32, #tpu.memory_space<vmem>> -> memref<1024xf32, #tpu.memory_space<vmem>>
    %dma_start3A_108 = tpu.memref_slice %arg2[%dma_start3A_98, %mul3A_2] : memref<20x32768xf32, #tpu.memory_space<hbm>> -> memref<1x1024xf32, #tpu.memory_space<hbm>>
    %dma_start3A_109 = tpu.memref_squeeze %dma_start3A_108 : memref<1x1024xf32, #tpu.memory_space<hbm>> -> memref<1024xf32, #tpu.memory_space<hbm>>
    tpu.enqueue_dma source(%dma_start3A_109 : memref<1024xf32, #tpu.memory_space<hbm>>) target(%dma_start3A_107 : memref<1024xf32, #tpu.memory_space<vmem>>) target_semaphore(%arg12 : memref<!tpu.dma_semaphore, #tpu.memory_space<semaphore_mem>>)
    %dma_start3A_110 = arith.constant 9 : i32
    %dma_start3A_111 = arith.constant 9 : i32
    %dma_start3A_112 = arith.constant 0 : i32
    %dma_start3A_113 = tpu.memref_slice %arg10[%dma_start3A_111, %dma_start3A_112] : memref<20x1024xf32, #tpu.memory_space<vmem>> -> memref<1x1024xf32, #tpu.memory_space<vmem>>
    %dma_start3A_114 = tpu.memref_squeeze %dma_start3A_113 : memref<1x1024xf32, #tpu.memory_space<vmem>> -> memref<1024xf32, #tpu.memory_space<vmem>>
    %dma_start3A_115 = tpu.memref_slice %arg2[%dma_start3A_110, %mul3A_2] : memref<20x32768xf32, #tpu.memory_space<hbm>> -> memref<1x1024xf32, #tpu.memory_space<hbm>>
    %dma_start3A_116 = tpu.memref_squeeze %dma_start3A_115 : memref<1x1024xf32, #tpu.memory_space<hbm>> -> memref<1024xf32, #tpu.memory_space<hbm>>
    %dma_start3A_117 = arith.constant 0 : i32
    %dma_start3A_118 = tpu.memref_slice %arg10[%dma_start3A_111, %dma_start3A_117] : memref<20x1024xf32, #tpu.memory_space<vmem>> -> memref<1x1024xf32, #tpu.memory_space<vmem>>
    %dma_start3A_119 = tpu.memref_squeeze %dma_start3A_118 : memref<1x1024xf32, #tpu.memory_space<vmem>> -> memref<1024xf32, #tpu.memory_space<vmem>>
    %dma_start3A_120 = tpu.memref_slice %arg2[%dma_start3A_110, %mul3A_2] : memref<20x32768xf32, #tpu.memory_space<hbm>> -> memref<1x1024xf32, #tpu.memory_space<hbm>>
    %dma_start3A_121 = tpu.memref_squeeze %dma_start3A_120 : memref<1x1024xf32, #tpu.memory_space<hbm>> -> memref<1024xf32, #tpu.memory_space<hbm>>
    tpu.enqueue_dma source(%dma_start3A_121 : memref<1024xf32, #tpu.memory_space<hbm>>) target(%dma_start3A_119 : memref<1024xf32, #tpu.memory_space<vmem>>) target_semaphore(%arg12 : memref<!tpu.dma_semaphore, #tpu.memory_space<semaphore_mem>>)
    %dma_start3A_122 = arith.constant 10 : i32
    %dma_start3A_123 = arith.constant 10 : i32
    %dma_start3A_124 = arith.constant 0 : i32
    %dma_start3A_125 = tpu.memref_slice %arg10[%dma_start3A_123, %dma_start3A_124] : memref<20x1024xf32, #tpu.memory_space<vmem>> -> memref<1x1024xf32, #tpu.memory_space<vmem>>
    %dma_start3A_126 = tpu.memref_squeeze %dma_start3A_125 : memref<1x1024xf32, #tpu.memory_space<vmem>> -> memref<1024xf32, #tpu.memory_space<vmem>>
    %dma_start3A_127 = tpu.memref_slice %arg2[%dma_start3A_122, %mul3A_2] : memref<20x32768xf32, #tpu.memory_space<hbm>> -> memref<1x1024xf32, #tpu.memory_space<hbm>>
    %dma_start3A_128 = tpu.memref_squeeze %dma_start3A_127 : memref<1x1024xf32, #tpu.memory_space<hbm>> -> memref<1024xf32, #tpu.memory_space<hbm>>
    %dma_start3A_129 = arith.constant 0 : i32
    %dma_start3A_130 = tpu.memref_slice %arg10[%dma_start3A_123, %dma_start3A_129] : memref<20x1024xf32, #tpu.memory_space<vmem>> -> memref<1x1024xf32, #tpu.memory_space<vmem>>
    %dma_start3A_131 = tpu.memref_squeeze %dma_start3A_130 : memref<1x1024xf32, #tpu.memory_space<vmem>> -> memref<1024xf32, #tpu.memory_space<vmem>>
    %dma_start3A_132 = tpu.memref_slice %arg2[%dma_start3A_122, %mul3A_2] : memref<20x32768xf32, #tpu.memory_space<hbm>> -> memref<1x1024xf32, #tpu.memory_space<hbm>>
    %dma_start3A_133 = tpu.memref_squeeze %dma_start3A_132 : memref<1x1024xf32, #tpu.memory_space<hbm>> -> memref<1024xf32, #tpu.memory_space<hbm>>
    tpu.enqueue_dma source(%dma_start3A_133 : memref<1024xf32, #tpu.memory_space<hbm>>) target(%dma_start3A_131 : memref<1024xf32, #tpu.memory_space<vmem>>) target_semaphore(%arg12 : memref<!tpu.dma_semaphore, #tpu.memory_space<semaphore_mem>>)
    %dma_start3A_134 = arith.constant 11 : i32
    %dma_start3A_135 = arith.constant 11 : i32
    %dma_start3A_136 = arith.constant 0 : i32
    %dma_start3A_137 = tpu.memref_slice %arg10[%dma_start3A_135, %dma_start3A_136] : memref<20x1024xf32, #tpu.memory_space<vmem>> -> memref<1x1024xf32, #tpu.memory_space<vmem>>
    %dma_start3A_138 = tpu.memref_squeeze %dma_start3A_137 : memref<1x1024xf32, #tpu.memory_space<vmem>> -> memref<1024xf32, #tpu.memory_space<vmem>>
    %dma_start3A_139 = tpu.memref_slice %arg2[%dma_start3A_134, %mul3A_2] : memref<20x32768xf32, #tpu.memory_space<hbm>> -> memref<1x1024xf32, #tpu.memory_space<hbm>>
    %dma_start3A_140 = tpu.memref_squeeze %dma_start3A_139 : memref<1x1024xf32, #tpu.memory_space<hbm>> -> memref<1024xf32, #tpu.memory_space<hbm>>
    %dma_start3A_141 = arith.constant 0 : i32
    %dma_start3A_142 = tpu.memref_slice %arg10[%dma_start3A_135, %dma_start3A_141] : memref<20x1024xf32, #tpu.memory_space<vmem>> -> memref<1x1024xf32, #tpu.memory_space<vmem>>
    %dma_start3A_143 = tpu.memref_squeeze %dma_start3A_142 : memref<1x1024xf32, #tpu.memory_space<vmem>> -> memref<1024xf32, #tpu.memory_space<vmem>>
    %dma_start3A_144 = tpu.memref_slice %arg2[%dma_start3A_134, %mul3A_2] : memref<20x32768xf32, #tpu.memory_space<hbm>> -> memref<1x1024xf32, #tpu.memory_space<hbm>>
    %dma_start3A_145 = tpu.memref_squeeze %dma_start3A_144 : memref<1x1024xf32, #tpu.memory_space<hbm>> -> memref<1024xf32, #tpu.memory_space<hbm>>
    tpu.enqueue_dma source(%dma_start3A_145 : memref<1024xf32, #tpu.memory_space<hbm>>) target(%dma_start3A_143 : memref<1024xf32, #tpu.memory_space<vmem>>) target_semaphore(%arg12 : memref<!tpu.dma_semaphore, #tpu.memory_space<semaphore_mem>>)
    %dma_start3A_146 = arith.constant 12 : i32
    %dma_start3A_147 = arith.constant 12 : i32
    %dma_start3A_148 = arith.constant 0 : i32
    %dma_start3A_149 = tpu.memref_slice %arg10[%dma_start3A_147, %dma_start3A_148] : memref<20x1024xf32, #tpu.memory_space<vmem>> -> memref<1x1024xf32, #tpu.memory_space<vmem>>
    %dma_start3A_150 = tpu.memref_squeeze %dma_start3A_149 : memref<1x1024xf32, #tpu.memory_space<vmem>> -> memref<1024xf32, #tpu.memory_space<vmem>>
    %dma_start3A_151 = tpu.memref_slice %arg2[%dma_start3A_146, %mul3A_2] : memref<20x32768xf32, #tpu.memory_space<hbm>> -> memref<1x1024xf32, #tpu.memory_space<hbm>>
    %dma_start3A_152 = tpu.memref_squeeze %dma_start3A_151 : memref<1x1024xf32, #tpu.memory_space<hbm>> -> memref<1024xf32, #tpu.memory_space<hbm>>
    %dma_start3A_153 = arith.constant 0 : i32
    %dma_start3A_154 = tpu.memref_slice %arg10[%dma_start3A_147, %dma_start3A_153] : memref<20x1024xf32, #tpu.memory_space<vmem>> -> memref<1x1024xf32, #tpu.memory_space<vmem>>
    %dma_start3A_155 = tpu.memref_squeeze %dma_start3A_154 : memref<1x1024xf32, #tpu.memory_space<vmem>> -> memref<1024xf32, #tpu.memory_space<vmem>>
    %dma_start3A_156 = tpu.memref_slice %arg2[%dma_start3A_146, %mul3A_2] : memref<20x32768xf32, #tpu.memory_space<hbm>> -> memref<1x1024xf32, #tpu.memory_space<hbm>>
    %dma_start3A_157 = tpu.memref_squeeze %dma_start3A_156 : memref<1x1024xf32, #tpu.memory_space<hbm>> -> memref<1024xf32, #tpu.memory_space<hbm>>
    tpu.enqueue_dma source(%dma_start3A_157 : memref<1024xf32, #tpu.memory_space<hbm>>) target(%dma_start3A_155 : memref<1024xf32, #tpu.memory_space<vmem>>) target_semaphore(%arg12 : memref<!tpu.dma_semaphore, #tpu.memory_space<semaphore_mem>>)
    %dma_start3A_158 = arith.constant 13 : i32
    %dma_start3A_159 = arith.constant 13 : i32
    %dma_start3A_160 = arith.constant 0 : i32
    %dma_start3A_161 = tpu.memref_slice %arg10[%dma_start3A_159, %dma_start3A_160] : memref<20x1024xf32, #tpu.memory_space<vmem>> -> memref<1x1024xf32, #tpu.memory_space<vmem>>
    %dma_start3A_162 = tpu.memref_squeeze %dma_start3A_161 : memref<1x1024xf32, #tpu.memory_space<vmem>> -> memref<1024xf32, #tpu.memory_space<vmem>>
    %dma_start3A_163 = tpu.memref_slice %arg2[%dma_start3A_158, %mul3A_2] : memref<20x32768xf32, #tpu.memory_space<hbm>> -> memref<1x1024xf32, #tpu.memory_space<hbm>>
    %dma_start3A_164 = tpu.memref_squeeze %dma_start3A_163 : memref<1x1024xf32, #tpu.memory_space<hbm>> -> memref<1024xf32, #tpu.memory_space<hbm>>
    %dma_start3A_165 = arith.constant 0 : i32
    %dma_start3A_166 = tpu.memref_slice %arg10[%dma_start3A_159, %dma_start3A_165] : memref<20x1024xf32, #tpu.memory_space<vmem>> -> memref<1x1024xf32, #tpu.memory_space<vmem>>
    %dma_start3A_167 = tpu.memref_squeeze %dma_start3A_166 : memref<1x1024xf32, #tpu.memory_space<vmem>> -> memref<1024xf32, #tpu.memory_space<vmem>>
    %dma_start3A_168 = tpu.memref_slice %arg2[%dma_start3A_158, %mul3A_2] : memref<20x32768xf32, #tpu.memory_space<hbm>> -> memref<1x1024xf32, #tpu.memory_space<hbm>>
    %dma_start3A_169 = tpu.memref_squeeze %dma_start3A_168 : memref<1x1024xf32, #tpu.memory_space<hbm>> -> memref<1024xf32, #tpu.memory_space<hbm>>
    tpu.enqueue_dma source(%dma_start3A_169 : memref<1024xf32, #tpu.memory_space<hbm>>) target(%dma_start3A_167 : memref<1024xf32, #tpu.memory_space<vmem>>) target_semaphore(%arg12 : memref<!tpu.dma_semaphore, #tpu.memory_space<semaphore_mem>>)
    %dma_start3A_170 = arith.constant 14 : i32
    %dma_start3A_171 = arith.constant 14 : i32
    %dma_start3A_172 = arith.constant 0 : i32
    %dma_start3A_173 = tpu.memref_slice %arg10[%dma_start3A_171, %dma_start3A_172] : memref<20x1024xf32, #tpu.memory_space<vmem>> -> memref<1x1024xf32, #tpu.memory_space<vmem>>
    %dma_start3A_174 = tpu.memref_squeeze %dma_start3A_173 : memref<1x1024xf32, #tpu.memory_space<vmem>> -> memref<1024xf32, #tpu.memory_space<vmem>>
    %dma_start3A_175 = tpu.memref_slice %arg2[%dma_start3A_170, %mul3A_2] : memref<20x32768xf32, #tpu.memory_space<hbm>> -> memref<1x1024xf32, #tpu.memory_space<hbm>>
    %dma_start3A_176 = tpu.memref_squeeze %dma_start3A_175 : memref<1x1024xf32, #tpu.memory_space<hbm>> -> memref<1024xf32, #tpu.memory_space<hbm>>
    %dma_start3A_177 = arith.constant 0 : i32
    %dma_start3A_178 = tpu.memref_slice %arg10[%dma_start3A_171, %dma_start3A_177] : memref<20x1024xf32, #tpu.memory_space<vmem>> -> memref<1x1024xf32, #tpu.memory_space<vmem>>
    %dma_start3A_179 = tpu.memref_squeeze %dma_start3A_178 : memref<1x1024xf32, #tpu.memory_space<vmem>> -> memref<1024xf32, #tpu.memory_space<vmem>>
    %dma_start3A_180 = tpu.memref_slice %arg2[%dma_start3A_170, %mul3A_2] : memref<20x32768xf32, #tpu.memory_space<hbm>> -> memref<1x1024xf32, #tpu.memory_space<hbm>>
    %dma_start3A_181 = tpu.memref_squeeze %dma_start3A_180 : memref<1x1024xf32, #tpu.memory_space<hbm>> -> memref<1024xf32, #tpu.memory_space<hbm>>
    tpu.enqueue_dma source(%dma_start3A_181 : memref<1024xf32, #tpu.memory_space<hbm>>) target(%dma_start3A_179 : memref<1024xf32, #tpu.memory_space<vmem>>) target_semaphore(%arg12 : memref<!tpu.dma_semaphore, #tpu.memory_space<semaphore_mem>>)
    %dma_start3A_182 = arith.constant 15 : i32
    %dma_start3A_183 = arith.constant 15 : i32
    %dma_start3A_184 = arith.constant 0 : i32
    %dma_start3A_185 = tpu.memref_slice %arg10[%dma_start3A_183, %dma_start3A_184] : memref<20x1024xf32, #tpu.memory_space<vmem>> -> memref<1x1024xf32, #tpu.memory_space<vmem>>
    %dma_start3A_186 = tpu.memref_squeeze %dma_start3A_185 : memref<1x1024xf32, #tpu.memory_space<vmem>> -> memref<1024xf32, #tpu.memory_space<vmem>>
    %dma_start3A_187 = tpu.memref_slice %arg2[%dma_start3A_182, %mul3A_2] : memref<20x32768xf32, #tpu.memory_space<hbm>> -> memref<1x1024xf32, #tpu.memory_space<hbm>>
    %dma_start3A_188 = tpu.memref_squeeze %dma_start3A_187 : memref<1x1024xf32, #tpu.memory_space<hbm>> -> memref<1024xf32, #tpu.memory_space<hbm>>
    %dma_start3A_189 = arith.constant 0 : i32
    %dma_start3A_190 = tpu.memref_slice %arg10[%dma_start3A_183, %dma_start3A_189] : memref<20x1024xf32, #tpu.memory_space<vmem>> -> memref<1x1024xf32, #tpu.memory_space<vmem>>
    %dma_start3A_191 = tpu.memref_squeeze %dma_start3A_190 : memref<1x1024xf32, #tpu.memory_space<vmem>> -> memref<1024xf32, #tpu.memory_space<vmem>>
    %dma_start3A_192 = tpu.memref_slice %arg2[%dma_start3A_182, %mul3A_2] : memref<20x32768xf32, #tpu.memory_space<hbm>> -> memref<1x1024xf32, #tpu.memory_space<hbm>>
    %dma_start3A_193 = tpu.memref_squeeze %dma_start3A_192 : memref<1x1024xf32, #tpu.memory_space<hbm>> -> memref<1024xf32, #tpu.memory_space<hbm>>
    tpu.enqueue_dma source(%dma_start3A_193 : memref<1024xf32, #tpu.memory_space<hbm>>) target(%dma_start3A_191 : memref<1024xf32, #tpu.memory_space<vmem>>) target_semaphore(%arg12 : memref<!tpu.dma_semaphore, #tpu.memory_space<semaphore_mem>>)
    %dma_start3A_194 = arith.constant 16 : i32
    %dma_start3A_195 = arith.constant 16 : i32
    %dma_start3A_196 = arith.constant 0 : i32
    %dma_start3A_197 = tpu.memref_slice %arg10[%dma_start3A_195, %dma_start3A_196] : memref<20x1024xf32, #tpu.memory_space<vmem>> -> memref<1x1024xf32, #tpu.memory_space<vmem>>
    %dma_start3A_198 = tpu.memref_squeeze %dma_start3A_197 : memref<1x1024xf32, #tpu.memory_space<vmem>> -> memref<1024xf32, #tpu.memory_space<vmem>>
    %dma_start3A_199 = tpu.memref_slice %arg2[%dma_start3A_194, %mul3A_2] : memref<20x32768xf32, #tpu.memory_space<hbm>> -> memref<1x1024xf32, #tpu.memory_space<hbm>>
    %dma_start3A_200 = tpu.memref_squeeze %dma_start3A_199 : memref<1x1024xf32, #tpu.memory_space<hbm>> -> memref<1024xf32, #tpu.memory_space<hbm>>
    %dma_start3A_201 = arith.constant 0 : i32
    %dma_start3A_202 = tpu.memref_slice %arg10[%dma_start3A_195, %dma_start3A_201] : memref<20x1024xf32, #tpu.memory_space<vmem>> -> memref<1x1024xf32, #tpu.memory_space<vmem>>
    %dma_start3A_203 = tpu.memref_squeeze %dma_start3A_202 : memref<1x1024xf32, #tpu.memory_space<vmem>> -> memref<1024xf32, #tpu.memory_space<vmem>>
    %dma_start3A_204 = tpu.memref_slice %arg2[%dma_start3A_194, %mul3A_2] : memref<20x32768xf32, #tpu.memory_space<hbm>> -> memref<1x1024xf32, #tpu.memory_space<hbm>>
    %dma_start3A_205 = tpu.memref_squeeze %dma_start3A_204 : memref<1x1024xf32, #tpu.memory_space<hbm>> -> memref<1024xf32, #tpu.memory_space<hbm>>
    tpu.enqueue_dma source(%dma_start3A_205 : memref<1024xf32, #tpu.memory_space<hbm>>) target(%dma_start3A_203 : memref<1024xf32, #tpu.memory_space<vmem>>) target_semaphore(%arg12 : memref<!tpu.dma_semaphore, #tpu.memory_space<semaphore_mem>>)
    %dma_start3A_206 = arith.constant 17 : i32
    %dma_start3A_207 = arith.constant 17 : i32
    %dma_start3A_208 = arith.constant 0 : i32
    %dma_start3A_209 = tpu.memref_slice %arg10[%dma_start3A_207, %dma_start3A_208] : memref<20x1024xf32, #tpu.memory_space<vmem>> -> memref<1x1024xf32, #tpu.memory_space<vmem>>
    %dma_start3A_210 = tpu.memref_squeeze %dma_start3A_209 : memref<1x1024xf32, #tpu.memory_space<vmem>> -> memref<1024xf32, #tpu.memory_space<vmem>>
    %dma_start3A_211 = tpu.memref_slice %arg2[%dma_start3A_206, %mul3A_2] : memref<20x32768xf32, #tpu.memory_space<hbm>> -> memref<1x1024xf32, #tpu.memory_space<hbm>>
    %dma_start3A_212 = tpu.memref_squeeze %dma_start3A_211 : memref<1x1024xf32, #tpu.memory_space<hbm>> -> memref<1024xf32, #tpu.memory_space<hbm>>
    %dma_start3A_213 = arith.constant 0 : i32
    %dma_start3A_214 = tpu.memref_slice %arg10[%dma_start3A_207, %dma_start3A_213] : memref<20x1024xf32, #tpu.memory_space<vmem>> -> memref<1x1024xf32, #tpu.memory_space<vmem>>
    %dma_start3A_215 = tpu.memref_squeeze %dma_start3A_214 : memref<1x1024xf32, #tpu.memory_space<vmem>> -> memref<1024xf32, #tpu.memory_space<vmem>>
    %dma_start3A_216 = tpu.memref_slice %arg2[%dma_start3A_206, %mul3A_2] : memref<20x32768xf32, #tpu.memory_space<hbm>> -> memref<1x1024xf32, #tpu.memory_space<hbm>>
    %dma_start3A_217 = tpu.memref_squeeze %dma_start3A_216 : memref<1x1024xf32, #tpu.memory_space<hbm>> -> memref<1024xf32, #tpu.memory_space<hbm>>
    tpu.enqueue_dma source(%dma_start3A_217 : memref<1024xf32, #tpu.memory_space<hbm>>) target(%dma_start3A_215 : memref<1024xf32, #tpu.memory_space<vmem>>) target_semaphore(%arg12 : memref<!tpu.dma_semaphore, #tpu.memory_space<semaphore_mem>>)
    %dma_start3A_218 = arith.constant 18 : i32
    %dma_start3A_219 = arith.constant 18 : i32
    %dma_start3A_220 = arith.constant 0 : i32
    %dma_start3A_221 = tpu.memref_slice %arg10[%dma_start3A_219, %dma_start3A_220] : memref<20x1024xf32, #tpu.memory_space<vmem>> -> memref<1x1024xf32, #tpu.memory_space<vmem>>
    %dma_start3A_222 = tpu.memref_squeeze %dma_start3A_221 : memref<1x1024xf32, #tpu.memory_space<vmem>> -> memref<1024xf32, #tpu.memory_space<vmem>>
    %dma_start3A_223 = tpu.memref_slice %arg2[%dma_start3A_218, %mul3A_2] : memref<20x32768xf32, #tpu.memory_space<hbm>> -> memref<1x1024xf32, #tpu.memory_space<hbm>>
    %dma_start3A_224 = tpu.memref_squeeze %dma_start3A_223 : memref<1x1024xf32, #tpu.memory_space<hbm>> -> memref<1024xf32, #tpu.memory_space<hbm>>
    %dma_start3A_225 = arith.constant 0 : i32
    %dma_start3A_226 = tpu.memref_slice %arg10[%dma_start3A_219, %dma_start3A_225] : memref<20x1024xf32, #tpu.memory_space<vmem>> -> memref<1x1024xf32, #tpu.memory_space<vmem>>
    %dma_start3A_227 = tpu.memref_squeeze %dma_start3A_226 : memref<1x1024xf32, #tpu.memory_space<vmem>> -> memref<1024xf32, #tpu.memory_space<vmem>>
    %dma_start3A_228 = tpu.memref_slice %arg2[%dma_start3A_218, %mul3A_2] : memref<20x32768xf32, #tpu.memory_space<hbm>> -> memref<1x1024xf32, #tpu.memory_space<hbm>>
    %dma_start3A_229 = tpu.memref_squeeze %dma_start3A_228 : memref<1x1024xf32, #tpu.memory_space<hbm>> -> memref<1024xf32, #tpu.memory_space<hbm>>
    tpu.enqueue_dma source(%dma_start3A_229 : memref<1024xf32, #tpu.memory_space<hbm>>) target(%dma_start3A_227 : memref<1024xf32, #tpu.memory_space<vmem>>) target_semaphore(%arg12 : memref<!tpu.dma_semaphore, #tpu.memory_space<semaphore_mem>>)
    %dma_start3A_230 = arith.constant 19 : i32
    %dma_start3A_231 = arith.constant 19 : i32
    %dma_start3A_232 = arith.constant 0 : i32
    %dma_start3A_233 = tpu.memref_slice %arg10[%dma_start3A_231, %dma_start3A_232] : memref<20x1024xf32, #tpu.memory_space<vmem>> -> memref<1x1024xf32, #tpu.memory_space<vmem>>
    %dma_start3A_234 = tpu.memref_squeeze %dma_start3A_233 : memref<1x1024xf32, #tpu.memory_space<vmem>> -> memref<1024xf32, #tpu.memory_space<vmem>>
    %dma_start3A_235 = tpu.memref_slice %arg2[%dma_start3A_230, %mul3A_2] : memref<20x32768xf32, #tpu.memory_space<hbm>> -> memref<1x1024xf32, #tpu.memory_space<hbm>>
    %dma_start3A_236 = tpu.memref_squeeze %dma_start3A_235 : memref<1x1024xf32, #tpu.memory_space<hbm>> -> memref<1024xf32, #tpu.memory_space<hbm>>
    %dma_start3A_237 = arith.constant 0 : i32
    %dma_start3A_238 = tpu.memref_slice %arg10[%dma_start3A_231, %dma_start3A_237] : memref<20x1024xf32, #tpu.memory_space<vmem>> -> memref<1x1024xf32, #tpu.memory_space<vmem>>
    %dma_start3A_239 = tpu.memref_squeeze %dma_start3A_238 : memref<1x1024xf32, #tpu.memory_space<vmem>> -> memref<1024xf32, #tpu.memory_space<vmem>>
    %dma_start3A_240 = tpu.memref_slice %arg2[%dma_start3A_230, %mul3A_2] : memref<20x32768xf32, #tpu.memory_space<hbm>> -> memref<1x1024xf32, #tpu.memory_space<hbm>>
    %dma_start3A_241 = tpu.memref_squeeze %dma_start3A_240 : memref<1x1024xf32, #tpu.memory_space<hbm>> -> memref<1024xf32, #tpu.memory_space<hbm>>
    tpu.enqueue_dma source(%dma_start3A_241 : memref<1024xf32, #tpu.memory_space<hbm>>) target(%dma_start3A_239 : memref<1024xf32, #tpu.memory_space<vmem>>) target_semaphore(%arg12 : memref<!tpu.dma_semaphore, #tpu.memory_space<semaphore_mem>>)
    %dma_wait3A = arith.constant 0 : i32
    %dma_wait3A_242 = arith.constant 0 : i32
    %dma_wait3A_243 = arith.constant 0 : i32
    %dma_wait3A_244 = tpu.memref_slice %arg10[%dma_wait3A_242, %dma_wait3A_243] : memref<20x1024xf32, #tpu.memory_space<vmem>> -> memref<1x1024xf32, #tpu.memory_space<vmem>>
    %dma_wait3A_245 = tpu.memref_squeeze %dma_wait3A_244 : memref<1x1024xf32, #tpu.memory_space<vmem>> -> memref<1024xf32, #tpu.memory_space<vmem>>
    %dma_wait3A_246 = tpu.memref_slice %arg2[%dma_wait3A, %mul3A_2] : memref<20x32768xf32, #tpu.memory_space<hbm>> -> memref<1x1024xf32, #tpu.memory_space<hbm>>
    %dma_wait3A_247 = tpu.memref_squeeze %dma_wait3A_246 : memref<1x1024xf32, #tpu.memory_space<hbm>> -> memref<1024xf32, #tpu.memory_space<hbm>>
    %dma_wait3A_248 = arith.constant 0 : i32
    %dma_wait3A_249 = tpu.memref_slice %arg10[%dma_wait3A_242, %dma_wait3A_248] : memref<20x1024xf32, #tpu.memory_space<vmem>> -> memref<1x1024xf32, #tpu.memory_space<vmem>>
    %dma_wait3A_250 = tpu.memref_squeeze %dma_wait3A_249 : memref<1x1024xf32, #tpu.memory_space<vmem>> -> memref<1024xf32, #tpu.memory_space<vmem>>
    %dma_wait3A_251 = tpu.memref_slice %arg2[%dma_wait3A, %mul3A_2] : memref<20x32768xf32, #tpu.memory_space<hbm>> -> memref<1x1024xf32, #tpu.memory_space<hbm>>
    %dma_wait3A_252 = tpu.memref_squeeze %dma_wait3A_251 : memref<1x1024xf32, #tpu.memory_space<hbm>> -> memref<1024xf32, #tpu.memory_space<hbm>>
    tpu.wait_dma2 semaphore(%arg12 : memref<!tpu.dma_semaphore, #tpu.memory_space<semaphore_mem>>) src(%dma_wait3A_252 : memref<1024xf32, #tpu.memory_space<hbm>>) dst(%dma_wait3A_250 : memref<1024xf32, #tpu.memory_space<vmem>>)
    %dma_wait3A_253 = arith.constant 1 : i32
    %dma_wait3A_254 = arith.constant 1 : i32
    %dma_wait3A_255 = arith.constant 0 : i32
    %dma_wait3A_256 = tpu.memref_slice %arg10[%dma_wait3A_254, %dma_wait3A_255] : memref<20x1024xf32, #tpu.memory_space<vmem>> -> memref<1x1024xf32, #tpu.memory_space<vmem>>
    %dma_wait3A_257 = tpu.memref_squeeze %dma_wait3A_256 : memref<1x1024xf32, #tpu.memory_space<vmem>> -> memref<1024xf32, #tpu.memory_space<vmem>>
    %dma_wait3A_258 = tpu.memref_slice %arg2[%dma_wait3A_253, %mul3A_2] : memref<20x32768xf32, #tpu.memory_space<hbm>> -> memref<1x1024xf32, #tpu.memory_space<hbm>>
    %dma_wait3A_259 = tpu.memref_squeeze %dma_wait3A_258 : memref<1x1024xf32, #tpu.memory_space<hbm>> -> memref<1024xf32, #tpu.memory_space<hbm>>
    %dma_wait3A_260 = arith.constant 0 : i32
    %dma_wait3A_261 = tpu.memref_slice %arg10[%dma_wait3A_254, %dma_wait3A_260] : memref<20x1024xf32, #tpu.memory_space<vmem>> -> memref<1x1024xf32, #tpu.memory_space<vmem>>
    %dma_wait3A_262 = tpu.memref_squeeze %dma_wait3A_261 : memref<1x1024xf32, #tpu.memory_space<vmem>> -> memref<1024xf32, #tpu.memory_space<vmem>>
    %dma_wait3A_263 = tpu.memref_slice %arg2[%dma_wait3A_253, %mul3A_2] : memref<20x32768xf32, #tpu.memory_space<hbm>> -> memref<1x1024xf32, #tpu.memory_space<hbm>>
    %dma_wait3A_264 = tpu.memref_squeeze %dma_wait3A_263 : memref<1x1024xf32, #tpu.memory_space<hbm>> -> memref<1024xf32, #tpu.memory_space<hbm>>
    tpu.wait_dma2 semaphore(%arg12 : memref<!tpu.dma_semaphore, #tpu.memory_space<semaphore_mem>>) src(%dma_wait3A_264 : memref<1024xf32, #tpu.memory_space<hbm>>) dst(%dma_wait3A_262 : memref<1024xf32, #tpu.memory_space<vmem>>)
    %dma_wait3A_265 = arith.constant 2 : i32
    %dma_wait3A_266 = arith.constant 2 : i32
    %dma_wait3A_267 = arith.constant 0 : i32
    %dma_wait3A_268 = tpu.memref_slice %arg10[%dma_wait3A_266, %dma_wait3A_267] : memref<20x1024xf32, #tpu.memory_space<vmem>> -> memref<1x1024xf32, #tpu.memory_space<vmem>>
    %dma_wait3A_269 = tpu.memref_squeeze %dma_wait3A_268 : memref<1x1024xf32, #tpu.memory_space<vmem>> -> memref<1024xf32, #tpu.memory_space<vmem>>
    %dma_wait3A_270 = tpu.memref_slice %arg2[%dma_wait3A_265, %mul3A_2] : memref<20x32768xf32, #tpu.memory_space<hbm>> -> memref<1x1024xf32, #tpu.memory_space<hbm>>
    %dma_wait3A_271 = tpu.memref_squeeze %dma_wait3A_270 : memref<1x1024xf32, #tpu.memory_space<hbm>> -> memref<1024xf32, #tpu.memory_space<hbm>>
    %dma_wait3A_272 = arith.constant 0 : i32
    %dma_wait3A_273 = tpu.memref_slice %arg10[%dma_wait3A_266, %dma_wait3A_272] : memref<20x1024xf32, #tpu.memory_space<vmem>> -> memref<1x1024xf32, #tpu.memory_space<vmem>>
    %dma_wait3A_274 = tpu.memref_squeeze %dma_wait3A_273 : memref<1x1024xf32, #tpu.memory_space<vmem>> -> memref<1024xf32, #tpu.memory_space<vmem>>
    %dma_wait3A_275 = tpu.memref_slice %arg2[%dma_wait3A_265, %mul3A_2] : memref<20x32768xf32, #tpu.memory_space<hbm>> -> memref<1x1024xf32, #tpu.memory_space<hbm>>
    %dma_wait3A_276 = tpu.memref_squeeze %dma_wait3A_275 : memref<1x1024xf32, #tpu.memory_space<hbm>> -> memref<1024xf32, #tpu.memory_space<hbm>>
    tpu.wait_dma2 semaphore(%arg12 : memref<!tpu.dma_semaphore, #tpu.memory_space<semaphore_mem>>) src(%dma_wait3A_276 : memref<1024xf32, #tpu.memory_space<hbm>>) dst(%dma_wait3A_274 : memref<1024xf32, #tpu.memory_space<vmem>>)
    %dma_wait3A_277 = arith.constant 3 : i32
    %dma_wait3A_278 = arith.constant 3 : i32
    %dma_wait3A_279 = arith.constant 0 : i32
    %dma_wait3A_280 = tpu.memref_slice %arg10[%dma_wait3A_278, %dma_wait3A_279] : memref<20x1024xf32, #tpu.memory_space<vmem>> -> memref<1x1024xf32, #tpu.memory_space<vmem>>
    %dma_wait3A_281 = tpu.memref_squeeze %dma_wait3A_280 : memref<1x1024xf32, #tpu.memory_space<vmem>> -> memref<1024xf32, #tpu.memory_space<vmem>>
    %dma_wait3A_282 = tpu.memref_slice %arg2[%dma_wait3A_277, %mul3A_2] : memref<20x32768xf32, #tpu.memory_space<hbm>> -> memref<1x1024xf32, #tpu.memory_space<hbm>>
    %dma_wait3A_283 = tpu.memref_squeeze %dma_wait3A_282 : memref<1x1024xf32, #tpu.memory_space<hbm>> -> memref<1024xf32, #tpu.memory_space<hbm>>
    %dma_wait3A_284 = arith.constant 0 : i32
    %dma_wait3A_285 = tpu.memref_slice %arg10[%dma_wait3A_278, %dma_wait3A_284] : memref<20x1024xf32, #tpu.memory_space<vmem>> -> memref<1x1024xf32, #tpu.memory_space<vmem>>
    %dma_wait3A_286 = tpu.memref_squeeze %dma_wait3A_285 : memref<1x1024xf32, #tpu.memory_space<vmem>> -> memref<1024xf32, #tpu.memory_space<vmem>>
    %dma_wait3A_287 = tpu.memref_slice %arg2[%dma_wait3A_277, %mul3A_2] : memref<20x32768xf32, #tpu.memory_space<hbm>> -> memref<1x1024xf32, #tpu.memory_space<hbm>>
    %dma_wait3A_288 = tpu.memref_squeeze %dma_wait3A_287 : memref<1x1024xf32, #tpu.memory_space<hbm>> -> memref<1024xf32, #tpu.memory_space<hbm>>
    tpu.wait_dma2 semaphore(%arg12 : memref<!tpu.dma_semaphore, #tpu.memory_space<semaphore_mem>>) src(%dma_wait3A_288 : memref<1024xf32, #tpu.memory_space<hbm>>) dst(%dma_wait3A_286 : memref<1024xf32, #tpu.memory_space<vmem>>)
    %dma_wait3A_289 = arith.constant 4 : i32
    %dma_wait3A_290 = arith.constant 4 : i32
    %dma_wait3A_291 = arith.constant 0 : i32
    %dma_wait3A_292 = tpu.memref_slice %arg10[%dma_wait3A_290, %dma_wait3A_291] : memref<20x1024xf32, #tpu.memory_space<vmem>> -> memref<1x1024xf32, #tpu.memory_space<vmem>>
    %dma_wait3A_293 = tpu.memref_squeeze %dma_wait3A_292 : memref<1x1024xf32, #tpu.memory_space<vmem>> -> memref<1024xf32, #tpu.memory_space<vmem>>
    %dma_wait3A_294 = tpu.memref_slice %arg2[%dma_wait3A_289, %mul3A_2] : memref<20x32768xf32, #tpu.memory_space<hbm>> -> memref<1x1024xf32, #tpu.memory_space<hbm>>
    %dma_wait3A_295 = tpu.memref_squeeze %dma_wait3A_294 : memref<1x1024xf32, #tpu.memory_space<hbm>> -> memref<1024xf32, #tpu.memory_space<hbm>>
    %dma_wait3A_296 = arith.constant 0 : i32
    %dma_wait3A_297 = tpu.memref_slice %arg10[%dma_wait3A_290, %dma_wait3A_296] : memref<20x1024xf32, #tpu.memory_space<vmem>> -> memref<1x1024xf32, #tpu.memory_space<vmem>>
    %dma_wait3A_298 = tpu.memref_squeeze %dma_wait3A_297 : memref<1x1024xf32, #tpu.memory_space<vmem>> -> memref<1024xf32, #tpu.memory_space<vmem>>
    %dma_wait3A_299 = tpu.memref_slice %arg2[%dma_wait3A_289, %mul3A_2] : memref<20x32768xf32, #tpu.memory_space<hbm>> -> memref<1x1024xf32, #tpu.memory_space<hbm>>
    %dma_wait3A_300 = tpu.memref_squeeze %dma_wait3A_299 : memref<1x1024xf32, #tpu.memory_space<hbm>> -> memref<1024xf32, #tpu.memory_space<hbm>>
    tpu.wait_dma2 semaphore(%arg12 : memref<!tpu.dma_semaphore, #tpu.memory_space<semaphore_mem>>) src(%dma_wait3A_300 : memref<1024xf32, #tpu.memory_space<hbm>>) dst(%dma_wait3A_298 : memref<1024xf32, #tpu.memory_space<vmem>>)
    %dma_wait3A_301 = arith.constant 5 : i32
    %dma_wait3A_302 = arith.constant 5 : i32
    %dma_wait3A_303 = arith.constant 0 : i32
    %dma_wait3A_304 = tpu.memref_slice %arg10[%dma_wait3A_302, %dma_wait3A_303] : memref<20x1024xf32, #tpu.memory_space<vmem>> -> memref<1x1024xf32, #tpu.memory_space<vmem>>
    %dma_wait3A_305 = tpu.memref_squeeze %dma_wait3A_304 : memref<1x1024xf32, #tpu.memory_space<vmem>> -> memref<1024xf32, #tpu.memory_space<vmem>>
    %dma_wait3A_306 = tpu.memref_slice %arg2[%dma_wait3A_301, %mul3A_2] : memref<20x32768xf32, #tpu.memory_space<hbm>> -> memref<1x1024xf32, #tpu.memory_space<hbm>>
    %dma_wait3A_307 = tpu.memref_squeeze %dma_wait3A_306 : memref<1x1024xf32, #tpu.memory_space<hbm>> -> memref<1024xf32, #tpu.memory_space<hbm>>
    %dma_wait3A_308 = arith.constant 0 : i32
    %dma_wait3A_309 = tpu.memref_slice %arg10[%dma_wait3A_302, %dma_wait3A_308] : memref<20x1024xf32, #tpu.memory_space<vmem>> -> memref<1x1024xf32, #tpu.memory_space<vmem>>
    %dma_wait3A_310 = tpu.memref_squeeze %dma_wait3A_309 : memref<1x1024xf32, #tpu.memory_space<vmem>> -> memref<1024xf32, #tpu.memory_space<vmem>>
    %dma_wait3A_311 = tpu.memref_slice %arg2[%dma_wait3A_301, %mul3A_2] : memref<20x32768xf32, #tpu.memory_space<hbm>> -> memref<1x1024xf32, #tpu.memory_space<hbm>>
    %dma_wait3A_312 = tpu.memref_squeeze %dma_wait3A_311 : memref<1x1024xf32, #tpu.memory_space<hbm>> -> memref<1024xf32, #tpu.memory_space<hbm>>
    tpu.wait_dma2 semaphore(%arg12 : memref<!tpu.dma_semaphore, #tpu.memory_space<semaphore_mem>>) src(%dma_wait3A_312 : memref<1024xf32, #tpu.memory_space<hbm>>) dst(%dma_wait3A_310 : memref<1024xf32, #tpu.memory_space<vmem>>)
    %dma_wait3A_313 = arith.constant 6 : i32
    %dma_wait3A_314 = arith.constant 6 : i32
    %dma_wait3A_315 = arith.constant 0 : i32
    %dma_wait3A_316 = tpu.memref_slice %arg10[%dma_wait3A_314, %dma_wait3A_315] : memref<20x1024xf32, #tpu.memory_space<vmem>> -> memref<1x1024xf32, #tpu.memory_space<vmem>>
    %dma_wait3A_317 = tpu.memref_squeeze %dma_wait3A_316 : memref<1x1024xf32, #tpu.memory_space<vmem>> -> memref<1024xf32, #tpu.memory_space<vmem>>
    %dma_wait3A_318 = tpu.memref_slice %arg2[%dma_wait3A_313, %mul3A_2] : memref<20x32768xf32, #tpu.memory_space<hbm>> -> memref<1x1024xf32, #tpu.memory_space<hbm>>
    %dma_wait3A_319 = tpu.memref_squeeze %dma_wait3A_318 : memref<1x1024xf32, #tpu.memory_space<hbm>> -> memref<1024xf32, #tpu.memory_space<hbm>>
    %dma_wait3A_320 = arith.constant 0 : i32
    %dma_wait3A_321 = tpu.memref_slice %arg10[%dma_wait3A_314, %dma_wait3A_320] : memref<20x1024xf32, #tpu.memory_space<vmem>> -> memref<1x1024xf32, #tpu.memory_space<vmem>>
    %dma_wait3A_322 = tpu.memref_squeeze %dma_wait3A_321 : memref<1x1024xf32, #tpu.memory_space<vmem>> -> memref<1024xf32, #tpu.memory_space<vmem>>
    %dma_wait3A_323 = tpu.memref_slice %arg2[%dma_wait3A_313, %mul3A_2] : memref<20x32768xf32, #tpu.memory_space<hbm>> -> memref<1x1024xf32, #tpu.memory_space<hbm>>
    %dma_wait3A_324 = tpu.memref_squeeze %dma_wait3A_323 : memref<1x1024xf32, #tpu.memory_space<hbm>> -> memref<1024xf32, #tpu.memory_space<hbm>>
    tpu.wait_dma2 semaphore(%arg12 : memref<!tpu.dma_semaphore, #tpu.memory_space<semaphore_mem>>) src(%dma_wait3A_324 : memref<1024xf32, #tpu.memory_space<hbm>>) dst(%dma_wait3A_322 : memref<1024xf32, #tpu.memory_space<vmem>>)
    %dma_wait3A_325 = arith.constant 7 : i32
    %dma_wait3A_326 = arith.constant 7 : i32
    %dma_wait3A_327 = arith.constant 0 : i32
    %dma_wait3A_328 = tpu.memref_slice %arg10[%dma_wait3A_326, %dma_wait3A_327] : memref<20x1024xf32, #tpu.memory_space<vmem>> -> memref<1x1024xf32, #tpu.memory_space<vmem>>
    %dma_wait3A_329 = tpu.memref_squeeze %dma_wait3A_328 : memref<1x1024xf32, #tpu.memory_space<vmem>> -> memref<1024xf32, #tpu.memory_space<vmem>>
    %dma_wait3A_330 = tpu.memref_slice %arg2[%dma_wait3A_325, %mul3A_2] : memref<20x32768xf32, #tpu.memory_space<hbm>> -> memref<1x1024xf32, #tpu.memory_space<hbm>>
    %dma_wait3A_331 = tpu.memref_squeeze %dma_wait3A_330 : memref<1x1024xf32, #tpu.memory_space<hbm>> -> memref<1024xf32, #tpu.memory_space<hbm>>
    %dma_wait3A_332 = arith.constant 0 : i32
    %dma_wait3A_333 = tpu.memref_slice %arg10[%dma_wait3A_326, %dma_wait3A_332] : memref<20x1024xf32, #tpu.memory_space<vmem>> -> memref<1x1024xf32, #tpu.memory_space<vmem>>
    %dma_wait3A_334 = tpu.memref_squeeze %dma_wait3A_333 : memref<1x1024xf32, #tpu.memory_space<vmem>> -> memref<1024xf32, #tpu.memory_space<vmem>>
    %dma_wait3A_335 = tpu.memref_slice %arg2[%dma_wait3A_325, %mul3A_2] : memref<20x32768xf32, #tpu.memory_space<hbm>> -> memref<1x1024xf32, #tpu.memory_space<hbm>>
    %dma_wait3A_336 = tpu.memref_squeeze %dma_wait3A_335 : memref<1x1024xf32, #tpu.memory_space<hbm>> -> memref<1024xf32, #tpu.memory_space<hbm>>
    tpu.wait_dma2 semaphore(%arg12 : memref<!tpu.dma_semaphore, #tpu.memory_space<semaphore_mem>>) src(%dma_wait3A_336 : memref<1024xf32, #tpu.memory_space<hbm>>) dst(%dma_wait3A_334 : memref<1024xf32, #tpu.memory_space<vmem>>)
    %dma_wait3A_337 = arith.constant 8 : i32
    %dma_wait3A_338 = arith.constant 8 : i32
    %dma_wait3A_339 = arith.constant 0 : i32
    %dma_wait3A_340 = tpu.memref_slice %arg10[%dma_wait3A_338, %dma_wait3A_339] : memref<20x1024xf32, #tpu.memory_space<vmem>> -> memref<1x1024xf32, #tpu.memory_space<vmem>>
    %dma_wait3A_341 = tpu.memref_squeeze %dma_wait3A_340 : memref<1x1024xf32, #tpu.memory_space<vmem>> -> memref<1024xf32, #tpu.memory_space<vmem>>
    %dma_wait3A_342 = tpu.memref_slice %arg2[%dma_wait3A_337, %mul3A_2] : memref<20x32768xf32, #tpu.memory_space<hbm>> -> memref<1x1024xf32, #tpu.memory_space<hbm>>
    %dma_wait3A_343 = tpu.memref_squeeze %dma_wait3A_342 : memref<1x1024xf32, #tpu.memory_space<hbm>> -> memref<1024xf32, #tpu.memory_space<hbm>>
    %dma_wait3A_344 = arith.constant 0 : i32
    %dma_wait3A_345 = tpu.memref_slice %arg10[%dma_wait3A_338, %dma_wait3A_344] : memref<20x1024xf32, #tpu.memory_space<vmem>> -> memref<1x1024xf32, #tpu.memory_space<vmem>>
    %dma_wait3A_346 = tpu.memref_squeeze %dma_wait3A_345 : memref<1x1024xf32, #tpu.memory_space<vmem>> -> memref<1024xf32, #tpu.memory_space<vmem>>
    %dma_wait3A_347 = tpu.memref_slice %arg2[%dma_wait3A_337, %mul3A_2] : memref<20x32768xf32, #tpu.memory_space<hbm>> -> memref<1x1024xf32, #tpu.memory_space<hbm>>
    %dma_wait3A_348 = tpu.memref_squeeze %dma_wait3A_347 : memref<1x1024xf32, #tpu.memory_space<hbm>> -> memref<1024xf32, #tpu.memory_space<hbm>>
    tpu.wait_dma2 semaphore(%arg12 : memref<!tpu.dma_semaphore, #tpu.memory_space<semaphore_mem>>) src(%dma_wait3A_348 : memref<1024xf32, #tpu.memory_space<hbm>>) dst(%dma_wait3A_346 : memref<1024xf32, #tpu.memory_space<vmem>>)
    %dma_wait3A_349 = arith.constant 9 : i32
    %dma_wait3A_350 = arith.constant 9 : i32
    %dma_wait3A_351 = arith.constant 0 : i32
    %dma_wait3A_352 = tpu.memref_slice %arg10[%dma_wait3A_350, %dma_wait3A_351] : memref<20x1024xf32, #tpu.memory_space<vmem>> -> memref<1x1024xf32, #tpu.memory_space<vmem>>
    %dma_wait3A_353 = tpu.memref_squeeze %dma_wait3A_352 : memref<1x1024xf32, #tpu.memory_space<vmem>> -> memref<1024xf32, #tpu.memory_space<vmem>>
    %dma_wait3A_354 = tpu.memref_slice %arg2[%dma_wait3A_349, %mul3A_2] : memref<20x32768xf32, #tpu.memory_space<hbm>> -> memref<1x1024xf32, #tpu.memory_space<hbm>>
    %dma_wait3A_355 = tpu.memref_squeeze %dma_wait3A_354 : memref<1x1024xf32, #tpu.memory_space<hbm>> -> memref<1024xf32, #tpu.memory_space<hbm>>
    %dma_wait3A_356 = arith.constant 0 : i32
    %dma_wait3A_357 = tpu.memref_slice %arg10[%dma_wait3A_350, %dma_wait3A_356] : memref<20x1024xf32, #tpu.memory_space<vmem>> -> memref<1x1024xf32, #tpu.memory_space<vmem>>
    %dma_wait3A_358 = tpu.memref_squeeze %dma_wait3A_357 : memref<1x1024xf32, #tpu.memory_space<vmem>> -> memref<1024xf32, #tpu.memory_space<vmem>>
    %dma_wait3A_359 = tpu.memref_slice %arg2[%dma_wait3A_349, %mul3A_2] : memref<20x32768xf32, #tpu.memory_space<hbm>> -> memref<1x1024xf32, #tpu.memory_space<hbm>>
    %dma_wait3A_360 = tpu.memref_squeeze %dma_wait3A_359 : memref<1x1024xf32, #tpu.memory_space<hbm>> -> memref<1024xf32, #tpu.memory_space<hbm>>
    tpu.wait_dma2 semaphore(%arg12 : memref<!tpu.dma_semaphore, #tpu.memory_space<semaphore_mem>>) src(%dma_wait3A_360 : memref<1024xf32, #tpu.memory_space<hbm>>) dst(%dma_wait3A_358 : memref<1024xf32, #tpu.memory_space<vmem>>)
    %dma_wait3A_361 = arith.constant 10 : i32
    %dma_wait3A_362 = arith.constant 10 : i32
    %dma_wait3A_363 = arith.constant 0 : i32
    %dma_wait3A_364 = tpu.memref_slice %arg10[%dma_wait3A_362, %dma_wait3A_363] : memref<20x1024xf32, #tpu.memory_space<vmem>> -> memref<1x1024xf32, #tpu.memory_space<vmem>>
    %dma_wait3A_365 = tpu.memref_squeeze %dma_wait3A_364 : memref<1x1024xf32, #tpu.memory_space<vmem>> -> memref<1024xf32, #tpu.memory_space<vmem>>
    %dma_wait3A_366 = tpu.memref_slice %arg2[%dma_wait3A_361, %mul3A_2] : memref<20x32768xf32, #tpu.memory_space<hbm>> -> memref<1x1024xf32, #tpu.memory_space<hbm>>
    %dma_wait3A_367 = tpu.memref_squeeze %dma_wait3A_366 : memref<1x1024xf32, #tpu.memory_space<hbm>> -> memref<1024xf32, #tpu.memory_space<hbm>>
    %dma_wait3A_368 = arith.constant 0 : i32
    %dma_wait3A_369 = tpu.memref_slice %arg10[%dma_wait3A_362, %dma_wait3A_368] : memref<20x1024xf32, #tpu.memory_space<vmem>> -> memref<1x1024xf32, #tpu.memory_space<vmem>>
    %dma_wait3A_370 = tpu.memref_squeeze %dma_wait3A_369 : memref<1x1024xf32, #tpu.memory_space<vmem>> -> memref<1024xf32, #tpu.memory_space<vmem>>
    %dma_wait3A_371 = tpu.memref_slice %arg2[%dma_wait3A_361, %mul3A_2] : memref<20x32768xf32, #tpu.memory_space<hbm>> -> memref<1x1024xf32, #tpu.memory_space<hbm>>
    %dma_wait3A_372 = tpu.memref_squeeze %dma_wait3A_371 : memref<1x1024xf32, #tpu.memory_space<hbm>> -> memref<1024xf32, #tpu.memory_space<hbm>>
    tpu.wait_dma2 semaphore(%arg12 : memref<!tpu.dma_semaphore, #tpu.memory_space<semaphore_mem>>) src(%dma_wait3A_372 : memref<1024xf32, #tpu.memory_space<hbm>>) dst(%dma_wait3A_370 : memref<1024xf32, #tpu.memory_space<vmem>>)
    %dma_wait3A_373 = arith.constant 11 : i32
    %dma_wait3A_374 = arith.constant 11 : i32
    %dma_wait3A_375 = arith.constant 0 : i32
    %dma_wait3A_376 = tpu.memref_slice %arg10[%dma_wait3A_374, %dma_wait3A_375] : memref<20x1024xf32, #tpu.memory_space<vmem>> -> memref<1x1024xf32, #tpu.memory_space<vmem>>
    %dma_wait3A_377 = tpu.memref_squeeze %dma_wait3A_376 : memref<1x1024xf32, #tpu.memory_space<vmem>> -> memref<1024xf32, #tpu.memory_space<vmem>>
    %dma_wait3A_378 = tpu.memref_slice %arg2[%dma_wait3A_373, %mul3A_2] : memref<20x32768xf32, #tpu.memory_space<hbm>> -> memref<1x1024xf32, #tpu.memory_space<hbm>>
    %dma_wait3A_379 = tpu.memref_squeeze %dma_wait3A_378 : memref<1x1024xf32, #tpu.memory_space<hbm>> -> memref<1024xf32, #tpu.memory_space<hbm>>
    %dma_wait3A_380 = arith.constant 0 : i32
    %dma_wait3A_381 = tpu.memref_slice %arg10[%dma_wait3A_374, %dma_wait3A_380] : memref<20x1024xf32, #tpu.memory_space<vmem>> -> memref<1x1024xf32, #tpu.memory_space<vmem>>
    %dma_wait3A_382 = tpu.memref_squeeze %dma_wait3A_381 : memref<1x1024xf32, #tpu.memory_space<vmem>> -> memref<1024xf32, #tpu.memory_space<vmem>>
    %dma_wait3A_383 = tpu.memref_slice %arg2[%dma_wait3A_373, %mul3A_2] : memref<20x32768xf32, #tpu.memory_space<hbm>> -> memref<1x1024xf32, #tpu.memory_space<hbm>>
    %dma_wait3A_384 = tpu.memref_squeeze %dma_wait3A_383 : memref<1x1024xf32, #tpu.memory_space<hbm>> -> memref<1024xf32, #tpu.memory_space<hbm>>
    tpu.wait_dma2 semaphore(%arg12 : memref<!tpu.dma_semaphore, #tpu.memory_space<semaphore_mem>>) src(%dma_wait3A_384 : memref<1024xf32, #tpu.memory_space<hbm>>) dst(%dma_wait3A_382 : memref<1024xf32, #tpu.memory_space<vmem>>)
    %dma_wait3A_385 = arith.constant 12 : i32
    %dma_wait3A_386 = arith.constant 12 : i32
    %dma_wait3A_387 = arith.constant 0 : i32
    %dma_wait3A_388 = tpu.memref_slice %arg10[%dma_wait3A_386, %dma_wait3A_387] : memref<20x1024xf32, #tpu.memory_space<vmem>> -> memref<1x1024xf32, #tpu.memory_space<vmem>>
    %dma_wait3A_389 = tpu.memref_squeeze %dma_wait3A_388 : memref<1x1024xf32, #tpu.memory_space<vmem>> -> memref<1024xf32, #tpu.memory_space<vmem>>
    %dma_wait3A_390 = tpu.memref_slice %arg2[%dma_wait3A_385, %mul3A_2] : memref<20x32768xf32, #tpu.memory_space<hbm>> -> memref<1x1024xf32, #tpu.memory_space<hbm>>
    %dma_wait3A_391 = tpu.memref_squeeze %dma_wait3A_390 : memref<1x1024xf32, #tpu.memory_space<hbm>> -> memref<1024xf32, #tpu.memory_space<hbm>>
    %dma_wait3A_392 = arith.constant 0 : i32
    %dma_wait3A_393 = tpu.memref_slice %arg10[%dma_wait3A_386, %dma_wait3A_392] : memref<20x1024xf32, #tpu.memory_space<vmem>> -> memref<1x1024xf32, #tpu.memory_space<vmem>>
    %dma_wait3A_394 = tpu.memref_squeeze %dma_wait3A_393 : memref<1x1024xf32, #tpu.memory_space<vmem>> -> memref<1024xf32, #tpu.memory_space<vmem>>
    %dma_wait3A_395 = tpu.memref_slice %arg2[%dma_wait3A_385, %mul3A_2] : memref<20x32768xf32, #tpu.memory_space<hbm>> -> memref<1x1024xf32, #tpu.memory_space<hbm>>
    %dma_wait3A_396 = tpu.memref_squeeze %dma_wait3A_395 : memref<1x1024xf32, #tpu.memory_space<hbm>> -> memref<1024xf32, #tpu.memory_space<hbm>>
    tpu.wait_dma2 semaphore(%arg12 : memref<!tpu.dma_semaphore, #tpu.memory_space<semaphore_mem>>) src(%dma_wait3A_396 : memref<1024xf32, #tpu.memory_space<hbm>>) dst(%dma_wait3A_394 : memref<1024xf32, #tpu.memory_space<vmem>>)
    %dma_wait3A_397 = arith.constant 13 : i32
    %dma_wait3A_398 = arith.constant 13 : i32
    %dma_wait3A_399 = arith.constant 0 : i32
    %dma_wait3A_400 = tpu.memref_slice %arg10[%dma_wait3A_398, %dma_wait3A_399] : memref<20x1024xf32, #tpu.memory_space<vmem>> -> memref<1x1024xf32, #tpu.memory_space<vmem>>
    %dma_wait3A_401 = tpu.memref_squeeze %dma_wait3A_400 : memref<1x1024xf32, #tpu.memory_space<vmem>> -> memref<1024xf32, #tpu.memory_space<vmem>>
    %dma_wait3A_402 = tpu.memref_slice %arg2[%dma_wait3A_397, %mul3A_2] : memref<20x32768xf32, #tpu.memory_space<hbm>> -> memref<1x1024xf32, #tpu.memory_space<hbm>>
    %dma_wait3A_403 = tpu.memref_squeeze %dma_wait3A_402 : memref<1x1024xf32, #tpu.memory_space<hbm>> -> memref<1024xf32, #tpu.memory_space<hbm>>
    %dma_wait3A_404 = arith.constant 0 : i32
    %dma_wait3A_405 = tpu.memref_slice %arg10[%dma_wait3A_398, %dma_wait3A_404] : memref<20x1024xf32, #tpu.memory_space<vmem>> -> memref<1x1024xf32, #tpu.memory_space<vmem>>
    %dma_wait3A_406 = tpu.memref_squeeze %dma_wait3A_405 : memref<1x1024xf32, #tpu.memory_space<vmem>> -> memref<1024xf32, #tpu.memory_space<vmem>>
    %dma_wait3A_407 = tpu.memref_slice %arg2[%dma_wait3A_397, %mul3A_2] : memref<20x32768xf32, #tpu.memory_space<hbm>> -> memref<1x1024xf32, #tpu.memory_space<hbm>>
    %dma_wait3A_408 = tpu.memref_squeeze %dma_wait3A_407 : memref<1x1024xf32, #tpu.memory_space<hbm>> -> memref<1024xf32, #tpu.memory_space<hbm>>
    tpu.wait_dma2 semaphore(%arg12 : memref<!tpu.dma_semaphore, #tpu.memory_space<semaphore_mem>>) src(%dma_wait3A_408 : memref<1024xf32, #tpu.memory_space<hbm>>) dst(%dma_wait3A_406 : memref<1024xf32, #tpu.memory_space<vmem>>)
    %dma_wait3A_409 = arith.constant 14 : i32
    %dma_wait3A_410 = arith.constant 14 : i32
    %dma_wait3A_411 = arith.constant 0 : i32
    %dma_wait3A_412 = tpu.memref_slice %arg10[%dma_wait3A_410, %dma_wait3A_411] : memref<20x1024xf32, #tpu.memory_space<vmem>> -> memref<1x1024xf32, #tpu.memory_space<vmem>>
    %dma_wait3A_413 = tpu.memref_squeeze %dma_wait3A_412 : memref<1x1024xf32, #tpu.memory_space<vmem>> -> memref<1024xf32, #tpu.memory_space<vmem>>
    %dma_wait3A_414 = tpu.memref_slice %arg2[%dma_wait3A_409, %mul3A_2] : memref<20x32768xf32, #tpu.memory_space<hbm>> -> memref<1x1024xf32, #tpu.memory_space<hbm>>
    %dma_wait3A_415 = tpu.memref_squeeze %dma_wait3A_414 : memref<1x1024xf32, #tpu.memory_space<hbm>> -> memref<1024xf32, #tpu.memory_space<hbm>>
    %dma_wait3A_416 = arith.constant 0 : i32
    %dma_wait3A_417 = tpu.memref_slice %arg10[%dma_wait3A_410, %dma_wait3A_416] : memref<20x1024xf32, #tpu.memory_space<vmem>> -> memref<1x1024xf32, #tpu.memory_space<vmem>>
    %dma_wait3A_418 = tpu.memref_squeeze %dma_wait3A_417 : memref<1x1024xf32, #tpu.memory_space<vmem>> -> memref<1024xf32, #tpu.memory_space<vmem>>
    %dma_wait3A_419 = tpu.memref_slice %arg2[%dma_wait3A_409, %mul3A_2] : memref<20x32768xf32, #tpu.memory_space<hbm>> -> memref<1x1024xf32, #tpu.memory_space<hbm>>
    %dma_wait3A_420 = tpu.memref_squeeze %dma_wait3A_419 : memref<1x1024xf32, #tpu.memory_space<hbm>> -> memref<1024xf32, #tpu.memory_space<hbm>>
    tpu.wait_dma2 semaphore(%arg12 : memref<!tpu.dma_semaphore, #tpu.memory_space<semaphore_mem>>) src(%dma_wait3A_420 : memref<1024xf32, #tpu.memory_space<hbm>>) dst(%dma_wait3A_418 : memref<1024xf32, #tpu.memory_space<vmem>>)
    %dma_wait3A_421 = arith.constant 15 : i32
    %dma_wait3A_422 = arith.constant 15 : i32
    %dma_wait3A_423 = arith.constant 0 : i32
    %dma_wait3A_424 = tpu.memref_slice %arg10[%dma_wait3A_422, %dma_wait3A_423] : memref<20x1024xf32, #tpu.memory_space<vmem>> -> memref<1x1024xf32, #tpu.memory_space<vmem>>
    %dma_wait3A_425 = tpu.memref_squeeze %dma_wait3A_424 : memref<1x1024xf32, #tpu.memory_space<vmem>> -> memref<1024xf32, #tpu.memory_space<vmem>>
    %dma_wait3A_426 = tpu.memref_slice %arg2[%dma_wait3A_421, %mul3A_2] : memref<20x32768xf32, #tpu.memory_space<hbm>> -> memref<1x1024xf32, #tpu.memory_space<hbm>>
    %dma_wait3A_427 = tpu.memref_squeeze %dma_wait3A_426 : memref<1x1024xf32, #tpu.memory_space<hbm>> -> memref<1024xf32, #tpu.memory_space<hbm>>
    %dma_wait3A_428 = arith.constant 0 : i32
    %dma_wait3A_429 = tpu.memref_slice %arg10[%dma_wait3A_422, %dma_wait3A_428] : memref<20x1024xf32, #tpu.memory_space<vmem>> -> memref<1x1024xf32, #tpu.memory_space<vmem>>
    %dma_wait3A_430 = tpu.memref_squeeze %dma_wait3A_429 : memref<1x1024xf32, #tpu.memory_space<vmem>> -> memref<1024xf32, #tpu.memory_space<vmem>>
    %dma_wait3A_431 = tpu.memref_slice %arg2[%dma_wait3A_421, %mul3A_2] : memref<20x32768xf32, #tpu.memory_space<hbm>> -> memref<1x1024xf32, #tpu.memory_space<hbm>>
    %dma_wait3A_432 = tpu.memref_squeeze %dma_wait3A_431 : memref<1x1024xf32, #tpu.memory_space<hbm>> -> memref<1024xf32, #tpu.memory_space<hbm>>
    tpu.wait_dma2 semaphore(%arg12 : memref<!tpu.dma_semaphore, #tpu.memory_space<semaphore_mem>>) src(%dma_wait3A_432 : memref<1024xf32, #tpu.memory_space<hbm>>) dst(%dma_wait3A_430 : memref<1024xf32, #tpu.memory_space<vmem>>)
    %dma_wait3A_433 = arith.constant 16 : i32
    %dma_wait3A_434 = arith.constant 16 : i32
    %dma_wait3A_435 = arith.constant 0 : i32
    %dma_wait3A_436 = tpu.memref_slice %arg10[%dma_wait3A_434, %dma_wait3A_435] : memref<20x1024xf32, #tpu.memory_space<vmem>> -> memref<1x1024xf32, #tpu.memory_space<vmem>>
    %dma_wait3A_437 = tpu.memref_squeeze %dma_wait3A_436 : memref<1x1024xf32, #tpu.memory_space<vmem>> -> memref<1024xf32, #tpu.memory_space<vmem>>
    %dma_wait3A_438 = tpu.memref_slice %arg2[%dma_wait3A_433, %mul3A_2] : memref<20x32768xf32, #tpu.memory_space<hbm>> -> memref<1x1024xf32, #tpu.memory_space<hbm>>
    %dma_wait3A_439 = tpu.memref_squeeze %dma_wait3A_438 : memref<1x1024xf32, #tpu.memory_space<hbm>> -> memref<1024xf32, #tpu.memory_space<hbm>>
    %dma_wait3A_440 = arith.constant 0 : i32
    %dma_wait3A_441 = tpu.memref_slice %arg10[%dma_wait3A_434, %dma_wait3A_440] : memref<20x1024xf32, #tpu.memory_space<vmem>> -> memref<1x1024xf32, #tpu.memory_space<vmem>>
    %dma_wait3A_442 = tpu.memref_squeeze %dma_wait3A_441 : memref<1x1024xf32, #tpu.memory_space<vmem>> -> memref<1024xf32, #tpu.memory_space<vmem>>
    %dma_wait3A_443 = tpu.memref_slice %arg2[%dma_wait3A_433, %mul3A_2] : memref<20x32768xf32, #tpu.memory_space<hbm>> -> memref<1x1024xf32, #tpu.memory_space<hbm>>
    %dma_wait3A_444 = tpu.memref_squeeze %dma_wait3A_443 : memref<1x1024xf32, #tpu.memory_space<hbm>> -> memref<1024xf32, #tpu.memory_space<hbm>>
    tpu.wait_dma2 semaphore(%arg12 : memref<!tpu.dma_semaphore, #tpu.memory_space<semaphore_mem>>) src(%dma_wait3A_444 : memref<1024xf32, #tpu.memory_space<hbm>>) dst(%dma_wait3A_442 : memref<1024xf32, #tpu.memory_space<vmem>>)
    %dma_wait3A_445 = arith.constant 17 : i32
    %dma_wait3A_446 = arith.constant 17 : i32
    %dma_wait3A_447 = arith.constant 0 : i32
    %dma_wait3A_448 = tpu.memref_slice %arg10[%dma_wait3A_446, %dma_wait3A_447] : memref<20x1024xf32, #tpu.memory_space<vmem>> -> memref<1x1024xf32, #tpu.memory_space<vmem>>
    %dma_wait3A_449 = tpu.memref_squeeze %dma_wait3A_448 : memref<1x1024xf32, #tpu.memory_space<vmem>> -> memref<1024xf32, #tpu.memory_space<vmem>>
    %dma_wait3A_450 = tpu.memref_slice %arg2[%dma_wait3A_445, %mul3A_2] : memref<20x32768xf32, #tpu.memory_space<hbm>> -> memref<1x1024xf32, #tpu.memory_space<hbm>>
    %dma_wait3A_451 = tpu.memref_squeeze %dma_wait3A_450 : memref<1x1024xf32, #tpu.memory_space<hbm>> -> memref<1024xf32, #tpu.memory_space<hbm>>
    %dma_wait3A_452 = arith.constant 0 : i32
    %dma_wait3A_453 = tpu.memref_slice %arg10[%dma_wait3A_446, %dma_wait3A_452] : memref<20x1024xf32, #tpu.memory_space<vmem>> -> memref<1x1024xf32, #tpu.memory_space<vmem>>
    %dma_wait3A_454 = tpu.memref_squeeze %dma_wait3A_453 : memref<1x1024xf32, #tpu.memory_space<vmem>> -> memref<1024xf32, #tpu.memory_space<vmem>>
    %dma_wait3A_455 = tpu.memref_slice %arg2[%dma_wait3A_445, %mul3A_2] : memref<20x32768xf32, #tpu.memory_space<hbm>> -> memref<1x1024xf32, #tpu.memory_space<hbm>>
    %dma_wait3A_456 = tpu.memref_squeeze %dma_wait3A_455 : memref<1x1024xf32, #tpu.memory_space<hbm>> -> memref<1024xf32, #tpu.memory_space<hbm>>
    tpu.wait_dma2 semaphore(%arg12 : memref<!tpu.dma_semaphore, #tpu.memory_space<semaphore_mem>>) src(%dma_wait3A_456 : memref<1024xf32, #tpu.memory_space<hbm>>) dst(%dma_wait3A_454 : memref<1024xf32, #tpu.memory_space<vmem>>)
    %dma_wait3A_457 = arith.constant 18 : i32
    %dma_wait3A_458 = arith.constant 18 : i32
    %dma_wait3A_459 = arith.constant 0 : i32
    %dma_wait3A_460 = tpu.memref_slice %arg10[%dma_wait3A_458, %dma_wait3A_459] : memref<20x1024xf32, #tpu.memory_space<vmem>> -> memref<1x1024xf32, #tpu.memory_space<vmem>>
    %dma_wait3A_461 = tpu.memref_squeeze %dma_wait3A_460 : memref<1x1024xf32, #tpu.memory_space<vmem>> -> memref<1024xf32, #tpu.memory_space<vmem>>
    %dma_wait3A_462 = tpu.memref_slice %arg2[%dma_wait3A_457, %mul3A_2] : memref<20x32768xf32, #tpu.memory_space<hbm>> -> memref<1x1024xf32, #tpu.memory_space<hbm>>
    %dma_wait3A_463 = tpu.memref_squeeze %dma_wait3A_462 : memref<1x1024xf32, #tpu.memory_space<hbm>> -> memref<1024xf32, #tpu.memory_space<hbm>>
    %dma_wait3A_464 = arith.constant 0 : i32
    %dma_wait3A_465 = tpu.memref_slice %arg10[%dma_wait3A_458, %dma_wait3A_464] : memref<20x1024xf32, #tpu.memory_space<vmem>> -> memref<1x1024xf32, #tpu.memory_space<vmem>>
    %dma_wait3A_466 = tpu.memref_squeeze %dma_wait3A_465 : memref<1x1024xf32, #tpu.memory_space<vmem>> -> memref<1024xf32, #tpu.memory_space<vmem>>
    %dma_wait3A_467 = tpu.memref_slice %arg2[%dma_wait3A_457, %mul3A_2] : memref<20x32768xf32, #tpu.memory_space<hbm>> -> memref<1x1024xf32, #tpu.memory_space<hbm>>
    %dma_wait3A_468 = tpu.memref_squeeze %dma_wait3A_467 : memref<1x1024xf32, #tpu.memory_space<hbm>> -> memref<1024xf32, #tpu.memory_space<hbm>>
    tpu.wait_dma2 semaphore(%arg12 : memref<!tpu.dma_semaphore, #tpu.memory_space<semaphore_mem>>) src(%dma_wait3A_468 : memref<1024xf32, #tpu.memory_space<hbm>>) dst(%dma_wait3A_466 : memref<1024xf32, #tpu.memory_space<vmem>>)
    %dma_wait3A_469 = arith.constant 19 : i32
    %dma_wait3A_470 = arith.constant 19 : i32
    %dma_wait3A_471 = arith.constant 0 : i32
    %dma_wait3A_472 = tpu.memref_slice %arg10[%dma_wait3A_470, %dma_wait3A_471] : memref<20x1024xf32, #tpu.memory_space<vmem>> -> memref<1x1024xf32, #tpu.memory_space<vmem>>
    %dma_wait3A_473 = tpu.memref_squeeze %dma_wait3A_472 : memref<1x1024xf32, #tpu.memory_space<vmem>> -> memref<1024xf32, #tpu.memory_space<vmem>>
    %dma_wait3A_474 = tpu.memref_slice %arg2[%dma_wait3A_469, %mul3A_2] : memref<20x32768xf32, #tpu.memory_space<hbm>> -> memref<1x1024xf32, #tpu.memory_space<hbm>>
    %dma_wait3A_475 = tpu.memref_squeeze %dma_wait3A_474 : memref<1x1024xf32, #tpu.memory_space<hbm>> -> memref<1024xf32, #tpu.memory_space<hbm>>
    %dma_wait3A_476 = arith.constant 0 : i32
    %dma_wait3A_477 = tpu.memref_slice %arg10[%dma_wait3A_470, %dma_wait3A_476] : memref<20x1024xf32, #tpu.memory_space<vmem>> -> memref<1x1024xf32, #tpu.memory_space<vmem>>
    %dma_wait3A_478 = tpu.memref_squeeze %dma_wait3A_477 : memref<1x1024xf32, #tpu.memory_space<vmem>> -> memref<1024xf32, #tpu.memory_space<vmem>>
    %dma_wait3A_479 = tpu.memref_slice %arg2[%dma_wait3A_469, %mul3A_2] : memref<20x32768xf32, #tpu.memory_space<hbm>> -> memref<1x1024xf32, #tpu.memory_space<hbm>>
    %dma_wait3A_480 = tpu.memref_squeeze %dma_wait3A_479 : memref<1x1024xf32, #tpu.memory_space<hbm>> -> memref<1024xf32, #tpu.memory_space<hbm>>
    tpu.wait_dma2 semaphore(%arg12 : memref<!tpu.dma_semaphore, #tpu.memory_space<semaphore_mem>>) src(%dma_wait3A_480 : memref<1024xf32, #tpu.memory_space<hbm>>) dst(%dma_wait3A_478 : memref<1024xf32, #tpu.memory_space<vmem>>)
    %get3A = arith.constant 0 : index
    %get3A_481 = tpu.vector_load %arg9[%get3A] {strides = array<i32>} : memref<16xf32, #tpu.memory_space<vmem>>, vector<16xf32>,
    %get3A_482 = vector.shape_cast %get3A_481 : vector<16xf32> to vector<16xf32>
    %broadcast_in_dim3A = arith.constant 0.000000e+00 : f32
    %broadcast_in_dim3A_483 = vector.broadcast %broadcast_in_dim3A : f32 to vector<16xf32>
    %broadcast_in_dim3A_484 = arith.constant 1.000000e+00 : f32
    %broadcast_in_dim3A_485 = vector.broadcast %broadcast_in_dim3A_484 : f32 to vector<16xf32>
    %get3A_486 = arith.constant 0 : i32
    %get3A_487 = arith.index_cast %get3A_486 : i32 to index
    %get3A_488 = arith.constant 0 : index
    %get3A_489 = tpu.vector_load %arg8[%get3A_487, %get3A_488] {strides = array<i32>} : memref<20x16xf32, #tpu.memory_space<vmem>>, vector<1x16xf32>,
    %get3A_490 = vector.shape_cast %get3A_489 : vector<1x16xf32> to vector<16xf32>
    %get3A_491 = arith.constant 10 : i32
    %get3A_492 = arith.index_cast %get3A_491 : i32 to index
    %get3A_493 = arith.constant 0 : index
    %get3A_494 = tpu.vector_load %arg8[%get3A_492, %get3A_493] {strides = array<i32>} : memref<20x16xf32, #tpu.memory_space<vmem>>, vector<1x16xf32>,
    %get3A_495 = vector.shape_cast %get3A_494 : vector<1x16xf32> to vector<16xf32>
    %gt3A = arith.cmpf ogt, %get3A_490, %broadcast_in_dim3A_483 : vector<16xf32>
    %sub3A = arith.subf %get3A_482, %get3A_495 : vector<16xf32>
    %select_n3A = arith.select %gt3A, %get3A_490, %broadcast_in_dim3A_485 : vector<16xi1>, vector<16xf32>
    %div3A = arith.divf %sub3A, %select_n3A : vector<16xf32>
    %select_n3A_496 = arith.select %gt3A, %div3A, %broadcast_in_dim3A_483 : vector<16xi1>, vector<16xf32>
    %get3A_497 = arith.constant 1 : i32
    %get3A_498 = arith.index_cast %get3A_497 : i32 to index
    %get3A_499 = arith.constant 0 : index
    %get3A_500 = tpu.vector_load %arg8[%get3A_498, %get3A_499] {strides = array<i32>} : memref<20x16xf32, #tpu.memory_space<vmem>>, vector<1x16xf32>,
    %get3A_501 = vector.shape_cast %get3A_500 : vector<1x16xf32> to vector<16xf32>
    %get3A_502 = arith.constant 11 : i32
    %get3A_503 = arith.index_cast %get3A_502 : i32 to index
    %get3A_504 = arith.constant 0 : index
    %get3A_505 = tpu.vector_load %arg8[%get3A_503, %get3A_504] {strides = array<i32>} : memref<20x16xf32, #tpu.memory_space<vmem>>, vector<1x16xf32>,
    %get3A_506 = vector.shape_cast %get3A_505 : vector<1x16xf32> to vector<16xf32>
    %gt3A_507 = arith.cmpf ogt, %get3A_501, %broadcast_in_dim3A_483 : vector<16xf32>
    %sub3A_508 = arith.subf %get3A_482, %get3A_506 : vector<16xf32>
    %select_n3A_509 = arith.select %gt3A_507, %get3A_501, %broadcast_in_dim3A_485 : vector<16xi1>, vector<16xf32>
    %div3A_510 = arith.divf %sub3A_508, %select_n3A_509 : vector<16xf32>
    %select_n3A_511 = arith.select %gt3A_507, %div3A_510, %broadcast_in_dim3A_483 : vector<16xi1>, vector<16xf32>
    %get3A_512 = arith.constant 2 : i32
    %get3A_513 = arith.index_cast %get3A_512 : i32 to index
    %get3A_514 = arith.constant 0 : index
    %get3A_515 = tpu.vector_load %arg8[%get3A_513, %get3A_514] {strides = array<i32>} : memref<20x16xf32, #tpu.memory_space<vmem>>, vector<1x16xf32>,
    %get3A_516 = vector.shape_cast %get3A_515 : vector<1x16xf32> to vector<16xf32>
    %get3A_517 = arith.constant 12 : i32
    %get3A_518 = arith.index_cast %get3A_517 : i32 to index
    %get3A_519 = arith.constant 0 : index
    %get3A_520 = tpu.vector_load %arg8[%get3A_518, %get3A_519] {strides = array<i32>} : memref<20x16xf32, #tpu.memory_space<vmem>>, vector<1x16xf32>,
    %get3A_521 = vector.shape_cast %get3A_520 : vector<1x16xf32> to vector<16xf32>
    %gt3A_522 = arith.cmpf ogt, %get3A_516, %broadcast_in_dim3A_483 : vector<16xf32>
    %sub3A_523 = arith.subf %get3A_482, %get3A_521 : vector<16xf32>
    %select_n3A_524 = arith.select %gt3A_522, %get3A_516, %broadcast_in_dim3A_485 : vector<16xi1>, vector<16xf32>
    %div3A_525 = arith.divf %sub3A_523, %select_n3A_524 : vector<16xf32>
    %select_n3A_526 = arith.select %gt3A_522, %div3A_525, %broadcast_in_dim3A_483 : vector<16xi1>, vector<16xf32>
    %get3A_527 = arith.constant 3 : i32
    %get3A_528 = arith.index_cast %get3A_527 : i32 to index
    %get3A_529 = arith.constant 0 : index
    %get3A_530 = tpu.vector_load %arg8[%get3A_528, %get3A_529] {strides = array<i32>} : memref<20x16xf32, #tpu.memory_space<vmem>>, vector<1x16xf32>,
    %get3A_531 = vector.shape_cast %get3A_530 : vector<1x16xf32> to vector<16xf32>
    %get3A_532 = arith.constant 13 : i32
    %get3A_533 = arith.index_cast %get3A_532 : i32 to index
    %get3A_534 = arith.constant 0 : index
    %get3A_535 = tpu.vector_load %arg8[%get3A_533, %get3A_534] {strides = array<i32>} : memref<20x16xf32, #tpu.memory_space<vmem>>, vector<1x16xf32>,
    %get3A_536 = vector.shape_cast %get3A_535 : vector<1x16xf32> to vector<16xf32>
    %gt3A_537 = arith.cmpf ogt, %get3A_531, %broadcast_in_dim3A_483 : vector<16xf32>
    %sub3A_538 = arith.subf %get3A_482, %get3A_536 : vector<16xf32>
    %select_n3A_539 = arith.select %gt3A_537, %get3A_531, %broadcast_in_dim3A_485 : vector<16xi1>, vector<16xf32>
    %div3A_540 = arith.divf %sub3A_538, %select_n3A_539 : vector<16xf32>
    %select_n3A_541 = arith.select %gt3A_537, %div3A_540, %broadcast_in_dim3A_483 : vector<16xi1>, vector<16xf32>
    %get3A_542 = arith.constant 4 : i32
    %get3A_543 = arith.index_cast %get3A_542 : i32 to index
    %get3A_544 = arith.constant 0 : index
    %get3A_545 = tpu.vector_load %arg8[%get3A_543, %get3A_544] {strides = array<i32>} : memref<20x16xf32, #tpu.memory_space<vmem>>, vector<1x16xf32>,
    %get3A_546 = vector.shape_cast %get3A_545 : vector<1x16xf32> to vector<16xf32>
    %get3A_547 = arith.constant 14 : i32
    %get3A_548 = arith.index_cast %get3A_547 : i32 to index
    %get3A_549 = arith.constant 0 : index
    %get3A_550 = tpu.vector_load %arg8[%get3A_548, %get3A_549] {strides = array<i32>} : memref<20x16xf32, #tpu.memory_space<vmem>>, vector<1x16xf32>,
    %get3A_551 = vector.shape_cast %get3A_550 : vector<1x16xf32> to vector<16xf32>
    %gt3A_552 = arith.cmpf ogt, %get3A_546, %broadcast_in_dim3A_483 : vector<16xf32>
    %sub3A_553 = arith.subf %get3A_482, %get3A_551 : vector<16xf32>
    %select_n3A_554 = arith.select %gt3A_552, %get3A_546, %broadcast_in_dim3A_485 : vector<16xi1>, vector<16xf32>
    %div3A_555 = arith.divf %sub3A_553, %select_n3A_554 : vector<16xf32>
    %select_n3A_556 = arith.select %gt3A_552, %div3A_555, %broadcast_in_dim3A_483 : vector<16xi1>, vector<16xf32>
    %get3A_557 = arith.constant 5 : i32
    %get3A_558 = arith.index_cast %get3A_557 : i32 to index
    %get3A_559 = arith.constant 0 : index
    %get3A_560 = tpu.vector_load %arg8[%get3A_558, %get3A_559] {strides = array<i32>} : memref<20x16xf32, #tpu.memory_space<vmem>>, vector<1x16xf32>,
    %get3A_561 = vector.shape_cast %get3A_560 : vector<1x16xf32> to vector<16xf32>
    %get3A_562 = arith.constant 15 : i32
    %get3A_563 = arith.index_cast %get3A_562 : i32 to index
    %get3A_564 = arith.constant 0 : index
    %get3A_565 = tpu.vector_load %arg8[%get3A_563, %get3A_564] {strides = array<i32>} : memref<20x16xf32, #tpu.memory_space<vmem>>, vector<1x16xf32>,
    %get3A_566 = vector.shape_cast %get3A_565 : vector<1x16xf32> to vector<16xf32>
    %gt3A_567 = arith.cmpf ogt, %get3A_561, %broadcast_in_dim3A_483 : vector<16xf32>
    %sub3A_568 = arith.subf %get3A_482, %get3A_566 : vector<16xf32>
    %select_n3A_569 = arith.select %gt3A_567, %get3A_561, %broadcast_in_dim3A_485 : vector<16xi1>, vector<16xf32>
    %div3A_570 = arith.divf %sub3A_568, %select_n3A_569 : vector<16xf32>
    %select_n3A_571 = arith.select %gt3A_567, %div3A_570, %broadcast_in_dim3A_483 : vector<16xi1>, vector<16xf32>
    %get3A_572 = arith.constant 6 : i32
    %get3A_573 = arith.index_cast %get3A_572 : i32 to index
    %get3A_574 = arith.constant 0 : index
    %get3A_575 = tpu.vector_load %arg8[%get3A_573, %get3A_574] {strides = array<i32>} : memref<20x16xf32, #tpu.memory_space<vmem>>, vector<1x16xf32>,
    %get3A_576 = vector.shape_cast %get3A_575 : vector<1x16xf32> to vector<16xf32>
    %get3A_577 = arith.constant 16 : i32
    %get3A_578 = arith.index_cast %get3A_577 : i32 to index
    %get3A_579 = arith.constant 0 : index
    %get3A_580 = tpu.vector_load %arg8[%get3A_578, %get3A_579] {strides = array<i32>} : memref<20x16xf32, #tpu.memory_space<vmem>>, vector<1x16xf32>,
    %get3A_581 = vector.shape_cast %get3A_580 : vector<1x16xf32> to vector<16xf32>
    %gt3A_582 = arith.cmpf ogt, %get3A_576, %broadcast_in_dim3A_483 : vector<16xf32>
    %sub3A_583 = arith.subf %get3A_482, %get3A_581 : vector<16xf32>
    %select_n3A_584 = arith.select %gt3A_582, %get3A_576, %broadcast_in_dim3A_485 : vector<16xi1>, vector<16xf32>
    %div3A_585 = arith.divf %sub3A_583, %select_n3A_584 : vector<16xf32>
    %select_n3A_586 = arith.select %gt3A_582, %div3A_585, %broadcast_in_dim3A_483 : vector<16xi1>, vector<16xf32>
    %get3A_587 = arith.constant 7 : i32
    %get3A_588 = arith.index_cast %get3A_587 : i32 to index
    %get3A_589 = arith.constant 0 : index
    %get3A_590 = tpu.vector_load %arg8[%get3A_588, %get3A_589] {strides = array<i32>} : memref<20x16xf32, #tpu.memory_space<vmem>>, vector<1x16xf32>,
    %get3A_591 = vector.shape_cast %get3A_590 : vector<1x16xf32> to vector<16xf32>
    %get3A_592 = arith.constant 17 : i32
    %get3A_593 = arith.index_cast %get3A_592 : i32 to index
    %get3A_594 = arith.constant 0 : index
    %get3A_595 = tpu.vector_load %arg8[%get3A_593, %get3A_594] {strides = array<i32>} : memref<20x16xf32, #tpu.memory_space<vmem>>, vector<1x16xf32>,
    %get3A_596 = vector.shape_cast %get3A_595 : vector<1x16xf32> to vector<16xf32>
    %gt3A_597 = arith.cmpf ogt, %get3A_591, %broadcast_in_dim3A_483 : vector<16xf32>
    %sub3A_598 = arith.subf %get3A_482, %get3A_596 : vector<16xf32>
    %select_n3A_599 = arith.select %gt3A_597, %get3A_591, %broadcast_in_dim3A_485 : vector<16xi1>, vector<16xf32>
    %div3A_600 = arith.divf %sub3A_598, %select_n3A_599 : vector<16xf32>
    %select_n3A_601 = arith.select %gt3A_597, %div3A_600, %broadcast_in_dim3A_483 : vector<16xi1>, vector<16xf32>
    %get3A_602 = arith.constant 8 : i32
    %get3A_603 = arith.index_cast %get3A_602 : i32 to index
    %get3A_604 = arith.constant 0 : index
    %get3A_605 = tpu.vector_load %arg8[%get3A_603, %get3A_604] {strides = array<i32>} : memref<20x16xf32, #tpu.memory_space<vmem>>, vector<1x16xf32>,
    %get3A_606 = vector.shape_cast %get3A_605 : vector<1x16xf32> to vector<16xf32>
    %get3A_607 = arith.constant 18 : i32
    %get3A_608 = arith.index_cast %get3A_607 : i32 to index
    %get3A_609 = arith.constant 0 : index
    %get3A_610 = tpu.vector_load %arg8[%get3A_608, %get3A_609] {strides = array<i32>} : memref<20x16xf32, #tpu.memory_space<vmem>>, vector<1x16xf32>,
    %get3A_611 = vector.shape_cast %get3A_610 : vector<1x16xf32> to vector<16xf32>
    %gt3A_612 = arith.cmpf ogt, %get3A_606, %broadcast_in_dim3A_483 : vector<16xf32>
    %sub3A_613 = arith.subf %get3A_482, %get3A_611 : vector<16xf32>
    %select_n3A_614 = arith.select %gt3A_612, %get3A_606, %broadcast_in_dim3A_485 : vector<16xi1>, vector<16xf32>
    %div3A_615 = arith.divf %sub3A_613, %select_n3A_614 : vector<16xf32>
    %select_n3A_616 = arith.select %gt3A_612, %div3A_615, %broadcast_in_dim3A_483 : vector<16xi1>, vector<16xf32>
    %get3A_617 = arith.constant 9 : i32
    %get3A_618 = arith.index_cast %get3A_617 : i32 to index
    %get3A_619 = arith.constant 0 : index
    %get3A_620 = tpu.vector_load %arg8[%get3A_618, %get3A_619] {strides = array<i32>} : memref<20x16xf32, #tpu.memory_space<vmem>>, vector<1x16xf32>,
    %get3A_621 = vector.shape_cast %get3A_620 : vector<1x16xf32> to vector<16xf32>
    %get3A_622 = arith.constant 19 : i32
    %get3A_623 = arith.index_cast %get3A_622 : i32 to index
    %get3A_624 = arith.constant 0 : index
    %get3A_625 = tpu.vector_load %arg8[%get3A_623, %get3A_624] {strides = array<i32>} : memref<20x16xf32, #tpu.memory_space<vmem>>, vector<1x16xf32>,
    %get3A_626 = vector.shape_cast %get3A_625 : vector<1x16xf32> to vector<16xf32>
    %gt3A_627 = arith.cmpf ogt, %get3A_621, %broadcast_in_dim3A_483 : vector<16xf32>
    %sub3A_628 = arith.subf %get3A_482, %get3A_626 : vector<16xf32>
    %select_n3A_629 = arith.select %gt3A_627, %get3A_621, %broadcast_in_dim3A_485 : vector<16xi1>, vector<16xf32>
    %div3A_630 = arith.divf %sub3A_628, %select_n3A_629 : vector<16xf32>
    %select_n3A_631 = arith.select %gt3A_627, %div3A_630, %broadcast_in_dim3A_483 : vector<16xi1>, vector<16xf32>
    %scan3A = arith.constant 0 : i32
    %scan3A_632 = arith.constant 0 : i32
    %scan3A_633 = arith.constant 64 : i32
    %scan3A_634 = arith.addi %scan3A_632, %scan3A_633 : i32
    %scan3A_635 = arith.constant 4 : i32
    scf.for %scan3A_637 = %scan3A_632 to %scan3A_634 step %scan3A_635  : i32 {
      %mul3A_638 = arith.constant 16 : i32
      %mul3A_639 = arith.muli %scan3A_637, %mul3A_638 : i32
      %get3A_640 = arith.index_cast %mul3A_639 : i32 to index
      %get3A_641 = tpu.vector_load %arg7[%get3A_640] {strides = array<i32>} : memref<1024xi32, #tpu.memory_space<vmem>>, vector<16xi32>,
      %get3A_642 = vector.shape_cast %get3A_641 : vector<16xi32> to vector<16xi32>
      %broadcast_in_dim3A_643 = vector.shape_cast %get3A_642 : vector<16xi32> to vector<16x1xi32>
      %gather3A = vector.shape_cast %broadcast_in_dim3A_643 : vector<16x1xi32> to vector<16xi32>
      %gather3A_644 = tpu.dynamic_gather %select_n3A_496[%gather3A] in [0] : vector<16xf32>, vector<16xi32> -> vector<16xf32>
      %get3A_645 = arith.constant 10 : i32
      %get3A_646 = arith.index_cast %get3A_645 : i32 to index
      %get3A_647 = arith.index_cast %mul3A_639 : i32 to index
      %get3A_648 = tpu.vector_load %arg10[%get3A_646, %get3A_647] {strides = array<i32>} : memref<20x1024xf32, #tpu.memory_space<vmem>>, vector<1x16xf32>,
      %get3A_649 = vector.shape_cast %get3A_648 : vector<1x16xf32> to vector<16xf32>
      %get3A_650 = arith.constant 0 : i32
      %get3A_651 = arith.index_cast %get3A_650 : i32 to index
      %get3A_652 = arith.index_cast %mul3A_639 : i32 to index
      %get3A_653 = tpu.vector_load %arg10[%get3A_651, %get3A_652] {strides = array<i32>} : memref<20x1024xf32, #tpu.memory_space<vmem>>, vector<1x16xf32>,
      %get3A_654 = vector.shape_cast %get3A_653 : vector<1x16xf32> to vector<16xf32>
      %mul3A_655 = arith.mulf %get3A_654, %gather3A_644 : vector<16xf32>
      %add3A_656 = arith.addf %get3A_649, %mul3A_655 : vector<16xf32>
      %swap3A = arith.constant 0 : i32
      %swap3A_657 = arith.index_cast %swap3A : i32 to index
      %swap3A_658 = arith.index_cast %mul3A_639 : i32 to index
      %swap3A_659 = tpu.vector_load %arg11[%swap3A_657, %swap3A_658] {strides = array<i32>} : memref<10x1024xf32, #tpu.memory_space<vmem>>, vector<1x16xf32>,
      %swap3A_660 = vector.shape_cast %swap3A_659 : vector<1x16xf32> to vector<16xf32>
      %swap3A_661 = vector.shape_cast %add3A_656 : vector<16xf32> to vector<1x16xf32>
      tpu.vector_store %arg11[%swap3A_657, %swap3A_658], %swap3A_661 {strides = array<i32>} : memref<10x1024xf32, #tpu.memory_space<vmem>>, vector<1x16xf32>,
      %broadcast_in_dim3A_662 = vector.shape_cast %get3A_642 : vector<16xi32> to vector<16x1xi32>
      %gather3A_663 = vector.shape_cast %broadcast_in_dim3A_662 : vector<16x1xi32> to vector<16xi32>
      %gather3A_664 = tpu.dynamic_gather %select_n3A_511[%gather3A_663] in [0] : vector<16xf32>, vector<16xi32> -> vector<16xf32>
      %get3A_665 = arith.constant 11 : i32
      %get3A_666 = arith.index_cast %get3A_665 : i32 to index
      %get3A_667 = arith.index_cast %mul3A_639 : i32 to index
      %get3A_668 = tpu.vector_load %arg10[%get3A_666, %get3A_667] {strides = array<i32>} : memref<20x1024xf32, #tpu.memory_space<vmem>>, vector<1x16xf32>,
      %get3A_669 = vector.shape_cast %get3A_668 : vector<1x16xf32> to vector<16xf32>
      %get3A_670 = arith.constant 1 : i32
      %get3A_671 = arith.index_cast %get3A_670 : i32 to index
      %get3A_672 = arith.index_cast %mul3A_639 : i32 to index
      %get3A_673 = tpu.vector_load %arg10[%get3A_671, %get3A_672] {strides = array<i32>} : memref<20x1024xf32, #tpu.memory_space<vmem>>, vector<1x16xf32>,
      %get3A_674 = vector.shape_cast %get3A_673 : vector<1x16xf32> to vector<16xf32>
      %mul3A_675 = arith.mulf %get3A_674, %gather3A_664 : vector<16xf32>
      %add3A_676 = arith.addf %get3A_669, %mul3A_675 : vector<16xf32>
      %swap3A_677 = arith.constant 1 : i32
      %swap3A_678 = arith.index_cast %swap3A_677 : i32 to index
      %swap3A_679 = arith.index_cast %mul3A_639 : i32 to index
      %swap3A_680 = tpu.vector_load %arg11[%swap3A_678, %swap3A_679] {strides = array<i32>} : memref<10x1024xf32, #tpu.memory_space<vmem>>, vector<1x16xf32>,
      %swap3A_681 = vector.shape_cast %swap3A_680 : vector<1x16xf32> to vector<16xf32>
      %swap3A_682 = vector.shape_cast %add3A_676 : vector<16xf32> to vector<1x16xf32>
      tpu.vector_store %arg11[%swap3A_678, %swap3A_679], %swap3A_682 {strides = array<i32>} : memref<10x1024xf32, #tpu.memory_space<vmem>>, vector<1x16xf32>,
      %broadcast_in_dim3A_683 = vector.shape_cast %get3A_642 : vector<16xi32> to vector<16x1xi32>
      %gather3A_684 = vector.shape_cast %broadcast_in_dim3A_683 : vector<16x1xi32> to vector<16xi32>
      %gather3A_685 = tpu.dynamic_gather %select_n3A_526[%gather3A_684] in [0] : vector<16xf32>, vector<16xi32> -> vector<16xf32>
      %get3A_686 = arith.constant 12 : i32
      %get3A_687 = arith.index_cast %get3A_686 : i32 to index
      %get3A_688 = arith.index_cast %mul3A_639 : i32 to index
      %get3A_689 = tpu.vector_load %arg10[%get3A_687, %get3A_688] {strides = array<i32>} : memref<20x1024xf32, #tpu.memory_space<vmem>>, vector<1x16xf32>,
      %get3A_690 = vector.shape_cast %get3A_689 : vector<1x16xf32> to vector<16xf32>
      %get3A_691 = arith.constant 2 : i32
      %get3A_692 = arith.index_cast %get3A_691 : i32 to index
      %get3A_693 = arith.index_cast %mul3A_639 : i32 to index
      %get3A_694 = tpu.vector_load %arg10[%get3A_692, %get3A_693] {strides = array<i32>} : memref<20x1024xf32, #tpu.memory_space<vmem>>, vector<1x16xf32>,
      %get3A_695 = vector.shape_cast %get3A_694 : vector<1x16xf32> to vector<16xf32>
      %mul3A_696 = arith.mulf %get3A_695, %gather3A_685 : vector<16xf32>
      %add3A_697 = arith.addf %get3A_690, %mul3A_696 : vector<16xf32>
      %swap3A_698 = arith.constant 2 : i32
      %swap3A_699 = arith.index_cast %swap3A_698 : i32 to index
      %swap3A_700 = arith.index_cast %mul3A_639 : i32 to index
      %swap3A_701 = tpu.vector_load %arg11[%swap3A_699, %swap3A_700] {strides = array<i32>} : memref<10x1024xf32, #tpu.memory_space<vmem>>, vector<1x16xf32>,
      %swap3A_702 = vector.shape_cast %swap3A_701 : vector<1x16xf32> to vector<16xf32>
      %swap3A_703 = vector.shape_cast %add3A_697 : vector<16xf32> to vector<1x16xf32>
      tpu.vector_store %arg11[%swap3A_699, %swap3A_700], %swap3A_703 {strides = array<i32>} : memref<10x1024xf32, #tpu.memory_space<vmem>>, vector<1x16xf32>,
      %broadcast_in_dim3A_704 = vector.shape_cast %get3A_642 : vector<16xi32> to vector<16x1xi32>
      %gather3A_705 = vector.shape_cast %broadcast_in_dim3A_704 : vector<16x1xi32> to vector<16xi32>
      %gather3A_706 = tpu.dynamic_gather %select_n3A_541[%gather3A_705] in [0] : vector<16xf32>, vector<16xi32> -> vector<16xf32>
      %get3A_707 = arith.constant 13 : i32
      %get3A_708 = arith.index_cast %get3A_707 : i32 to index
      %get3A_709 = arith.index_cast %mul3A_639 : i32 to index
      %get3A_710 = tpu.vector_load %arg10[%get3A_708, %get3A_709] {strides = array<i32>} : memref<20x1024xf32, #tpu.memory_space<vmem>>, vector<1x16xf32>,
      %get3A_711 = vector.shape_cast %get3A_710 : vector<1x16xf32> to vector<16xf32>
      %get3A_712 = arith.constant 3 : i32
      %get3A_713 = arith.index_cast %get3A_712 : i32 to index
      %get3A_714 = arith.index_cast %mul3A_639 : i32 to index
      %get3A_715 = tpu.vector_load %arg10[%get3A_713, %get3A_714] {strides = array<i32>} : memref<20x1024xf32, #tpu.memory_space<vmem>>, vector<1x16xf32>,
      %get3A_716 = vector.shape_cast %get3A_715 : vector<1x16xf32> to vector<16xf32>
      %mul3A_717 = arith.mulf %get3A_716, %gather3A_706 : vector<16xf32>
      %add3A_718 = arith.addf %get3A_711, %mul3A_717 : vector<16xf32>
      %swap3A_719 = arith.constant 3 : i32
      %swap3A_720 = arith.index_cast %swap3A_719 : i32 to index
      %swap3A_721 = arith.index_cast %mul3A_639 : i32 to index
      %swap3A_722 = tpu.vector_load %arg11[%swap3A_720, %swap3A_721] {strides = array<i32>} : memref<10x1024xf32, #tpu.memory_space<vmem>>, vector<1x16xf32>,
      %swap3A_723 = vector.shape_cast %swap3A_722 : vector<1x16xf32> to vector<16xf32>
      %swap3A_724 = vector.shape_cast %add3A_718 : vector<16xf32> to vector<1x16xf32>
      tpu.vector_store %arg11[%swap3A_720, %swap3A_721], %swap3A_724 {strides = array<i32>} : memref<10x1024xf32, #tpu.memory_space<vmem>>, vector<1x16xf32>,
      %broadcast_in_dim3A_725 = vector.shape_cast %get3A_642 : vector<16xi32> to vector<16x1xi32>
      %gather3A_726 = vector.shape_cast %broadcast_in_dim3A_725 : vector<16x1xi32> to vector<16xi32>
      %gather3A_727 = tpu.dynamic_gather %select_n3A_556[%gather3A_726] in [0] : vector<16xf32>, vector<16xi32> -> vector<16xf32>
      %get3A_728 = arith.constant 14 : i32
      %get3A_729 = arith.index_cast %get3A_728 : i32 to index
      %get3A_730 = arith.index_cast %mul3A_639 : i32 to index
      %get3A_731 = tpu.vector_load %arg10[%get3A_729, %get3A_730] {strides = array<i32>} : memref<20x1024xf32, #tpu.memory_space<vmem>>, vector<1x16xf32>,
      %get3A_732 = vector.shape_cast %get3A_731 : vector<1x16xf32> to vector<16xf32>
      %get3A_733 = arith.constant 4 : i32
      %get3A_734 = arith.index_cast %get3A_733 : i32 to index
      %get3A_735 = arith.index_cast %mul3A_639 : i32 to index
      %get3A_736 = tpu.vector_load %arg10[%get3A_734, %get3A_735] {strides = array<i32>} : memref<20x1024xf32, #tpu.memory_space<vmem>>, vector<1x16xf32>,
      %get3A_737 = vector.shape_cast %get3A_736 : vector<1x16xf32> to vector<16xf32>
      %mul3A_738 = arith.mulf %get3A_737, %gather3A_727 : vector<16xf32>
      %add3A_739 = arith.addf %get3A_732, %mul3A_738 : vector<16xf32>
      %swap3A_740 = arith.constant 4 : i32
      %swap3A_741 = arith.index_cast %swap3A_740 : i32 to index
      %swap3A_742 = arith.index_cast %mul3A_639 : i32 to index
      %swap3A_743 = tpu.vector_load %arg11[%swap3A_741, %swap3A_742] {strides = array<i32>} : memref<10x1024xf32, #tpu.memory_space<vmem>>, vector<1x16xf32>,
      %swap3A_744 = vector.shape_cast %swap3A_743 : vector<1x16xf32> to vector<16xf32>
      %swap3A_745 = vector.shape_cast %add3A_739 : vector<16xf32> to vector<1x16xf32>
      tpu.vector_store %arg11[%swap3A_741, %swap3A_742], %swap3A_745 {strides = array<i32>} : memref<10x1024xf32, #tpu.memory_space<vmem>>, vector<1x16xf32>,
      %broadcast_in_dim3A_746 = vector.shape_cast %get3A_642 : vector<16xi32> to vector<16x1xi32>
      %gather3A_747 = vector.shape_cast %broadcast_in_dim3A_746 : vector<16x1xi32> to vector<16xi32>
      %gather3A_748 = tpu.dynamic_gather %select_n3A_571[%gather3A_747] in [0] : vector<16xf32>, vector<16xi32> -> vector<16xf32>
      %get3A_749 = arith.constant 15 : i32
      %get3A_750 = arith.index_cast %get3A_749 : i32 to index
      %get3A_751 = arith.index_cast %mul3A_639 : i32 to index
      %get3A_752 = tpu.vector_load %arg10[%get3A_750, %get3A_751] {strides = array<i32>} : memref<20x1024xf32, #tpu.memory_space<vmem>>, vector<1x16xf32>,
      %get3A_753 = vector.shape_cast %get3A_752 : vector<1x16xf32> to vector<16xf32>
      %get3A_754 = arith.constant 5 : i32
      %get3A_755 = arith.index_cast %get3A_754 : i32 to index
      %get3A_756 = arith.index_cast %mul3A_639 : i32 to index
      %get3A_757 = tpu.vector_load %arg10[%get3A_755, %get3A_756] {strides = array<i32>} : memref<20x1024xf32, #tpu.memory_space<vmem>>, vector<1x16xf32>,
      %get3A_758 = vector.shape_cast %get3A_757 : vector<1x16xf32> to vector<16xf32>
      %mul3A_759 = arith.mulf %get3A_758, %gather3A_748 : vector<16xf32>
      %add3A_760 = arith.addf %get3A_753, %mul3A_759 : vector<16xf32>
      %swap3A_761 = arith.constant 5 : i32
      %swap3A_762 = arith.index_cast %swap3A_761 : i32 to index
      %swap3A_763 = arith.index_cast %mul3A_639 : i32 to index
      %swap3A_764 = tpu.vector_load %arg11[%swap3A_762, %swap3A_763] {strides = array<i32>} : memref<10x1024xf32, #tpu.memory_space<vmem>>, vector<1x16xf32>,
      %swap3A_765 = vector.shape_cast %swap3A_764 : vector<1x16xf32> to vector<16xf32>
      %swap3A_766 = vector.shape_cast %add3A_760 : vector<16xf32> to vector<1x16xf32>
      tpu.vector_store %arg11[%swap3A_762, %swap3A_763], %swap3A_766 {strides = array<i32>} : memref<10x1024xf32, #tpu.memory_space<vmem>>, vector<1x16xf32>,
      %broadcast_in_dim3A_767 = vector.shape_cast %get3A_642 : vector<16xi32> to vector<16x1xi32>
      %gather3A_768 = vector.shape_cast %broadcast_in_dim3A_767 : vector<16x1xi32> to vector<16xi32>
      %gather3A_769 = tpu.dynamic_gather %select_n3A_586[%gather3A_768] in [0] : vector<16xf32>, vector<16xi32> -> vector<16xf32>
      %get3A_770 = arith.constant 16 : i32
      %get3A_771 = arith.index_cast %get3A_770 : i32 to index
      %get3A_772 = arith.index_cast %mul3A_639 : i32 to index
      %get3A_773 = tpu.vector_load %arg10[%get3A_771, %get3A_772] {strides = array<i32>} : memref<20x1024xf32, #tpu.memory_space<vmem>>, vector<1x16xf32>,
      %get3A_774 = vector.shape_cast %get3A_773 : vector<1x16xf32> to vector<16xf32>
      %get3A_775 = arith.constant 6 : i32
      %get3A_776 = arith.index_cast %get3A_775 : i32 to index
      %get3A_777 = arith.index_cast %mul3A_639 : i32 to index
      %get3A_778 = tpu.vector_load %arg10[%get3A_776, %get3A_777] {strides = array<i32>} : memref<20x1024xf32, #tpu.memory_space<vmem>>, vector<1x16xf32>,
      %get3A_779 = vector.shape_cast %get3A_778 : vector<1x16xf32> to vector<16xf32>
      %mul3A_780 = arith.mulf %get3A_779, %gather3A_769 : vector<16xf32>
      %add3A_781 = arith.addf %get3A_774, %mul3A_780 : vector<16xf32>
      %swap3A_782 = arith.constant 6 : i32
      %swap3A_783 = arith.index_cast %swap3A_782 : i32 to index
      %swap3A_784 = arith.index_cast %mul3A_639 : i32 to index
      %swap3A_785 = tpu.vector_load %arg11[%swap3A_783, %swap3A_784] {strides = array<i32>} : memref<10x1024xf32, #tpu.memory_space<vmem>>, vector<1x16xf32>,
      %swap3A_786 = vector.shape_cast %swap3A_785 : vector<1x16xf32> to vector<16xf32>
      %swap3A_787 = vector.shape_cast %add3A_781 : vector<16xf32> to vector<1x16xf32>
      tpu.vector_store %arg11[%swap3A_783, %swap3A_784], %swap3A_787 {strides = array<i32>} : memref<10x1024xf32, #tpu.memory_space<vmem>>, vector<1x16xf32>,
      %broadcast_in_dim3A_788 = vector.shape_cast %get3A_642 : vector<16xi32> to vector<16x1xi32>
      %gather3A_789 = vector.shape_cast %broadcast_in_dim3A_788 : vector<16x1xi32> to vector<16xi32>
      %gather3A_790 = tpu.dynamic_gather %select_n3A_601[%gather3A_789] in [0] : vector<16xf32>, vector<16xi32> -> vector<16xf32>
      %get3A_791 = arith.constant 17 : i32
      %get3A_792 = arith.index_cast %get3A_791 : i32 to index
      %get3A_793 = arith.index_cast %mul3A_639 : i32 to index
      %get3A_794 = tpu.vector_load %arg10[%get3A_792, %get3A_793] {strides = array<i32>} : memref<20x1024xf32, #tpu.memory_space<vmem>>, vector<1x16xf32>,
      %get3A_795 = vector.shape_cast %get3A_794 : vector<1x16xf32> to vector<16xf32>
      %get3A_796 = arith.constant 7 : i32
      %get3A_797 = arith.index_cast %get3A_796 : i32 to index
      %get3A_798 = arith.index_cast %mul3A_639 : i32 to index
      %get3A_799 = tpu.vector_load %arg10[%get3A_797, %get3A_798] {strides = array<i32>} : memref<20x1024xf32, #tpu.memory_space<vmem>>, vector<1x16xf32>,
      %get3A_800 = vector.shape_cast %get3A_799 : vector<1x16xf32> to vector<16xf32>
      %mul3A_801 = arith.mulf %get3A_800, %gather3A_790 : vector<16xf32>
      %add3A_802 = arith.addf %get3A_795, %mul3A_801 : vector<16xf32>
      %swap3A_803 = arith.constant 7 : i32
      %swap3A_804 = arith.index_cast %swap3A_803 : i32 to index
      %swap3A_805 = arith.index_cast %mul3A_639 : i32 to index
      %swap3A_806 = tpu.vector_load %arg11[%swap3A_804, %swap3A_805] {strides = array<i32>} : memref<10x1024xf32, #tpu.memory_space<vmem>>, vector<1x16xf32>,
      %swap3A_807 = vector.shape_cast %swap3A_806 : vector<1x16xf32> to vector<16xf32>
      %swap3A_808 = vector.shape_cast %add3A_802 : vector<16xf32> to vector<1x16xf32>
      tpu.vector_store %arg11[%swap3A_804, %swap3A_805], %swap3A_808 {strides = array<i32>} : memref<10x1024xf32, #tpu.memory_space<vmem>>, vector<1x16xf32>,
      %broadcast_in_dim3A_809 = vector.shape_cast %get3A_642 : vector<16xi32> to vector<16x1xi32>
      %gather3A_810 = vector.shape_cast %broadcast_in_dim3A_809 : vector<16x1xi32> to vector<16xi32>
      %gather3A_811 = tpu.dynamic_gather %select_n3A_616[%gather3A_810] in [0] : vector<16xf32>, vector<16xi32> -> vector<16xf32>
      %get3A_812 = arith.constant 18 : i32
      %get3A_813 = arith.index_cast %get3A_812 : i32 to index
      %get3A_814 = arith.index_cast %mul3A_639 : i32 to index
      %get3A_815 = tpu.vector_load %arg10[%get3A_813, %get3A_814] {strides = array<i32>} : memref<20x1024xf32, #tpu.memory_space<vmem>>, vector<1x16xf32>,
      %get3A_816 = vector.shape_cast %get3A_815 : vector<1x16xf32> to vector<16xf32>
      %get3A_817 = arith.constant 8 : i32
      %get3A_818 = arith.index_cast %get3A_817 : i32 to index
      %get3A_819 = arith.index_cast %mul3A_639 : i32 to index
      %get3A_820 = tpu.vector_load %arg10[%get3A_818, %get3A_819] {strides = array<i32>} : memref<20x1024xf32, #tpu.memory_space<vmem>>, vector<1x16xf32>,
      %get3A_821 = vector.shape_cast %get3A_820 : vector<1x16xf32> to vector<16xf32>
      %mul3A_822 = arith.mulf %get3A_821, %gather3A_811 : vector<16xf32>
      %add3A_823 = arith.addf %get3A_816, %mul3A_822 : vector<16xf32>
      %swap3A_824 = arith.constant 8 : i32
      %swap3A_825 = arith.index_cast %swap3A_824 : i32 to index
      %swap3A_826 = arith.index_cast %mul3A_639 : i32 to index
      %swap3A_827 = tpu.vector_load %arg11[%swap3A_825, %swap3A_826] {strides = array<i32>} : memref<10x1024xf32, #tpu.memory_space<vmem>>, vector<1x16xf32>,
      %swap3A_828 = vector.shape_cast %swap3A_827 : vector<1x16xf32> to vector<16xf32>
      %swap3A_829 = vector.shape_cast %add3A_823 : vector<16xf32> to vector<1x16xf32>
      tpu.vector_store %arg11[%swap3A_825, %swap3A_826], %swap3A_829 {strides = array<i32>} : memref<10x1024xf32, #tpu.memory_space<vmem>>, vector<1x16xf32>,
      %broadcast_in_dim3A_830 = vector.shape_cast %get3A_642 : vector<16xi32> to vector<16x1xi32>
      %gather3A_831 = vector.shape_cast %broadcast_in_dim3A_830 : vector<16x1xi32> to vector<16xi32>
      %gather3A_832 = tpu.dynamic_gather %select_n3A_631[%gather3A_831] in [0] : vector<16xf32>, vector<16xi32> -> vector<16xf32>
      %get3A_833 = arith.constant 19 : i32
      %get3A_834 = arith.index_cast %get3A_833 : i32 to index
      %get3A_835 = arith.index_cast %mul3A_639 : i32 to index
      %get3A_836 = tpu.vector_load %arg10[%get3A_834, %get3A_835] {strides = array<i32>} : memref<20x1024xf32, #tpu.memory_space<vmem>>, vector<1x16xf32>,
      %get3A_837 = vector.shape_cast %get3A_836 : vector<1x16xf32> to vector<16xf32>
      %get3A_838 = arith.constant 9 : i32
      %get3A_839 = arith.index_cast %get3A_838 : i32 to index
      %get3A_840 = arith.index_cast %mul3A_639 : i32 to index
      %get3A_841 = tpu.vector_load %arg10[%get3A_839, %get3A_840] {strides = array<i32>} : memref<20x1024xf32, #tpu.memory_space<vmem>>, vector<1x16xf32>,
      %get3A_842 = vector.shape_cast %get3A_841 : vector<1x16xf32> to vector<16xf32>
      %mul3A_843 = arith.mulf %get3A_842, %gather3A_832 : vector<16xf32>
      %add3A_844 = arith.addf %get3A_837, %mul3A_843 : vector<16xf32>
      %swap3A_845 = arith.constant 9 : i32
      %swap3A_846 = arith.index_cast %swap3A_845 : i32 to index
      %swap3A_847 = arith.index_cast %mul3A_639 : i32 to index
      %swap3A_848 = tpu.vector_load %arg11[%swap3A_846, %swap3A_847] {strides = array<i32>} : memref<10x1024xf32, #tpu.memory_space<vmem>>, vector<1x16xf32>,
      %swap3A_849 = vector.shape_cast %swap3A_848 : vector<1x16xf32> to vector<16xf32>
      %swap3A_850 = vector.shape_cast %add3A_844 : vector<16xf32> to vector<1x16xf32>
      tpu.vector_store %arg11[%swap3A_846, %swap3A_847], %swap3A_850 {strides = array<i32>} : memref<10x1024xf32, #tpu.memory_space<vmem>>, vector<1x16xf32>,
      %scan3A_851 = arith.constant 1 : i32
      %scan3A_852 = arith.addi %scan3A_637, %scan3A_851 : i32
      %mul3A_853 = arith.constant 16 : i32
      %mul3A_854 = arith.muli %scan3A_852, %mul3A_853 : i32
      %get3A_855 = arith.index_cast %mul3A_854 : i32 to index
      %get3A_856 = tpu.vector_load %arg7[%get3A_855] {strides = array<i32>} : memref<1024xi32, #tpu.memory_space<vmem>>, vector<16xi32>,
      %get3A_857 = vector.shape_cast %get3A_856 : vector<16xi32> to vector<16xi32>
      %broadcast_in_dim3A_858 = vector.shape_cast %get3A_857 : vector<16xi32> to vector<16x1xi32>
      %gather3A_859 = vector.shape_cast %broadcast_in_dim3A_858 : vector<16x1xi32> to vector<16xi32>
      %gather3A_860 = tpu.dynamic_gather %select_n3A_496[%gather3A_859] in [0] : vector<16xf32>, vector<16xi32> -> vector<16xf32>
      %get3A_861 = arith.constant 10 : i32
      %get3A_862 = arith.index_cast %get3A_861 : i32 to index
      %get3A_863 = arith.index_cast %mul3A_854 : i32 to index
      %get3A_864 = tpu.vector_load %arg10[%get3A_862, %get3A_863] {strides = array<i32>} : memref<20x1024xf32, #tpu.memory_space<vmem>>, vector<1x16xf32>,
      %get3A_865 = vector.shape_cast %get3A_864 : vector<1x16xf32> to vector<16xf32>
      %get3A_866 = arith.constant 0 : i32
      %get3A_867 = arith.index_cast %get3A_866 : i32 to index
      %get3A_868 = arith.index_cast %mul3A_854 : i32 to index
      %get3A_869 = tpu.vector_load %arg10[%get3A_867, %get3A_868] {strides = array<i32>} : memref<20x1024xf32, #tpu.memory_space<vmem>>, vector<1x16xf32>,
      %get3A_870 = vector.shape_cast %get3A_869 : vector<1x16xf32> to vector<16xf32>
      %mul3A_871 = arith.mulf %get3A_870, %gather3A_860 : vector<16xf32>
      %add3A_872 = arith.addf %get3A_865, %mul3A_871 : vector<16xf32>
      %swap3A_873 = arith.constant 0 : i32
      %swap3A_874 = arith.index_cast %swap3A_873 : i32 to index
      %swap3A_875 = arith.index_cast %mul3A_854 : i32 to index
      %swap3A_876 = tpu.vector_load %arg11[%swap3A_874, %swap3A_875] {strides = array<i32>} : memref<10x1024xf32, #tpu.memory_space<vmem>>, vector<1x16xf32>,
      %swap3A_877 = vector.shape_cast %swap3A_876 : vector<1x16xf32> to vector<16xf32>
      %swap3A_878 = vector.shape_cast %add3A_872 : vector<16xf32> to vector<1x16xf32>
      tpu.vector_store %arg11[%swap3A_874, %swap3A_875], %swap3A_878 {strides = array<i32>} : memref<10x1024xf32, #tpu.memory_space<vmem>>, vector<1x16xf32>,
      %broadcast_in_dim3A_879 = vector.shape_cast %get3A_857 : vector<16xi32> to vector<16x1xi32>
      %gather3A_880 = vector.shape_cast %broadcast_in_dim3A_879 : vector<16x1xi32> to vector<16xi32>
      %gather3A_881 = tpu.dynamic_gather %select_n3A_511[%gather3A_880] in [0] : vector<16xf32>, vector<16xi32> -> vector<16xf32>
      %get3A_882 = arith.constant 11 : i32
      %get3A_883 = arith.index_cast %get3A_882 : i32 to index
      %get3A_884 = arith.index_cast %mul3A_854 : i32 to index
      %get3A_885 = tpu.vector_load %arg10[%get3A_883, %get3A_884] {strides = array<i32>} : memref<20x1024xf32, #tpu.memory_space<vmem>>, vector<1x16xf32>,
      %get3A_886 = vector.shape_cast %get3A_885 : vector<1x16xf32> to vector<16xf32>
      %get3A_887 = arith.constant 1 : i32
      %get3A_888 = arith.index_cast %get3A_887 : i32 to index
      %get3A_889 = arith.index_cast %mul3A_854 : i32 to index
      %get3A_890 = tpu.vector_load %arg10[%get3A_888, %get3A_889] {strides = array<i32>} : memref<20x1024xf32, #tpu.memory_space<vmem>>, vector<1x16xf32>,
      %get3A_891 = vector.shape_cast %get3A_890 : vector<1x16xf32> to vector<16xf32>
      %mul3A_892 = arith.mulf %get3A_891, %gather3A_881 : vector<16xf32>
      %add3A_893 = arith.addf %get3A_886, %mul3A_892 : vector<16xf32>
      %swap3A_894 = arith.constant 1 : i32
      %swap3A_895 = arith.index_cast %swap3A_894 : i32 to index
      %swap3A_896 = arith.index_cast %mul3A_854 : i32 to index
      %swap3A_897 = tpu.vector_load %arg11[%swap3A_895, %swap3A_896] {strides = array<i32>} : memref<10x1024xf32, #tpu.memory_space<vmem>>, vector<1x16xf32>,
      %swap3A_898 = vector.shape_cast %swap3A_897 : vector<1x16xf32> to vector<16xf32>
      %swap3A_899 = vector.shape_cast %add3A_893 : vector<16xf32> to vector<1x16xf32>
      tpu.vector_store %arg11[%swap3A_895, %swap3A_896], %swap3A_899 {strides = array<i32>} : memref<10x1024xf32, #tpu.memory_space<vmem>>, vector<1x16xf32>,
      %broadcast_in_dim3A_900 = vector.shape_cast %get3A_857 : vector<16xi32> to vector<16x1xi32>
      %gather3A_901 = vector.shape_cast %broadcast_in_dim3A_900 : vector<16x1xi32> to vector<16xi32>
      %gather3A_902 = tpu.dynamic_gather %select_n3A_526[%gather3A_901] in [0] : vector<16xf32>, vector<16xi32> -> vector<16xf32>
      %get3A_903 = arith.constant 12 : i32
      %get3A_904 = arith.index_cast %get3A_903 : i32 to index
      %get3A_905 = arith.index_cast %mul3A_854 : i32 to index
      %get3A_906 = tpu.vector_load %arg10[%get3A_904, %get3A_905] {strides = array<i32>} : memref<20x1024xf32, #tpu.memory_space<vmem>>, vector<1x16xf32>,
      %get3A_907 = vector.shape_cast %get3A_906 : vector<1x16xf32> to vector<16xf32>
      %get3A_908 = arith.constant 2 : i32
      %get3A_909 = arith.index_cast %get3A_908 : i32 to index
      %get3A_910 = arith.index_cast %mul3A_854 : i32 to index
      %get3A_911 = tpu.vector_load %arg10[%get3A_909, %get3A_910] {strides = array<i32>} : memref<20x1024xf32, #tpu.memory_space<vmem>>, vector<1x16xf32>,
      %get3A_912 = vector.shape_cast %get3A_911 : vector<1x16xf32> to vector<16xf32>
      %mul3A_913 = arith.mulf %get3A_912, %gather3A_902 : vector<16xf32>
      %add3A_914 = arith.addf %get3A_907, %mul3A_913 : vector<16xf32>
      %swap3A_915 = arith.constant 2 : i32
      %swap3A_916 = arith.index_cast %swap3A_915 : i32 to index
      %swap3A_917 = arith.index_cast %mul3A_854 : i32 to index
      %swap3A_918 = tpu.vector_load %arg11[%swap3A_916, %swap3A_917] {strides = array<i32>} : memref<10x1024xf32, #tpu.memory_space<vmem>>, vector<1x16xf32>,
      %swap3A_919 = vector.shape_cast %swap3A_918 : vector<1x16xf32> to vector<16xf32>
      %swap3A_920 = vector.shape_cast %add3A_914 : vector<16xf32> to vector<1x16xf32>
      tpu.vector_store %arg11[%swap3A_916, %swap3A_917], %swap3A_920 {strides = array<i32>} : memref<10x1024xf32, #tpu.memory_space<vmem>>, vector<1x16xf32>,
      %broadcast_in_dim3A_921 = vector.shape_cast %get3A_857 : vector<16xi32> to vector<16x1xi32>
      %gather3A_922 = vector.shape_cast %broadcast_in_dim3A_921 : vector<16x1xi32> to vector<16xi32>
      %gather3A_923 = tpu.dynamic_gather %select_n3A_541[%gather3A_922] in [0] : vector<16xf32>, vector<16xi32> -> vector<16xf32>
      %get3A_924 = arith.constant 13 : i32
      %get3A_925 = arith.index_cast %get3A_924 : i32 to index
      %get3A_926 = arith.index_cast %mul3A_854 : i32 to index
      %get3A_927 = tpu.vector_load %arg10[%get3A_925, %get3A_926] {strides = array<i32>} : memref<20x1024xf32, #tpu.memory_space<vmem>>, vector<1x16xf32>,
      %get3A_928 = vector.shape_cast %get3A_927 : vector<1x16xf32> to vector<16xf32>
      %get3A_929 = arith.constant 3 : i32
      %get3A_930 = arith.index_cast %get3A_929 : i32 to index
      %get3A_931 = arith.index_cast %mul3A_854 : i32 to index
      %get3A_932 = tpu.vector_load %arg10[%get3A_930, %get3A_931] {strides = array<i32>} : memref<20x1024xf32, #tpu.memory_space<vmem>>, vector<1x16xf32>,
      %get3A_933 = vector.shape_cast %get3A_932 : vector<1x16xf32> to vector<16xf32>
      %mul3A_934 = arith.mulf %get3A_933, %gather3A_923 : vector<16xf32>
      %add3A_935 = arith.addf %get3A_928, %mul3A_934 : vector<16xf32>
      %swap3A_936 = arith.constant 3 : i32
      %swap3A_937 = arith.index_cast %swap3A_936 : i32 to index
      %swap3A_938 = arith.index_cast %mul3A_854 : i32 to index
      %swap3A_939 = tpu.vector_load %arg11[%swap3A_937, %swap3A_938] {strides = array<i32>} : memref<10x1024xf32, #tpu.memory_space<vmem>>, vector<1x16xf32>,
      %swap3A_940 = vector.shape_cast %swap3A_939 : vector<1x16xf32> to vector<16xf32>
      %swap3A_941 = vector.shape_cast %add3A_935 : vector<16xf32> to vector<1x16xf32>
      tpu.vector_store %arg11[%swap3A_937, %swap3A_938], %swap3A_941 {strides = array<i32>} : memref<10x1024xf32, #tpu.memory_space<vmem>>, vector<1x16xf32>,
      %broadcast_in_dim3A_942 = vector.shape_cast %get3A_857 : vector<16xi32> to vector<16x1xi32>
      %gather3A_943 = vector.shape_cast %broadcast_in_dim3A_942 : vector<16x1xi32> to vector<16xi32>
      %gather3A_944 = tpu.dynamic_gather %select_n3A_556[%gather3A_943] in [0] : vector<16xf32>, vector<16xi32> -> vector<16xf32>
      %get3A_945 = arith.constant 14 : i32
      %get3A_946 = arith.index_cast %get3A_945 : i32 to index
      %get3A_947 = arith.index_cast %mul3A_854 : i32 to index
      %get3A_948 = tpu.vector_load %arg10[%get3A_946, %get3A_947] {strides = array<i32>} : memref<20x1024xf32, #tpu.memory_space<vmem>>, vector<1x16xf32>,
      %get3A_949 = vector.shape_cast %get3A_948 : vector<1x16xf32> to vector<16xf32>
      %get3A_950 = arith.constant 4 : i32
      %get3A_951 = arith.index_cast %get3A_950 : i32 to index
      %get3A_952 = arith.index_cast %mul3A_854 : i32 to index
      %get3A_953 = tpu.vector_load %arg10[%get3A_951, %get3A_952] {strides = array<i32>} : memref<20x1024xf32, #tpu.memory_space<vmem>>, vector<1x16xf32>,
      %get3A_954 = vector.shape_cast %get3A_953 : vector<1x16xf32> to vector<16xf32>
      %mul3A_955 = arith.mulf %get3A_954, %gather3A_944 : vector<16xf32>
      %add3A_956 = arith.addf %get3A_949, %mul3A_955 : vector<16xf32>
      %swap3A_957 = arith.constant 4 : i32
      %swap3A_958 = arith.index_cast %swap3A_957 : i32 to index
      %swap3A_959 = arith.index_cast %mul3A_854 : i32 to index
      %swap3A_960 = tpu.vector_load %arg11[%swap3A_958, %swap3A_959] {strides = array<i32>} : memref<10x1024xf32, #tpu.memory_space<vmem>>, vector<1x16xf32>,
      %swap3A_961 = vector.shape_cast %swap3A_960 : vector<1x16xf32> to vector<16xf32>
      %swap3A_962 = vector.shape_cast %add3A_956 : vector<16xf32> to vector<1x16xf32>
      tpu.vector_store %arg11[%swap3A_958, %swap3A_959], %swap3A_962 {strides = array<i32>} : memref<10x1024xf32, #tpu.memory_space<vmem>>, vector<1x16xf32>,
      %broadcast_in_dim3A_963 = vector.shape_cast %get3A_857 : vector<16xi32> to vector<16x1xi32>
      %gather3A_964 = vector.shape_cast %broadcast_in_dim3A_963 : vector<16x1xi32> to vector<16xi32>
      %gather3A_965 = tpu.dynamic_gather %select_n3A_571[%gather3A_964] in [0] : vector<16xf32>, vector<16xi32> -> vector<16xf32>
      %get3A_966 = arith.constant 15 : i32
      %get3A_967 = arith.index_cast %get3A_966 : i32 to index
      %get3A_968 = arith.index_cast %mul3A_854 : i32 to index
      %get3A_969 = tpu.vector_load %arg10[%get3A_967, %get3A_968] {strides = array<i32>} : memref<20x1024xf32, #tpu.memory_space<vmem>>, vector<1x16xf32>,
      %get3A_970 = vector.shape_cast %get3A_969 : vector<1x16xf32> to vector<16xf32>
      %get3A_971 = arith.constant 5 : i32
      %get3A_972 = arith.index_cast %get3A_971 : i32 to index
      %get3A_973 = arith.index_cast %mul3A_854 : i32 to index
      %get3A_974 = tpu.vector_load %arg10[%get3A_972, %get3A_973] {strides = array<i32>} : memref<20x1024xf32, #tpu.memory_space<vmem>>, vector<1x16xf32>,
      %get3A_975 = vector.shape_cast %get3A_974 : vector<1x16xf32> to vector<16xf32>
      %mul3A_976 = arith.mulf %get3A_975, %gather3A_965 : vector<16xf32>
      %add3A_977 = arith.addf %get3A_970, %mul3A_976 : vector<16xf32>
      %swap3A_978 = arith.constant 5 : i32
      %swap3A_979 = arith.index_cast %swap3A_978 : i32 to index
      %swap3A_980 = arith.index_cast %mul3A_854 : i32 to index
      %swap3A_981 = tpu.vector_load %arg11[%swap3A_979, %swap3A_980] {strides = array<i32>} : memref<10x1024xf32, #tpu.memory_space<vmem>>, vector<1x16xf32>,
      %swap3A_982 = vector.shape_cast %swap3A_981 : vector<1x16xf32> to vector<16xf32>
      %swap3A_983 = vector.shape_cast %add3A_977 : vector<16xf32> to vector<1x16xf32>
      tpu.vector_store %arg11[%swap3A_979, %swap3A_980], %swap3A_983 {strides = array<i32>} : memref<10x1024xf32, #tpu.memory_space<vmem>>, vector<1x16xf32>,
      %broadcast_in_dim3A_984 = vector.shape_cast %get3A_857 : vector<16xi32> to vector<16x1xi32>
      %gather3A_985 = vector.shape_cast %broadcast_in_dim3A_984 : vector<16x1xi32> to vector<16xi32>
      %gather3A_986 = tpu.dynamic_gather %select_n3A_586[%gather3A_985] in [0] : vector<16xf32>, vector<16xi32> -> vector<16xf32>
      %get3A_987 = arith.constant 16 : i32
      %get3A_988 = arith.index_cast %get3A_987 : i32 to index
      %get3A_989 = arith.index_cast %mul3A_854 : i32 to index
      %get3A_990 = tpu.vector_load %arg10[%get3A_988, %get3A_989] {strides = array<i32>} : memref<20x1024xf32, #tpu.memory_space<vmem>>, vector<1x16xf32>,
      %get3A_991 = vector.shape_cast %get3A_990 : vector<1x16xf32> to vector<16xf32>
      %get3A_992 = arith.constant 6 : i32
      %get3A_993 = arith.index_cast %get3A_992 : i32 to index
      %get3A_994 = arith.index_cast %mul3A_854 : i32 to index
      %get3A_995 = tpu.vector_load %arg10[%get3A_993, %get3A_994] {strides = array<i32>} : memref<20x1024xf32, #tpu.memory_space<vmem>>, vector<1x16xf32>,
      %get3A_996 = vector.shape_cast %get3A_995 : vector<1x16xf32> to vector<16xf32>
      %mul3A_997 = arith.mulf %get3A_996, %gather3A_986 : vector<16xf32>
      %add3A_998 = arith.addf %get3A_991, %mul3A_997 : vector<16xf32>
      %swap3A_999 = arith.constant 6 : i32
      %swap3A_1000 = arith.index_cast %swap3A_999 : i32 to index
      %swap3A_1001 = arith.index_cast %mul3A_854 : i32 to index
      %swap3A_1002 = tpu.vector_load %arg11[%swap3A_1000, %swap3A_1001] {strides = array<i32>} : memref<10x1024xf32, #tpu.memory_space<vmem>>, vector<1x16xf32>,
      %swap3A_1003 = vector.shape_cast %swap3A_1002 : vector<1x16xf32> to vector<16xf32>
      %swap3A_1004 = vector.shape_cast %add3A_998 : vector<16xf32> to vector<1x16xf32>
      tpu.vector_store %arg11[%swap3A_1000, %swap3A_1001], %swap3A_1004 {strides = array<i32>} : memref<10x1024xf32, #tpu.memory_space<vmem>>, vector<1x16xf32>,
      %broadcast_in_dim3A_1005 = vector.shape_cast %get3A_857 : vector<16xi32> to vector<16x1xi32>
      %gather3A_1006 = vector.shape_cast %broadcast_in_dim3A_1005 : vector<16x1xi32> to vector<16xi32>
      %gather3A_1007 = tpu.dynamic_gather %select_n3A_601[%gather3A_1006] in [0] : vector<16xf32>, vector<16xi32> -> vector<16xf32>
      %get3A_1008 = arith.constant 17 : i32
      %get3A_1009 = arith.index_cast %get3A_1008 : i32 to index
      %get3A_1010 = arith.index_cast %mul3A_854 : i32 to index
      %get3A_1011 = tpu.vector_load %arg10[%get3A_1009, %get3A_1010] {strides = array<i32>} : memref<20x1024xf32, #tpu.memory_space<vmem>>, vector<1x16xf32>,
      %get3A_1012 = vector.shape_cast %get3A_1011 : vector<1x16xf32> to vector<16xf32>
      %get3A_1013 = arith.constant 7 : i32
      %get3A_1014 = arith.index_cast %get3A_1013 : i32 to index
      %get3A_1015 = arith.index_cast %mul3A_854 : i32 to index
      %get3A_1016 = tpu.vector_load %arg10[%get3A_1014, %get3A_1015] {strides = array<i32>} : memref<20x1024xf32, #tpu.memory_space<vmem>>, vector<1x16xf32>,
      %get3A_1017 = vector.shape_cast %get3A_1016 : vector<1x16xf32> to vector<16xf32>
      %mul3A_1018 = arith.mulf %get3A_1017, %gather3A_1007 : vector<16xf32>
      %add3A_1019 = arith.addf %get3A_1012, %mul3A_1018 : vector<16xf32>
      %swap3A_1020 = arith.constant 7 : i32
      %swap3A_1021 = arith.index_cast %swap3A_1020 : i32 to index
      %swap3A_1022 = arith.index_cast %mul3A_854 : i32 to index
      %swap3A_1023 = tpu.vector_load %arg11[%swap3A_1021, %swap3A_1022] {strides = array<i32>} : memref<10x1024xf32, #tpu.memory_space<vmem>>, vector<1x16xf32>,
      %swap3A_1024 = vector.shape_cast %swap3A_1023 : vector<1x16xf32> to vector<16xf32>
      %swap3A_1025 = vector.shape_cast %add3A_1019 : vector<16xf32> to vector<1x16xf32>
      tpu.vector_store %arg11[%swap3A_1021, %swap3A_1022], %swap3A_1025 {strides = array<i32>} : memref<10x1024xf32, #tpu.memory_space<vmem>>, vector<1x16xf32>,
      %broadcast_in_dim3A_1026 = vector.shape_cast %get3A_857 : vector<16xi32> to vector<16x1xi32>
      %gather3A_1027 = vector.shape_cast %broadcast_in_dim3A_1026 : vector<16x1xi32> to vector<16xi32>
      %gather3A_1028 = tpu.dynamic_gather %select_n3A_616[%gather3A_1027] in [0] : vector<16xf32>, vector<16xi32> -> vector<16xf32>
      %get3A_1029 = arith.constant 18 : i32
      %get3A_1030 = arith.index_cast %get3A_1029 : i32 to index
      %get3A_1031 = arith.index_cast %mul3A_854 : i32 to index
      %get3A_1032 = tpu.vector_load %arg10[%get3A_1030, %get3A_1031] {strides = array<i32>} : memref<20x1024xf32, #tpu.memory_space<vmem>>, vector<1x16xf32>,
      %get3A_1033 = vector.shape_cast %get3A_1032 : vector<1x16xf32> to vector<16xf32>
      %get3A_1034 = arith.constant 8 : i32
      %get3A_1035 = arith.index_cast %get3A_1034 : i32 to index
      %get3A_1036 = arith.index_cast %mul3A_854 : i32 to index
      %get3A_1037 = tpu.vector_load %arg10[%get3A_1035, %get3A_1036] {strides = array<i32>} : memref<20x1024xf32, #tpu.memory_space<vmem>>, vector<1x16xf32>,
      %get3A_1038 = vector.shape_cast %get3A_1037 : vector<1x16xf32> to vector<16xf32>
      %mul3A_1039 = arith.mulf %get3A_1038, %gather3A_1028 : vector<16xf32>
      %add3A_1040 = arith.addf %get3A_1033, %mul3A_1039 : vector<16xf32>
      %swap3A_1041 = arith.constant 8 : i32
      %swap3A_1042 = arith.index_cast %swap3A_1041 : i32 to index
      %swap3A_1043 = arith.index_cast %mul3A_854 : i32 to index
      %swap3A_1044 = tpu.vector_load %arg11[%swap3A_1042, %swap3A_1043] {strides = array<i32>} : memref<10x1024xf32, #tpu.memory_space<vmem>>, vector<1x16xf32>,
      %swap3A_1045 = vector.shape_cast %swap3A_1044 : vector<1x16xf32> to vector<16xf32>
      %swap3A_1046 = vector.shape_cast %add3A_1040 : vector<16xf32> to vector<1x16xf32>
      tpu.vector_store %arg11[%swap3A_1042, %swap3A_1043], %swap3A_1046 {strides = array<i32>} : memref<10x1024xf32, #tpu.memory_space<vmem>>, vector<1x16xf32>,
      %broadcast_in_dim3A_1047 = vector.shape_cast %get3A_857 : vector<16xi32> to vector<16x1xi32>
      %gather3A_1048 = vector.shape_cast %broadcast_in_dim3A_1047 : vector<16x1xi32> to vector<16xi32>
      %gather3A_1049 = tpu.dynamic_gather %select_n3A_631[%gather3A_1048] in [0] : vector<16xf32>, vector<16xi32> -> vector<16xf32>
      %get3A_1050 = arith.constant 19 : i32
      %get3A_1051 = arith.index_cast %get3A_1050 : i32 to index
      %get3A_1052 = arith.index_cast %mul3A_854 : i32 to index
      %get3A_1053 = tpu.vector_load %arg10[%get3A_1051, %get3A_1052] {strides = array<i32>} : memref<20x1024xf32, #tpu.memory_space<vmem>>, vector<1x16xf32>,
      %get3A_1054 = vector.shape_cast %get3A_1053 : vector<1x16xf32> to vector<16xf32>
      %get3A_1055 = arith.constant 9 : i32
      %get3A_1056 = arith.index_cast %get3A_1055 : i32 to index
      %get3A_1057 = arith.index_cast %mul3A_854 : i32 to index
      %get3A_1058 = tpu.vector_load %arg10[%get3A_1056, %get3A_1057] {strides = array<i32>} : memref<20x1024xf32, #tpu.memory_space<vmem>>, vector<1x16xf32>,
      %get3A_1059 = vector.shape_cast %get3A_1058 : vector<1x16xf32> to vector<16xf32>
      %mul3A_1060 = arith.mulf %get3A_1059, %gather3A_1049 : vector<16xf32>
      %add3A_1061 = arith.addf %get3A_1054, %mul3A_1060 : vector<16xf32>
      %swap3A_1062 = arith.constant 9 : i32
      %swap3A_1063 = arith.index_cast %swap3A_1062 : i32 to index
      %swap3A_1064 = arith.index_cast %mul3A_854 : i32 to index
      %swap3A_1065 = tpu.vector_load %arg11[%swap3A_1063, %swap3A_1064] {strides = array<i32>} : memref<10x1024xf32, #tpu.memory_space<vmem>>, vector<1x16xf32>,
      %swap3A_1066 = vector.shape_cast %swap3A_1065 : vector<1x16xf32> to vector<16xf32>
      %swap3A_1067 = vector.shape_cast %add3A_1061 : vector<16xf32> to vector<1x16xf32>
      tpu.vector_store %arg11[%swap3A_1063, %swap3A_1064], %swap3A_1067 {strides = array<i32>} : memref<10x1024xf32, #tpu.memory_space<vmem>>, vector<1x16xf32>,
      %scan3A_1068 = arith.constant 2 : i32
      %scan3A_1069 = arith.addi %scan3A_637, %scan3A_1068 : i32
      %mul3A_1070 = arith.constant 16 : i32
      %mul3A_1071 = arith.muli %scan3A_1069, %mul3A_1070 : i32
      %get3A_1072 = arith.index_cast %mul3A_1071 : i32 to index
      %get3A_1073 = tpu.vector_load %arg7[%get3A_1072] {strides = array<i32>} : memref<1024xi32, #tpu.memory_space<vmem>>, vector<16xi32>,
      %get3A_1074 = vector.shape_cast %get3A_1073 : vector<16xi32> to vector<16xi32>
      %broadcast_in_dim3A_1075 = vector.shape_cast %get3A_1074 : vector<16xi32> to vector<16x1xi32>
      %gather3A_1076 = vector.shape_cast %broadcast_in_dim3A_1075 : vector<16x1xi32> to vector<16xi32>
      %gather3A_1077 = tpu.dynamic_gather %select_n3A_496[%gather3A_1076] in [0] : vector<16xf32>, vector<16xi32> -> vector<16xf32>
      %get3A_1078 = arith.constant 10 : i32
      %get3A_1079 = arith.index_cast %get3A_1078 : i32 to index
      %get3A_1080 = arith.index_cast %mul3A_1071 : i32 to index
      %get3A_1081 = tpu.vector_load %arg10[%get3A_1079, %get3A_1080] {strides = array<i32>} : memref<20x1024xf32, #tpu.memory_space<vmem>>, vector<1x16xf32>,
      %get3A_1082 = vector.shape_cast %get3A_1081 : vector<1x16xf32> to vector<16xf32>
      %get3A_1083 = arith.constant 0 : i32
      %get3A_1084 = arith.index_cast %get3A_1083 : i32 to index
      %get3A_1085 = arith.index_cast %mul3A_1071 : i32 to index
      %get3A_1086 = tpu.vector_load %arg10[%get3A_1084, %get3A_1085] {strides = array<i32>} : memref<20x1024xf32, #tpu.memory_space<vmem>>, vector<1x16xf32>,
      %get3A_1087 = vector.shape_cast %get3A_1086 : vector<1x16xf32> to vector<16xf32>
      %mul3A_1088 = arith.mulf %get3A_1087, %gather3A_1077 : vector<16xf32>
      %add3A_1089 = arith.addf %get3A_1082, %mul3A_1088 : vector<16xf32>
      %swap3A_1090 = arith.constant 0 : i32
      %swap3A_1091 = arith.index_cast %swap3A_1090 : i32 to index
      %swap3A_1092 = arith.index_cast %mul3A_1071 : i32 to index
      %swap3A_1093 = tpu.vector_load %arg11[%swap3A_1091, %swap3A_1092] {strides = array<i32>} : memref<10x1024xf32, #tpu.memory_space<vmem>>, vector<1x16xf32>,
      %swap3A_1094 = vector.shape_cast %swap3A_1093 : vector<1x16xf32> to vector<16xf32>
      %swap3A_1095 = vector.shape_cast %add3A_1089 : vector<16xf32> to vector<1x16xf32>
      tpu.vector_store %arg11[%swap3A_1091, %swap3A_1092], %swap3A_1095 {strides = array<i32>} : memref<10x1024xf32, #tpu.memory_space<vmem>>, vector<1x16xf32>,
      %broadcast_in_dim3A_1096 = vector.shape_cast %get3A_1074 : vector<16xi32> to vector<16x1xi32>
      %gather3A_1097 = vector.shape_cast %broadcast_in_dim3A_1096 : vector<16x1xi32> to vector<16xi32>
      %gather3A_1098 = tpu.dynamic_gather %select_n3A_511[%gather3A_1097] in [0] : vector<16xf32>, vector<16xi32> -> vector<16xf32>
      %get3A_1099 = arith.constant 11 : i32
      %get3A_1100 = arith.index_cast %get3A_1099 : i32 to index
      %get3A_1101 = arith.index_cast %mul3A_1071 : i32 to index
      %get3A_1102 = tpu.vector_load %arg10[%get3A_1100, %get3A_1101] {strides = array<i32>} : memref<20x1024xf32, #tpu.memory_space<vmem>>, vector<1x16xf32>,
      %get3A_1103 = vector.shape_cast %get3A_1102 : vector<1x16xf32> to vector<16xf32>
      %get3A_1104 = arith.constant 1 : i32
      %get3A_1105 = arith.index_cast %get3A_1104 : i32 to index
      %get3A_1106 = arith.index_cast %mul3A_1071 : i32 to index
      %get3A_1107 = tpu.vector_load %arg10[%get3A_1105, %get3A_1106] {strides = array<i32>} : memref<20x1024xf32, #tpu.memory_space<vmem>>, vector<1x16xf32>,
      %get3A_1108 = vector.shape_cast %get3A_1107 : vector<1x16xf32> to vector<16xf32>
      %mul3A_1109 = arith.mulf %get3A_1108, %gather3A_1098 : vector<16xf32>
      %add3A_1110 = arith.addf %get3A_1103, %mul3A_1109 : vector<16xf32>
      %swap3A_1111 = arith.constant 1 : i32
      %swap3A_1112 = arith.index_cast %swap3A_1111 : i32 to index
      %swap3A_1113 = arith.index_cast %mul3A_1071 : i32 to index
      %swap3A_1114 = tpu.vector_load %arg11[%swap3A_1112, %swap3A_1113] {strides = array<i32>} : memref<10x1024xf32, #tpu.memory_space<vmem>>, vector<1x16xf32>,
      %swap3A_1115 = vector.shape_cast %swap3A_1114 : vector<1x16xf32> to vector<16xf32>
      %swap3A_1116 = vector.shape_cast %add3A_1110 : vector<16xf32> to vector<1x16xf32>
      tpu.vector_store %arg11[%swap3A_1112, %swap3A_1113], %swap3A_1116 {strides = array<i32>} : memref<10x1024xf32, #tpu.memory_space<vmem>>, vector<1x16xf32>,
      %broadcast_in_dim3A_1117 = vector.shape_cast %get3A_1074 : vector<16xi32> to vector<16x1xi32>
      %gather3A_1118 = vector.shape_cast %broadcast_in_dim3A_1117 : vector<16x1xi32> to vector<16xi32>
      %gather3A_1119 = tpu.dynamic_gather %select_n3A_526[%gather3A_1118] in [0] : vector<16xf32>, vector<16xi32> -> vector<16xf32>
      %get3A_1120 = arith.constant 12 : i32
      %get3A_1121 = arith.index_cast %get3A_1120 : i32 to index
      %get3A_1122 = arith.index_cast %mul3A_1071 : i32 to index
      %get3A_1123 = tpu.vector_load %arg10[%get3A_1121, %get3A_1122] {strides = array<i32>} : memref<20x1024xf32, #tpu.memory_space<vmem>>, vector<1x16xf32>,
      %get3A_1124 = vector.shape_cast %get3A_1123 : vector<1x16xf32> to vector<16xf32>
      %get3A_1125 = arith.constant 2 : i32
      %get3A_1126 = arith.index_cast %get3A_1125 : i32 to index
      %get3A_1127 = arith.index_cast %mul3A_1071 : i32 to index
      %get3A_1128 = tpu.vector_load %arg10[%get3A_1126, %get3A_1127] {strides = array<i32>} : memref<20x1024xf32, #tpu.memory_space<vmem>>, vector<1x16xf32>,
      %get3A_1129 = vector.shape_cast %get3A_1128 : vector<1x16xf32> to vector<16xf32>
      %mul3A_1130 = arith.mulf %get3A_1129, %gather3A_1119 : vector<16xf32>
      %add3A_1131 = arith.addf %get3A_1124, %mul3A_1130 : vector<16xf32>
      %swap3A_1132 = arith.constant 2 : i32
      %swap3A_1133 = arith.index_cast %swap3A_1132 : i32 to index
      %swap3A_1134 = arith.index_cast %mul3A_1071 : i32 to index
      %swap3A_1135 = tpu.vector_load %arg11[%swap3A_1133, %swap3A_1134] {strides = array<i32>} : memref<10x1024xf32, #tpu.memory_space<vmem>>, vector<1x16xf32>,
      %swap3A_1136 = vector.shape_cast %swap3A_1135 : vector<1x16xf32> to vector<16xf32>
      %swap3A_1137 = vector.shape_cast %add3A_1131 : vector<16xf32> to vector<1x16xf32>
      tpu.vector_store %arg11[%swap3A_1133, %swap3A_1134], %swap3A_1137 {strides = array<i32>} : memref<10x1024xf32, #tpu.memory_space<vmem>>, vector<1x16xf32>,
      %broadcast_in_dim3A_1138 = vector.shape_cast %get3A_1074 : vector<16xi32> to vector<16x1xi32>
      %gather3A_1139 = vector.shape_cast %broadcast_in_dim3A_1138 : vector<16x1xi32> to vector<16xi32>
      %gather3A_1140 = tpu.dynamic_gather %select_n3A_541[%gather3A_1139] in [0] : vector<16xf32>, vector<16xi32> -> vector<16xf32>
      %get3A_1141 = arith.constant 13 : i32
      %get3A_1142 = arith.index_cast %get3A_1141 : i32 to index
      %get3A_1143 = arith.index_cast %mul3A_1071 : i32 to index
      %get3A_1144 = tpu.vector_load %arg10[%get3A_1142, %get3A_1143] {strides = array<i32>} : memref<20x1024xf32, #tpu.memory_space<vmem>>, vector<1x16xf32>,
      %get3A_1145 = vector.shape_cast %get3A_1144 : vector<1x16xf32> to vector<16xf32>
      %get3A_1146 = arith.constant 3 : i32
      %get3A_1147 = arith.index_cast %get3A_1146 : i32 to index
      %get3A_1148 = arith.index_cast %mul3A_1071 : i32 to index
      %get3A_1149 = tpu.vector_load %arg10[%get3A_1147, %get3A_1148] {strides = array<i32>} : memref<20x1024xf32, #tpu.memory_space<vmem>>, vector<1x16xf32>,
      %get3A_1150 = vector.shape_cast %get3A_1149 : vector<1x16xf32> to vector<16xf32>
      %mul3A_1151 = arith.mulf %get3A_1150, %gather3A_1140 : vector<16xf32>
      %add3A_1152 = arith.addf %get3A_1145, %mul3A_1151 : vector<16xf32>
      %swap3A_1153 = arith.constant 3 : i32
      %swap3A_1154 = arith.index_cast %swap3A_1153 : i32 to index
      %swap3A_1155 = arith.index_cast %mul3A_1071 : i32 to index
      %swap3A_1156 = tpu.vector_load %arg11[%swap3A_1154, %swap3A_1155] {strides = array<i32>} : memref<10x1024xf32, #tpu.memory_space<vmem>>, vector<1x16xf32>,
      %swap3A_1157 = vector.shape_cast %swap3A_1156 : vector<1x16xf32> to vector<16xf32>
      %swap3A_1158 = vector.shape_cast %add3A_1152 : vector<16xf32> to vector<1x16xf32>
      tpu.vector_store %arg11[%swap3A_1154, %swap3A_1155], %swap3A_1158 {strides = array<i32>} : memref<10x1024xf32, #tpu.memory_space<vmem>>, vector<1x16xf32>,
      %broadcast_in_dim3A_1159 = vector.shape_cast %get3A_1074 : vector<16xi32> to vector<16x1xi32>
      %gather3A_1160 = vector.shape_cast %broadcast_in_dim3A_1159 : vector<16x1xi32> to vector<16xi32>
      %gather3A_1161 = tpu.dynamic_gather %select_n3A_556[%gather3A_1160] in [0] : vector<16xf32>, vector<16xi32> -> vector<16xf32>
      %get3A_1162 = arith.constant 14 : i32
      %get3A_1163 = arith.index_cast %get3A_1162 : i32 to index
      %get3A_1164 = arith.index_cast %mul3A_1071 : i32 to index
      %get3A_1165 = tpu.vector_load %arg10[%get3A_1163, %get3A_1164] {strides = array<i32>} : memref<20x1024xf32, #tpu.memory_space<vmem>>, vector<1x16xf32>,
      %get3A_1166 = vector.shape_cast %get3A_1165 : vector<1x16xf32> to vector<16xf32>
      %get3A_1167 = arith.constant 4 : i32
      %get3A_1168 = arith.index_cast %get3A_1167 : i32 to index
      %get3A_1169 = arith.index_cast %mul3A_1071 : i32 to index
      %get3A_1170 = tpu.vector_load %arg10[%get3A_1168, %get3A_1169] {strides = array<i32>} : memref<20x1024xf32, #tpu.memory_space<vmem>>, vector<1x16xf32>,
      %get3A_1171 = vector.shape_cast %get3A_1170 : vector<1x16xf32> to vector<16xf32>
      %mul3A_1172 = arith.mulf %get3A_1171, %gather3A_1161 : vector<16xf32>
      %add3A_1173 = arith.addf %get3A_1166, %mul3A_1172 : vector<16xf32>
      %swap3A_1174 = arith.constant 4 : i32
      %swap3A_1175 = arith.index_cast %swap3A_1174 : i32 to index
      %swap3A_1176 = arith.index_cast %mul3A_1071 : i32 to index
      %swap3A_1177 = tpu.vector_load %arg11[%swap3A_1175, %swap3A_1176] {strides = array<i32>} : memref<10x1024xf32, #tpu.memory_space<vmem>>, vector<1x16xf32>,
      %swap3A_1178 = vector.shape_cast %swap3A_1177 : vector<1x16xf32> to vector<16xf32>
      %swap3A_1179 = vector.shape_cast %add3A_1173 : vector<16xf32> to vector<1x16xf32>
      tpu.vector_store %arg11[%swap3A_1175, %swap3A_1176], %swap3A_1179 {strides = array<i32>} : memref<10x1024xf32, #tpu.memory_space<vmem>>, vector<1x16xf32>,
      %broadcast_in_dim3A_1180 = vector.shape_cast %get3A_1074 : vector<16xi32> to vector<16x1xi32>
      %gather3A_1181 = vector.shape_cast %broadcast_in_dim3A_1180 : vector<16x1xi32> to vector<16xi32>
      %gather3A_1182 = tpu.dynamic_gather %select_n3A_571[%gather3A_1181] in [0] : vector<16xf32>, vector<16xi32> -> vector<16xf32>
      %get3A_1183 = arith.constant 15 : i32
      %get3A_1184 = arith.index_cast %get3A_1183 : i32 to index
      %get3A_1185 = arith.index_cast %mul3A_1071 : i32 to index
      %get3A_1186 = tpu.vector_load %arg10[%get3A_1184, %get3A_1185] {strides = array<i32>} : memref<20x1024xf32, #tpu.memory_space<vmem>>, vector<1x16xf32>,
      %get3A_1187 = vector.shape_cast %get3A_1186 : vector<1x16xf32> to vector<16xf32>
      %get3A_1188 = arith.constant 5 : i32
      %get3A_1189 = arith.index_cast %get3A_1188 : i32 to index
      %get3A_1190 = arith.index_cast %mul3A_1071 : i32 to index
      %get3A_1191 = tpu.vector_load %arg10[%get3A_1189, %get3A_1190] {strides = array<i32>} : memref<20x1024xf32, #tpu.memory_space<vmem>>, vector<1x16xf32>,
      %get3A_1192 = vector.shape_cast %get3A_1191 : vector<1x16xf32> to vector<16xf32>
      %mul3A_1193 = arith.mulf %get3A_1192, %gather3A_1182 : vector<16xf32>
      %add3A_1194 = arith.addf %get3A_1187, %mul3A_1193 : vector<16xf32>
      %swap3A_1195 = arith.constant 5 : i32
      %swap3A_1196 = arith.index_cast %swap3A_1195 : i32 to index
      %swap3A_1197 = arith.index_cast %mul3A_1071 : i32 to index
      %swap3A_1198 = tpu.vector_load %arg11[%swap3A_1196, %swap3A_1197] {strides = array<i32>} : memref<10x1024xf32, #tpu.memory_space<vmem>>, vector<1x16xf32>,
      %swap3A_1199 = vector.shape_cast %swap3A_1198 : vector<1x16xf32> to vector<16xf32>
      %swap3A_1200 = vector.shape_cast %add3A_1194 : vector<16xf32> to vector<1x16xf32>
      tpu.vector_store %arg11[%swap3A_1196, %swap3A_1197], %swap3A_1200 {strides = array<i32>} : memref<10x1024xf32, #tpu.memory_space<vmem>>, vector<1x16xf32>,
      %broadcast_in_dim3A_1201 = vector.shape_cast %get3A_1074 : vector<16xi32> to vector<16x1xi32>
      %gather3A_1202 = vector.shape_cast %broadcast_in_dim3A_1201 : vector<16x1xi32> to vector<16xi32>
      %gather3A_1203 = tpu.dynamic_gather %select_n3A_586[%gather3A_1202] in [0] : vector<16xf32>, vector<16xi32> -> vector<16xf32>
      %get3A_1204 = arith.constant 16 : i32
      %get3A_1205 = arith.index_cast %get3A_1204 : i32 to index
      %get3A_1206 = arith.index_cast %mul3A_1071 : i32 to index
      %get3A_1207 = tpu.vector_load %arg10[%get3A_1205, %get3A_1206] {strides = array<i32>} : memref<20x1024xf32, #tpu.memory_space<vmem>>, vector<1x16xf32>,
      %get3A_1208 = vector.shape_cast %get3A_1207 : vector<1x16xf32> to vector<16xf32>
      %get3A_1209 = arith.constant 6 : i32
      %get3A_1210 = arith.index_cast %get3A_1209 : i32 to index
      %get3A_1211 = arith.index_cast %mul3A_1071 : i32 to index
      %get3A_1212 = tpu.vector_load %arg10[%get3A_1210, %get3A_1211] {strides = array<i32>} : memref<20x1024xf32, #tpu.memory_space<vmem>>, vector<1x16xf32>,
      %get3A_1213 = vector.shape_cast %get3A_1212 : vector<1x16xf32> to vector<16xf32>
      %mul3A_1214 = arith.mulf %get3A_1213, %gather3A_1203 : vector<16xf32>
      %add3A_1215 = arith.addf %get3A_1208, %mul3A_1214 : vector<16xf32>
      %swap3A_1216 = arith.constant 6 : i32
      %swap3A_1217 = arith.index_cast %swap3A_1216 : i32 to index
      %swap3A_1218 = arith.index_cast %mul3A_1071 : i32 to index
      %swap3A_1219 = tpu.vector_load %arg11[%swap3A_1217, %swap3A_1218] {strides = array<i32>} : memref<10x1024xf32, #tpu.memory_space<vmem>>, vector<1x16xf32>,
      %swap3A_1220 = vector.shape_cast %swap3A_1219 : vector<1x16xf32> to vector<16xf32>
      %swap3A_1221 = vector.shape_cast %add3A_1215 : vector<16xf32> to vector<1x16xf32>
      tpu.vector_store %arg11[%swap3A_1217, %swap3A_1218], %swap3A_1221 {strides = array<i32>} : memref<10x1024xf32, #tpu.memory_space<vmem>>, vector<1x16xf32>,
      %broadcast_in_dim3A_1222 = vector.shape_cast %get3A_1074 : vector<16xi32> to vector<16x1xi32>
      %gather3A_1223 = vector.shape_cast %broadcast_in_dim3A_1222 : vector<16x1xi32> to vector<16xi32>
      %gather3A_1224 = tpu.dynamic_gather %select_n3A_601[%gather3A_1223] in [0] : vector<16xf32>, vector<16xi32> -> vector<16xf32>
      %get3A_1225 = arith.constant 17 : i32
      %get3A_1226 = arith.index_cast %get3A_1225 : i32 to index
      %get3A_1227 = arith.index_cast %mul3A_1071 : i32 to index
      %get3A_1228 = tpu.vector_load %arg10[%get3A_1226, %get3A_1227] {strides = array<i32>} : memref<20x1024xf32, #tpu.memory_space<vmem>>, vector<1x16xf32>,
      %get3A_1229 = vector.shape_cast %get3A_1228 : vector<1x16xf32> to vector<16xf32>
      %get3A_1230 = arith.constant 7 : i32
      %get3A_1231 = arith.index_cast %get3A_1230 : i32 to index
      %get3A_1232 = arith.index_cast %mul3A_1071 : i32 to index
      %get3A_1233 = tpu.vector_load %arg10[%get3A_1231, %get3A_1232] {strides = array<i32>} : memref<20x1024xf32, #tpu.memory_space<vmem>>, vector<1x16xf32>,
      %get3A_1234 = vector.shape_cast %get3A_1233 : vector<1x16xf32> to vector<16xf32>
      %mul3A_1235 = arith.mulf %get3A_1234, %gather3A_1224 : vector<16xf32>
      %add3A_1236 = arith.addf %get3A_1229, %mul3A_1235 : vector<16xf32>
      %swap3A_1237 = arith.constant 7 : i32
      %swap3A_1238 = arith.index_cast %swap3A_1237 : i32 to index
      %swap3A_1239 = arith.index_cast %mul3A_1071 : i32 to index
      %swap3A_1240 = tpu.vector_load %arg11[%swap3A_1238, %swap3A_1239] {strides = array<i32>} : memref<10x1024xf32, #tpu.memory_space<vmem>>, vector<1x16xf32>,
      %swap3A_1241 = vector.shape_cast %swap3A_1240 : vector<1x16xf32> to vector<16xf32>
      %swap3A_1242 = vector.shape_cast %add3A_1236 : vector<16xf32> to vector<1x16xf32>
      tpu.vector_store %arg11[%swap3A_1238, %swap3A_1239], %swap3A_1242 {strides = array<i32>} : memref<10x1024xf32, #tpu.memory_space<vmem>>, vector<1x16xf32>,
      %broadcast_in_dim3A_1243 = vector.shape_cast %get3A_1074 : vector<16xi32> to vector<16x1xi32>
      %gather3A_1244 = vector.shape_cast %broadcast_in_dim3A_1243 : vector<16x1xi32> to vector<16xi32>
      %gather3A_1245 = tpu.dynamic_gather %select_n3A_616[%gather3A_1244] in [0] : vector<16xf32>, vector<16xi32> -> vector<16xf32>
      %get3A_1246 = arith.constant 18 : i32
      %get3A_1247 = arith.index_cast %get3A_1246 : i32 to index
      %get3A_1248 = arith.index_cast %mul3A_1071 : i32 to index
      %get3A_1249 = tpu.vector_load %arg10[%get3A_1247, %get3A_1248] {strides = array<i32>} : memref<20x1024xf32, #tpu.memory_space<vmem>>, vector<1x16xf32>,
      %get3A_1250 = vector.shape_cast %get3A_1249 : vector<1x16xf32> to vector<16xf32>
      %get3A_1251 = arith.constant 8 : i32
      %get3A_1252 = arith.index_cast %get3A_1251 : i32 to index
      %get3A_1253 = arith.index_cast %mul3A_1071 : i32 to index
      %get3A_1254 = tpu.vector_load %arg10[%get3A_1252, %get3A_1253] {strides = array<i32>} : memref<20x1024xf32, #tpu.memory_space<vmem>>, vector<1x16xf32>,
      %get3A_1255 = vector.shape_cast %get3A_1254 : vector<1x16xf32> to vector<16xf32>
      %mul3A_1256 = arith.mulf %get3A_1255, %gather3A_1245 : vector<16xf32>
      %add3A_1257 = arith.addf %get3A_1250, %mul3A_1256 : vector<16xf32>
      %swap3A_1258 = arith.constant 8 : i32
      %swap3A_1259 = arith.index_cast %swap3A_1258 : i32 to index
      %swap3A_1260 = arith.index_cast %mul3A_1071 : i32 to index
      %swap3A_1261 = tpu.vector_load %arg11[%swap3A_1259, %swap3A_1260] {strides = array<i32>} : memref<10x1024xf32, #tpu.memory_space<vmem>>, vector<1x16xf32>,
      %swap3A_1262 = vector.shape_cast %swap3A_1261 : vector<1x16xf32> to vector<16xf32>
      %swap3A_1263 = vector.shape_cast %add3A_1257 : vector<16xf32> to vector<1x16xf32>
      tpu.vector_store %arg11[%swap3A_1259, %swap3A_1260], %swap3A_1263 {strides = array<i32>} : memref<10x1024xf32, #tpu.memory_space<vmem>>, vector<1x16xf32>,
      %broadcast_in_dim3A_1264 = vector.shape_cast %get3A_1074 : vector<16xi32> to vector<16x1xi32>
      %gather3A_1265 = vector.shape_cast %broadcast_in_dim3A_1264 : vector<16x1xi32> to vector<16xi32>
      %gather3A_1266 = tpu.dynamic_gather %select_n3A_631[%gather3A_1265] in [0] : vector<16xf32>, vector<16xi32> -> vector<16xf32>
      %get3A_1267 = arith.constant 19 : i32
      %get3A_1268 = arith.index_cast %get3A_1267 : i32 to index
      %get3A_1269 = arith.index_cast %mul3A_1071 : i32 to index
      %get3A_1270 = tpu.vector_load %arg10[%get3A_1268, %get3A_1269] {strides = array<i32>} : memref<20x1024xf32, #tpu.memory_space<vmem>>, vector<1x16xf32>,
      %get3A_1271 = vector.shape_cast %get3A_1270 : vector<1x16xf32> to vector<16xf32>
      %get3A_1272 = arith.constant 9 : i32
      %get3A_1273 = arith.index_cast %get3A_1272 : i32 to index
      %get3A_1274 = arith.index_cast %mul3A_1071 : i32 to index
      %get3A_1275 = tpu.vector_load %arg10[%get3A_1273, %get3A_1274] {strides = array<i32>} : memref<20x1024xf32, #tpu.memory_space<vmem>>, vector<1x16xf32>,
      %get3A_1276 = vector.shape_cast %get3A_1275 : vector<1x16xf32> to vector<16xf32>
      %mul3A_1277 = arith.mulf %get3A_1276, %gather3A_1266 : vector<16xf32>
      %add3A_1278 = arith.addf %get3A_1271, %mul3A_1277 : vector<16xf32>
      %swap3A_1279 = arith.constant 9 : i32
      %swap3A_1280 = arith.index_cast %swap3A_1279 : i32 to index
      %swap3A_1281 = arith.index_cast %mul3A_1071 : i32 to index
      %swap3A_1282 = tpu.vector_load %arg11[%swap3A_1280, %swap3A_1281] {strides = array<i32>} : memref<10x1024xf32, #tpu.memory_space<vmem>>, vector<1x16xf32>,
      %swap3A_1283 = vector.shape_cast %swap3A_1282 : vector<1x16xf32> to vector<16xf32>
      %swap3A_1284 = vector.shape_cast %add3A_1278 : vector<16xf32> to vector<1x16xf32>
      tpu.vector_store %arg11[%swap3A_1280, %swap3A_1281], %swap3A_1284 {strides = array<i32>} : memref<10x1024xf32, #tpu.memory_space<vmem>>, vector<1x16xf32>,
      %scan3A_1285 = arith.constant 3 : i32
      %scan3A_1286 = arith.addi %scan3A_637, %scan3A_1285 : i32
      %mul3A_1287 = arith.constant 16 : i32
      %mul3A_1288 = arith.muli %scan3A_1286, %mul3A_1287 : i32
      %get3A_1289 = arith.index_cast %mul3A_1288 : i32 to index
      %get3A_1290 = tpu.vector_load %arg7[%get3A_1289] {strides = array<i32>} : memref<1024xi32, #tpu.memory_space<vmem>>, vector<16xi32>,
      %get3A_1291 = vector.shape_cast %get3A_1290 : vector<16xi32> to vector<16xi32>
      %broadcast_in_dim3A_1292 = vector.shape_cast %get3A_1291 : vector<16xi32> to vector<16x1xi32>
      %gather3A_1293 = vector.shape_cast %broadcast_in_dim3A_1292 : vector<16x1xi32> to vector<16xi32>
      %gather3A_1294 = tpu.dynamic_gather %select_n3A_496[%gather3A_1293] in [0] : vector<16xf32>, vector<16xi32> -> vector<16xf32>
      %get3A_1295 = arith.constant 10 : i32
      %get3A_1296 = arith.index_cast %get3A_1295 : i32 to index
      %get3A_1297 = arith.index_cast %mul3A_1288 : i32 to index
      %get3A_1298 = tpu.vector_load %arg10[%get3A_1296, %get3A_1297] {strides = array<i32>} : memref<20x1024xf32, #tpu.memory_space<vmem>>, vector<1x16xf32>,
      %get3A_1299 = vector.shape_cast %get3A_1298 : vector<1x16xf32> to vector<16xf32>
      %get3A_1300 = arith.constant 0 : i32
      %get3A_1301 = arith.index_cast %get3A_1300 : i32 to index
      %get3A_1302 = arith.index_cast %mul3A_1288 : i32 to index
      %get3A_1303 = tpu.vector_load %arg10[%get3A_1301, %get3A_1302] {strides = array<i32>} : memref<20x1024xf32, #tpu.memory_space<vmem>>, vector<1x16xf32>,
      %get3A_1304 = vector.shape_cast %get3A_1303 : vector<1x16xf32> to vector<16xf32>
      %mul3A_1305 = arith.mulf %get3A_1304, %gather3A_1294 : vector<16xf32>
      %add3A_1306 = arith.addf %get3A_1299, %mul3A_1305 : vector<16xf32>
      %swap3A_1307 = arith.constant 0 : i32
      %swap3A_1308 = arith.index_cast %swap3A_1307 : i32 to index
      %swap3A_1309 = arith.index_cast %mul3A_1288 : i32 to index
      %swap3A_1310 = tpu.vector_load %arg11[%swap3A_1308, %swap3A_1309] {strides = array<i32>} : memref<10x1024xf32, #tpu.memory_space<vmem>>, vector<1x16xf32>,
      %swap3A_1311 = vector.shape_cast %swap3A_1310 : vector<1x16xf32> to vector<16xf32>
      %swap3A_1312 = vector.shape_cast %add3A_1306 : vector<16xf32> to vector<1x16xf32>
      tpu.vector_store %arg11[%swap3A_1308, %swap3A_1309], %swap3A_1312 {strides = array<i32>} : memref<10x1024xf32, #tpu.memory_space<vmem>>, vector<1x16xf32>,
      %broadcast_in_dim3A_1313 = vector.shape_cast %get3A_1291 : vector<16xi32> to vector<16x1xi32>
      %gather3A_1314 = vector.shape_cast %broadcast_in_dim3A_1313 : vector<16x1xi32> to vector<16xi32>
      %gather3A_1315 = tpu.dynamic_gather %select_n3A_511[%gather3A_1314] in [0] : vector<16xf32>, vector<16xi32> -> vector<16xf32>
      %get3A_1316 = arith.constant 11 : i32
      %get3A_1317 = arith.index_cast %get3A_1316 : i32 to index
      %get3A_1318 = arith.index_cast %mul3A_1288 : i32 to index
      %get3A_1319 = tpu.vector_load %arg10[%get3A_1317, %get3A_1318] {strides = array<i32>} : memref<20x1024xf32, #tpu.memory_space<vmem>>, vector<1x16xf32>,
      %get3A_1320 = vector.shape_cast %get3A_1319 : vector<1x16xf32> to vector<16xf32>
      %get3A_1321 = arith.constant 1 : i32
      %get3A_1322 = arith.index_cast %get3A_1321 : i32 to index
      %get3A_1323 = arith.index_cast %mul3A_1288 : i32 to index
      %get3A_1324 = tpu.vector_load %arg10[%get3A_1322, %get3A_1323] {strides = array<i32>} : memref<20x1024xf32, #tpu.memory_space<vmem>>, vector<1x16xf32>,
      %get3A_1325 = vector.shape_cast %get3A_1324 : vector<1x16xf32> to vector<16xf32>
      %mul3A_1326 = arith.mulf %get3A_1325, %gather3A_1315 : vector<16xf32>
      %add3A_1327 = arith.addf %get3A_1320, %mul3A_1326 : vector<16xf32>
      %swap3A_1328 = arith.constant 1 : i32
      %swap3A_1329 = arith.index_cast %swap3A_1328 : i32 to index
      %swap3A_1330 = arith.index_cast %mul3A_1288 : i32 to index
      %swap3A_1331 = tpu.vector_load %arg11[%swap3A_1329, %swap3A_1330] {strides = array<i32>} : memref<10x1024xf32, #tpu.memory_space<vmem>>, vector<1x16xf32>,
      %swap3A_1332 = vector.shape_cast %swap3A_1331 : vector<1x16xf32> to vector<16xf32>
      %swap3A_1333 = vector.shape_cast %add3A_1327 : vector<16xf32> to vector<1x16xf32>
      tpu.vector_store %arg11[%swap3A_1329, %swap3A_1330], %swap3A_1333 {strides = array<i32>} : memref<10x1024xf32, #tpu.memory_space<vmem>>, vector<1x16xf32>,
      %broadcast_in_dim3A_1334 = vector.shape_cast %get3A_1291 : vector<16xi32> to vector<16x1xi32>
      %gather3A_1335 = vector.shape_cast %broadcast_in_dim3A_1334 : vector<16x1xi32> to vector<16xi32>
      %gather3A_1336 = tpu.dynamic_gather %select_n3A_526[%gather3A_1335] in [0] : vector<16xf32>, vector<16xi32> -> vector<16xf32>
      %get3A_1337 = arith.constant 12 : i32
      %get3A_1338 = arith.index_cast %get3A_1337 : i32 to index
      %get3A_1339 = arith.index_cast %mul3A_1288 : i32 to index
      %get3A_1340 = tpu.vector_load %arg10[%get3A_1338, %get3A_1339] {strides = array<i32>} : memref<20x1024xf32, #tpu.memory_space<vmem>>, vector<1x16xf32>,
      %get3A_1341 = vector.shape_cast %get3A_1340 : vector<1x16xf32> to vector<16xf32>
      %get3A_1342 = arith.constant 2 : i32
      %get3A_1343 = arith.index_cast %get3A_1342 : i32 to index
      %get3A_1344 = arith.index_cast %mul3A_1288 : i32 to index
      %get3A_1345 = tpu.vector_load %arg10[%get3A_1343, %get3A_1344] {strides = array<i32>} : memref<20x1024xf32, #tpu.memory_space<vmem>>, vector<1x16xf32>,
      %get3A_1346 = vector.shape_cast %get3A_1345 : vector<1x16xf32> to vector<16xf32>
      %mul3A_1347 = arith.mulf %get3A_1346, %gather3A_1336 : vector<16xf32>
      %add3A_1348 = arith.addf %get3A_1341, %mul3A_1347 : vector<16xf32>
      %swap3A_1349 = arith.constant 2 : i32
      %swap3A_1350 = arith.index_cast %swap3A_1349 : i32 to index
      %swap3A_1351 = arith.index_cast %mul3A_1288 : i32 to index
      %swap3A_1352 = tpu.vector_load %arg11[%swap3A_1350, %swap3A_1351] {strides = array<i32>} : memref<10x1024xf32, #tpu.memory_space<vmem>>, vector<1x16xf32>,
      %swap3A_1353 = vector.shape_cast %swap3A_1352 : vector<1x16xf32> to vector<16xf32>
      %swap3A_1354 = vector.shape_cast %add3A_1348 : vector<16xf32> to vector<1x16xf32>
      tpu.vector_store %arg11[%swap3A_1350, %swap3A_1351], %swap3A_1354 {strides = array<i32>} : memref<10x1024xf32, #tpu.memory_space<vmem>>, vector<1x16xf32>,
      %broadcast_in_dim3A_1355 = vector.shape_cast %get3A_1291 : vector<16xi32> to vector<16x1xi32>
      %gather3A_1356 = vector.shape_cast %broadcast_in_dim3A_1355 : vector<16x1xi32> to vector<16xi32>
      %gather3A_1357 = tpu.dynamic_gather %select_n3A_541[%gather3A_1356] in [0] : vector<16xf32>, vector<16xi32> -> vector<16xf32>
      %get3A_1358 = arith.constant 13 : i32
      %get3A_1359 = arith.index_cast %get3A_1358 : i32 to index
      %get3A_1360 = arith.index_cast %mul3A_1288 : i32 to index
      %get3A_1361 = tpu.vector_load %arg10[%get3A_1359, %get3A_1360] {strides = array<i32>} : memref<20x1024xf32, #tpu.memory_space<vmem>>, vector<1x16xf32>,
      %get3A_1362 = vector.shape_cast %get3A_1361 : vector<1x16xf32> to vector<16xf32>
      %get3A_1363 = arith.constant 3 : i32
      %get3A_1364 = arith.index_cast %get3A_1363 : i32 to index
      %get3A_1365 = arith.index_cast %mul3A_1288 : i32 to index
      %get3A_1366 = tpu.vector_load %arg10[%get3A_1364, %get3A_1365] {strides = array<i32>} : memref<20x1024xf32, #tpu.memory_space<vmem>>, vector<1x16xf32>,
      %get3A_1367 = vector.shape_cast %get3A_1366 : vector<1x16xf32> to vector<16xf32>
      %mul3A_1368 = arith.mulf %get3A_1367, %gather3A_1357 : vector<16xf32>
      %add3A_1369 = arith.addf %get3A_1362, %mul3A_1368 : vector<16xf32>
      %swap3A_1370 = arith.constant 3 : i32
      %swap3A_1371 = arith.index_cast %swap3A_1370 : i32 to index
      %swap3A_1372 = arith.index_cast %mul3A_1288 : i32 to index
      %swap3A_1373 = tpu.vector_load %arg11[%swap3A_1371, %swap3A_1372] {strides = array<i32>} : memref<10x1024xf32, #tpu.memory_space<vmem>>, vector<1x16xf32>,
      %swap3A_1374 = vector.shape_cast %swap3A_1373 : vector<1x16xf32> to vector<16xf32>
      %swap3A_1375 = vector.shape_cast %add3A_1369 : vector<16xf32> to vector<1x16xf32>
      tpu.vector_store %arg11[%swap3A_1371, %swap3A_1372], %swap3A_1375 {strides = array<i32>} : memref<10x1024xf32, #tpu.memory_space<vmem>>, vector<1x16xf32>,
      %broadcast_in_dim3A_1376 = vector.shape_cast %get3A_1291 : vector<16xi32> to vector<16x1xi32>
      %gather3A_1377 = vector.shape_cast %broadcast_in_dim3A_1376 : vector<16x1xi32> to vector<16xi32>
      %gather3A_1378 = tpu.dynamic_gather %select_n3A_556[%gather3A_1377] in [0] : vector<16xf32>, vector<16xi32> -> vector<16xf32>
      %get3A_1379 = arith.constant 14 : i32
      %get3A_1380 = arith.index_cast %get3A_1379 : i32 to index
      %get3A_1381 = arith.index_cast %mul3A_1288 : i32 to index
      %get3A_1382 = tpu.vector_load %arg10[%get3A_1380, %get3A_1381] {strides = array<i32>} : memref<20x1024xf32, #tpu.memory_space<vmem>>, vector<1x16xf32>,
      %get3A_1383 = vector.shape_cast %get3A_1382 : vector<1x16xf32> to vector<16xf32>
      %get3A_1384 = arith.constant 4 : i32
      %get3A_1385 = arith.index_cast %get3A_1384 : i32 to index
      %get3A_1386 = arith.index_cast %mul3A_1288 : i32 to index
      %get3A_1387 = tpu.vector_load %arg10[%get3A_1385, %get3A_1386] {strides = array<i32>} : memref<20x1024xf32, #tpu.memory_space<vmem>>, vector<1x16xf32>,
      %get3A_1388 = vector.shape_cast %get3A_1387 : vector<1x16xf32> to vector<16xf32>
      %mul3A_1389 = arith.mulf %get3A_1388, %gather3A_1378 : vector<16xf32>
      %add3A_1390 = arith.addf %get3A_1383, %mul3A_1389 : vector<16xf32>
      %swap3A_1391 = arith.constant 4 : i32
      %swap3A_1392 = arith.index_cast %swap3A_1391 : i32 to index
      %swap3A_1393 = arith.index_cast %mul3A_1288 : i32 to index
      %swap3A_1394 = tpu.vector_load %arg11[%swap3A_1392, %swap3A_1393] {strides = array<i32>} : memref<10x1024xf32, #tpu.memory_space<vmem>>, vector<1x16xf32>,
      %swap3A_1395 = vector.shape_cast %swap3A_1394 : vector<1x16xf32> to vector<16xf32>
      %swap3A_1396 = vector.shape_cast %add3A_1390 : vector<16xf32> to vector<1x16xf32>
      tpu.vector_store %arg11[%swap3A_1392, %swap3A_1393], %swap3A_1396 {strides = array<i32>} : memref<10x1024xf32, #tpu.memory_space<vmem>>, vector<1x16xf32>,
      %broadcast_in_dim3A_1397 = vector.shape_cast %get3A_1291 : vector<16xi32> to vector<16x1xi32>
      %gather3A_1398 = vector.shape_cast %broadcast_in_dim3A_1397 : vector<16x1xi32> to vector<16xi32>
      %gather3A_1399 = tpu.dynamic_gather %select_n3A_571[%gather3A_1398] in [0] : vector<16xf32>, vector<16xi32> -> vector<16xf32>
      %get3A_1400 = arith.constant 15 : i32
      %get3A_1401 = arith.index_cast %get3A_1400 : i32 to index
      %get3A_1402 = arith.index_cast %mul3A_1288 : i32 to index
      %get3A_1403 = tpu.vector_load %arg10[%get3A_1401, %get3A_1402] {strides = array<i32>} : memref<20x1024xf32, #tpu.memory_space<vmem>>, vector<1x16xf32>,
      %get3A_1404 = vector.shape_cast %get3A_1403 : vector<1x16xf32> to vector<16xf32>
      %get3A_1405 = arith.constant 5 : i32
      %get3A_1406 = arith.index_cast %get3A_1405 : i32 to index
      %get3A_1407 = arith.index_cast %mul3A_1288 : i32 to index
      %get3A_1408 = tpu.vector_load %arg10[%get3A_1406, %get3A_1407] {strides = array<i32>} : memref<20x1024xf32, #tpu.memory_space<vmem>>, vector<1x16xf32>,
      %get3A_1409 = vector.shape_cast %get3A_1408 : vector<1x16xf32> to vector<16xf32>
      %mul3A_1410 = arith.mulf %get3A_1409, %gather3A_1399 : vector<16xf32>
      %add3A_1411 = arith.addf %get3A_1404, %mul3A_1410 : vector<16xf32>
      %swap3A_1412 = arith.constant 5 : i32
      %swap3A_1413 = arith.index_cast %swap3A_1412 : i32 to index
      %swap3A_1414 = arith.index_cast %mul3A_1288 : i32 to index
      %swap3A_1415 = tpu.vector_load %arg11[%swap3A_1413, %swap3A_1414] {strides = array<i32>} : memref<10x1024xf32, #tpu.memory_space<vmem>>, vector<1x16xf32>,
      %swap3A_1416 = vector.shape_cast %swap3A_1415 : vector<1x16xf32> to vector<16xf32>
      %swap3A_1417 = vector.shape_cast %add3A_1411 : vector<16xf32> to vector<1x16xf32>
      tpu.vector_store %arg11[%swap3A_1413, %swap3A_1414], %swap3A_1417 {strides = array<i32>} : memref<10x1024xf32, #tpu.memory_space<vmem>>, vector<1x16xf32>,
      %broadcast_in_dim3A_1418 = vector.shape_cast %get3A_1291 : vector<16xi32> to vector<16x1xi32>
      %gather3A_1419 = vector.shape_cast %broadcast_in_dim3A_1418 : vector<16x1xi32> to vector<16xi32>
      %gather3A_1420 = tpu.dynamic_gather %select_n3A_586[%gather3A_1419] in [0] : vector<16xf32>, vector<16xi32> -> vector<16xf32>
      %get3A_1421 = arith.constant 16 : i32
      %get3A_1422 = arith.index_cast %get3A_1421 : i32 to index
      %get3A_1423 = arith.index_cast %mul3A_1288 : i32 to index
      %get3A_1424 = tpu.vector_load %arg10[%get3A_1422, %get3A_1423] {strides = array<i32>} : memref<20x1024xf32, #tpu.memory_space<vmem>>, vector<1x16xf32>,
      %get3A_1425 = vector.shape_cast %get3A_1424 : vector<1x16xf32> to vector<16xf32>
      %get3A_1426 = arith.constant 6 : i32
      %get3A_1427 = arith.index_cast %get3A_1426 : i32 to index
      %get3A_1428 = arith.index_cast %mul3A_1288 : i32 to index
      %get3A_1429 = tpu.vector_load %arg10[%get3A_1427, %get3A_1428] {strides = array<i32>} : memref<20x1024xf32, #tpu.memory_space<vmem>>, vector<1x16xf32>,
      %get3A_1430 = vector.shape_cast %get3A_1429 : vector<1x16xf32> to vector<16xf32>
      %mul3A_1431 = arith.mulf %get3A_1430, %gather3A_1420 : vector<16xf32>
      %add3A_1432 = arith.addf %get3A_1425, %mul3A_1431 : vector<16xf32>
      %swap3A_1433 = arith.constant 6 : i32
      %swap3A_1434 = arith.index_cast %swap3A_1433 : i32 to index
      %swap3A_1435 = arith.index_cast %mul3A_1288 : i32 to index
      %swap3A_1436 = tpu.vector_load %arg11[%swap3A_1434, %swap3A_1435] {strides = array<i32>} : memref<10x1024xf32, #tpu.memory_space<vmem>>, vector<1x16xf32>,
      %swap3A_1437 = vector.shape_cast %swap3A_1436 : vector<1x16xf32> to vector<16xf32>
      %swap3A_1438 = vector.shape_cast %add3A_1432 : vector<16xf32> to vector<1x16xf32>
      tpu.vector_store %arg11[%swap3A_1434, %swap3A_1435], %swap3A_1438 {strides = array<i32>} : memref<10x1024xf32, #tpu.memory_space<vmem>>, vector<1x16xf32>,
      %broadcast_in_dim3A_1439 = vector.shape_cast %get3A_1291 : vector<16xi32> to vector<16x1xi32>
      %gather3A_1440 = vector.shape_cast %broadcast_in_dim3A_1439 : vector<16x1xi32> to vector<16xi32>
      %gather3A_1441 = tpu.dynamic_gather %select_n3A_601[%gather3A_1440] in [0] : vector<16xf32>, vector<16xi32> -> vector<16xf32>
      %get3A_1442 = arith.constant 17 : i32
      %get3A_1443 = arith.index_cast %get3A_1442 : i32 to index
      %get3A_1444 = arith.index_cast %mul3A_1288 : i32 to index
      %get3A_1445 = tpu.vector_load %arg10[%get3A_1443, %get3A_1444] {strides = array<i32>} : memref<20x1024xf32, #tpu.memory_space<vmem>>, vector<1x16xf32>,
      %get3A_1446 = vector.shape_cast %get3A_1445 : vector<1x16xf32> to vector<16xf32>
      %get3A_1447 = arith.constant 7 : i32
      %get3A_1448 = arith.index_cast %get3A_1447 : i32 to index
      %get3A_1449 = arith.index_cast %mul3A_1288 : i32 to index
      %get3A_1450 = tpu.vector_load %arg10[%get3A_1448, %get3A_1449] {strides = array<i32>} : memref<20x1024xf32, #tpu.memory_space<vmem>>, vector<1x16xf32>,
      %get3A_1451 = vector.shape_cast %get3A_1450 : vector<1x16xf32> to vector<16xf32>
      %mul3A_1452 = arith.mulf %get3A_1451, %gather3A_1441 : vector<16xf32>
      %add3A_1453 = arith.addf %get3A_1446, %mul3A_1452 : vector<16xf32>
      %swap3A_1454 = arith.constant 7 : i32
      %swap3A_1455 = arith.index_cast %swap3A_1454 : i32 to index
      %swap3A_1456 = arith.index_cast %mul3A_1288 : i32 to index
      %swap3A_1457 = tpu.vector_load %arg11[%swap3A_1455, %swap3A_1456] {strides = array<i32>} : memref<10x1024xf32, #tpu.memory_space<vmem>>, vector<1x16xf32>,
      %swap3A_1458 = vector.shape_cast %swap3A_1457 : vector<1x16xf32> to vector<16xf32>
      %swap3A_1459 = vector.shape_cast %add3A_1453 : vector<16xf32> to vector<1x16xf32>
      tpu.vector_store %arg11[%swap3A_1455, %swap3A_1456], %swap3A_1459 {strides = array<i32>} : memref<10x1024xf32, #tpu.memory_space<vmem>>, vector<1x16xf32>,
      %broadcast_in_dim3A_1460 = vector.shape_cast %get3A_1291 : vector<16xi32> to vector<16x1xi32>
      %gather3A_1461 = vector.shape_cast %broadcast_in_dim3A_1460 : vector<16x1xi32> to vector<16xi32>
      %gather3A_1462 = tpu.dynamic_gather %select_n3A_616[%gather3A_1461] in [0] : vector<16xf32>, vector<16xi32> -> vector<16xf32>
      %get3A_1463 = arith.constant 18 : i32
      %get3A_1464 = arith.index_cast %get3A_1463 : i32 to index
      %get3A_1465 = arith.index_cast %mul3A_1288 : i32 to index
      %get3A_1466 = tpu.vector_load %arg10[%get3A_1464, %get3A_1465] {strides = array<i32>} : memref<20x1024xf32, #tpu.memory_space<vmem>>, vector<1x16xf32>,
      %get3A_1467 = vector.shape_cast %get3A_1466 : vector<1x16xf32> to vector<16xf32>
      %get3A_1468 = arith.constant 8 : i32
      %get3A_1469 = arith.index_cast %get3A_1468 : i32 to index
      %get3A_1470 = arith.index_cast %mul3A_1288 : i32 to index
      %get3A_1471 = tpu.vector_load %arg10[%get3A_1469, %get3A_1470] {strides = array<i32>} : memref<20x1024xf32, #tpu.memory_space<vmem>>, vector<1x16xf32>,
      %get3A_1472 = vector.shape_cast %get3A_1471 : vector<1x16xf32> to vector<16xf32>
      %mul3A_1473 = arith.mulf %get3A_1472, %gather3A_1462 : vector<16xf32>
      %add3A_1474 = arith.addf %get3A_1467, %mul3A_1473 : vector<16xf32>
      %swap3A_1475 = arith.constant 8 : i32
      %swap3A_1476 = arith.index_cast %swap3A_1475 : i32 to index
      %swap3A_1477 = arith.index_cast %mul3A_1288 : i32 to index
      %swap3A_1478 = tpu.vector_load %arg11[%swap3A_1476, %swap3A_1477] {strides = array<i32>} : memref<10x1024xf32, #tpu.memory_space<vmem>>, vector<1x16xf32>,
      %swap3A_1479 = vector.shape_cast %swap3A_1478 : vector<1x16xf32> to vector<16xf32>
      %swap3A_1480 = vector.shape_cast %add3A_1474 : vector<16xf32> to vector<1x16xf32>
      tpu.vector_store %arg11[%swap3A_1476, %swap3A_1477], %swap3A_1480 {strides = array<i32>} : memref<10x1024xf32, #tpu.memory_space<vmem>>, vector<1x16xf32>,
      %broadcast_in_dim3A_1481 = vector.shape_cast %get3A_1291 : vector<16xi32> to vector<16x1xi32>
      %gather3A_1482 = vector.shape_cast %broadcast_in_dim3A_1481 : vector<16x1xi32> to vector<16xi32>
      %gather3A_1483 = tpu.dynamic_gather %select_n3A_631[%gather3A_1482] in [0] : vector<16xf32>, vector<16xi32> -> vector<16xf32>
      %get3A_1484 = arith.constant 19 : i32
      %get3A_1485 = arith.index_cast %get3A_1484 : i32 to index
      %get3A_1486 = arith.index_cast %mul3A_1288 : i32 to index
      %get3A_1487 = tpu.vector_load %arg10[%get3A_1485, %get3A_1486] {strides = array<i32>} : memref<20x1024xf32, #tpu.memory_space<vmem>>, vector<1x16xf32>,
      %get3A_1488 = vector.shape_cast %get3A_1487 : vector<1x16xf32> to vector<16xf32>
      %get3A_1489 = arith.constant 9 : i32
      %get3A_1490 = arith.index_cast %get3A_1489 : i32 to index
      %get3A_1491 = arith.index_cast %mul3A_1288 : i32 to index
      %get3A_1492 = tpu.vector_load %arg10[%get3A_1490, %get3A_1491] {strides = array<i32>} : memref<20x1024xf32, #tpu.memory_space<vmem>>, vector<1x16xf32>,
      %get3A_1493 = vector.shape_cast %get3A_1492 : vector<1x16xf32> to vector<16xf32>
      %mul3A_1494 = arith.mulf %get3A_1493, %gather3A_1483 : vector<16xf32>
      %add3A_1495 = arith.addf %get3A_1488, %mul3A_1494 : vector<16xf32>
      %swap3A_1496 = arith.constant 9 : i32
      %swap3A_1497 = arith.index_cast %swap3A_1496 : i32 to index
      %swap3A_1498 = arith.index_cast %mul3A_1288 : i32 to index
      %swap3A_1499 = tpu.vector_load %arg11[%swap3A_1497, %swap3A_1498] {strides = array<i32>} : memref<10x1024xf32, #tpu.memory_space<vmem>>, vector<1x16xf32>,
      %swap3A_1500 = vector.shape_cast %swap3A_1499 : vector<1x16xf32> to vector<16xf32>
      %swap3A_1501 = vector.shape_cast %add3A_1495 : vector<16xf32> to vector<1x16xf32>
      tpu.vector_store %arg11[%swap3A_1497, %swap3A_1498], %swap3A_1501 {strides = array<i32>} : memref<10x1024xf32, #tpu.memory_space<vmem>>, vector<1x16xf32>,
    }
    %scan3A_636 = arith.constant 64 : i32
    "tpu.region"() ({
      %run_scoped3A = tpu.sem_alloc : memref<!tpu.dma_semaphore, #tpu.memory_space<semaphore_mem>>
      %dma_start3A_637 = arith.constant 0 : i32
      %dma_start3A_638 = tpu.memref_slice %arg6[%dma_start3A_637, %mul3A_2] : memref<10x32768xf32, #tpu.memory_space<hbm>> -> memref<10x1024xf32, #tpu.memory_space<hbm>>
      %dma_start3A_639 = arith.constant 0 : i32
      %dma_start3A_640 = tpu.memref_slice %arg6[%dma_start3A_639, %mul3A_2] : memref<10x32768xf32, #tpu.memory_space<hbm>> -> memref<10x1024xf32, #tpu.memory_space<hbm>>
      tpu.enqueue_dma source(%arg11 : memref<10x1024xf32, #tpu.memory_space<vmem>>) target(%dma_start3A_640 : memref<10x1024xf32, #tpu.memory_space<hbm>>) target_semaphore(%run_scoped3A : memref<!tpu.dma_semaphore, #tpu.memory_space<semaphore_mem>>)
      %dma_wait3A_641 = arith.constant 0 : i32
      %dma_wait3A_642 = tpu.memref_slice %arg6[%dma_wait3A_641, %mul3A_2] : memref<10x32768xf32, #tpu.memory_space<hbm>> -> memref<10x1024xf32, #tpu.memory_space<hbm>>
      %dma_wait3A_643 = arith.constant 0 : i32
      %dma_wait3A_644 = tpu.memref_slice %arg6[%dma_wait3A_643, %mul3A_2] : memref<10x32768xf32, #tpu.memory_space<hbm>> -> memref<10x1024xf32, #tpu.memory_space<hbm>>
      tpu.wait_dma2 semaphore(%run_scoped3A : memref<!tpu.dma_semaphore, #tpu.memory_space<semaphore_mem>>) src(%arg11 : memref<10x1024xf32, #tpu.memory_space<vmem>>) dst(%dma_wait3A_644 : memref<10x1024xf32, #tpu.memory_space<hbm>>)
      tpu.yield
    }) : () -> ()
    return
  }
}

module attributes {stable_mosaic.version = 14 : i64} {
  func.func @_tc_dense(%arg0: i32, %arg1: memref<4096x512xf32, #tpu.memory_space<vmem>>, %arg2: memref<1x32768xi32, #tpu.memory_space<vmem>>, %arg3: memref<512x20xf32, #tpu.memory_space<vmem>>, %arg4: memref<20x1xf32, #tpu.memory_space<vmem>>, %arg5: memref<20x4096xf32, #tpu.memory_space<vmem>>, %arg6: memref<20x16xf32, #tpu.memory_space<vmem>>) attributes {dimension_semantics = [#tpu.dimension_semantics<arbitrary>], iteration_bounds = array<i64: 8>, scalar_prefetch = 0 : i64, scratch_operands = 0 : i64, tpu.core_type = #tpu.core_type<tc>, window_params = [{transform_indices = @transform_0, window_bounds = array<i64: 4096, 512>}, {pipeline_mode = #tpu.pipeline_mode<synchronous>, transform_indices = @transform_1, window_bounds = array<i64: 1, 32768>}, {pipeline_mode = #tpu.pipeline_mode<synchronous>, transform_indices = @transform_2, window_bounds = array<i64: 512, 20>}, {pipeline_mode = #tpu.pipeline_mode<synchronous>, transform_indices = @transform_3, window_bounds = array<i64: 20, 1>}, {transform_indices = @transform_4, window_bounds = array<i64: 20, 4096>}, {pipeline_mode = #tpu.pipeline_mode<synchronous>, transform_indices = @transform_5, window_bounds = array<i64: 20, 16>}]} {
    %get3A = arith.constant 0 : index
    %get3A_0 = arith.constant 0 : index
    %get3A_1 = vector.load %arg3[%get3A, %get3A_0] : memref<512x20xf32, #tpu.memory_space<vmem>>, vector<512x20xf32>
    %get3A_2 = arith.constant 0 : index
    %get3A_3 = arith.constant 0 : index
    %get3A_4 = vector.load %arg1[%get3A_2, %get3A_3] : memref<4096x512xf32, #tpu.memory_space<vmem>>, vector<4096x512xf32>
    %dot_general3A = arith.constant dense<0.000000e+00> : vector<20x4096xf32>
    %dot_general3A_5 = tpu.matmul %get3A_1, %get3A_4, %dot_general3A {dimension_numbers = #tpu.dot_dimension_numbers<[0], [1], [1], [0], [0, 1, 1, 0], [], []>, transpose_lhs_hint = false} : vector<512x20xf32>, vector<4096x512xf32>, vector<20x4096xf32> -> vector<20x4096xf32>
    %get3A_6 = arith.constant 0 : index
    %get3A_7 = arith.constant 0 : index
    %get3A_8 = vector.load %arg4[%get3A_6, %get3A_7] : memref<20x1xf32, #tpu.memory_space<vmem>>, vector<20x1xf32>
    %add3A = vector.broadcast %get3A_8 : vector<20x1xf32> to vector<20x4096xf32>
    %add3A_9 = arith.addf %dot_general3A_5, %add3A : vector<20x4096xf32>
    %iota3A = tpu.iota {dimensions = array<i32: 0>} : vector<20x4096xi32>
    %lt3A = arith.constant 10 : i32
    %lt3A_10 = vector.broadcast %lt3A : i32 to vector<20x4096xi32>
    %lt3A_11 = arith.cmpi slt, %iota3A, %lt3A_10 : vector<20x4096xi32>
    %custom_jvp_call3A = arith.constant 0.000000e+00 : f32
    %max3A = vector.broadcast %custom_jvp_call3A : f32 to vector<20x4096xf32>
    %max3A_12 = arith.maximumf %add3A_9, %max3A : vector<20x4096xf32>
    %sub3A = vector.broadcast %custom_jvp_call3A : f32 to vector<20x4096xf32>
    %sub3A_13 = arith.subf %add3A_9, %sub3A : vector<20x4096xf32>
    %ne3A = arith.cmpf one, %sub3A_13, %sub3A_13 : vector<20x4096xf32>
    %add3A_14 = vector.broadcast %custom_jvp_call3A : f32 to vector<20x4096xf32>
    %add3A_15 = arith.addf %add3A_9, %add3A_14 : vector<20x4096xf32>
    %abs3A = math.absf %sub3A_13 : vector<20x4096xf32>
    %neg3A = arith.constant 0.000000e+00 : f32
    %neg3A_16 = vector.broadcast %neg3A : f32 to vector<20x4096xf32>
    %neg3A_17 = arith.subf %neg3A_16, %abs3A : vector<20x4096xf32>
    %exp3A = math.exp %neg3A_17 : vector<20x4096xf32>
    %log1p3A = math.log1p %exp3A : vector<20x4096xf32>
    %add3A_18 = arith.addf %max3A_12, %log1p3A : vector<20x4096xf32>
    %select_n3A = arith.select %ne3A, %add3A_15, %add3A_18 : vector<20x4096xi1>, vector<20x4096xf32>
    %select_n3A_19 = arith.select %lt3A_11, %select_n3A, %add3A_9 : vector<20x4096xi1>, vector<20x4096xf32>
    %swap3A = arith.constant 0 : index
    %swap3A_20 = arith.constant 0 : index
    %swap3A_21 = vector.load %arg5[%swap3A, %swap3A_20] : memref<20x4096xf32, #tpu.memory_space<vmem>>, vector<20x4096xf32>
    tpu.vector_store %arg5[%swap3A, %swap3A_20], %select_n3A_19 {strides = array<i32>} : memref<20x4096xf32, #tpu.memory_space<vmem>>, vector<20x4096xf32>,
    %mul3A = arith.constant 4096 : i32
    %mul3A_22 = arith.muli %arg0, %mul3A : i32
    %get3A_23 = arith.constant 0 : index
    %get3A_24 = arith.index_cast %mul3A_22 : i32 to index
    %get3A_25 = vector.load %arg2[%get3A_23, %get3A_24] : memref<1x32768xi32, #tpu.memory_space<vmem>>, vector<1x4096xi32>
    %iota3A_26 = tpu.iota {dimensions = array<i32: 0>} : vector<16x4096xi32>
    %eq3A = vector.broadcast %get3A_25 : vector<1x4096xi32> to vector<16x4096xi32>
    %eq3A_27 = arith.cmpi eq, %eq3A, %iota3A_26 : vector<16x4096xi32>
    %convert_element_type3A = arith.extui %eq3A_27 : vector<16x4096xi1> to vector<16x4096xi32>
    %convert_element_type3A_28 = arith.sitofp %convert_element_type3A : vector<16x4096xi32> to vector<16x4096xf32>
    %dot_general3A_29 = arith.constant dense<0.000000e+00> : vector<20x16xf32>
    %dot_general3A_30 = tpu.matmul %select_n3A_19, %convert_element_type3A_28, %dot_general3A_29 {dimension_numbers = #tpu.dot_dimension_numbers<[1], [1], [0], [0], [0, 0, 1, 0], [], []>, transpose_lhs_hint = false} : vector<20x4096xf32>, vector<16x4096xf32>, vector<20x16xf32> -> vector<20x16xf32>
    %eq3A_31 = arith.constant 0 : i32
    %eq3A_32 = arith.cmpi eq, %arg0, %eq3A_31 : i32
    %convert_element_type3A_33 = arith.extui %eq3A_32 : i1 to i32
    %cond3A = arith.constant 0 : i32
    %cond3A_34 = arith.cmpi ne, %convert_element_type3A_33, %cond3A : i32
    scf.if %cond3A_34 {
      %swap3A_40 = arith.constant 0 : index
      %swap3A_41 = arith.constant 0 : index
      %swap3A_42 = vector.load %arg6[%swap3A_40, %swap3A_41] : memref<20x16xf32, #tpu.memory_space<vmem>>, vector<20x16xf32>
      tpu.vector_store %arg6[%swap3A_40, %swap3A_41], %dot_general3A_30 {strides = array<i32>} : memref<20x16xf32, #tpu.memory_space<vmem>>, vector<20x16xf32>,
    } else {
    }
    %ne3A_35 = arith.constant 0 : i32
    %ne3A_36 = arith.cmpi ne, %arg0, %ne3A_35 : i32
    %convert_element_type3A_37 = arith.extui %ne3A_36 : i1 to i32
    %cond3A_38 = arith.constant 0 : i32
    %cond3A_39 = arith.cmpi ne, %convert_element_type3A_37, %cond3A_38 : i32
    scf.if %cond3A_39 {
      %get3A_40 = arith.constant 0 : index
      %get3A_41 = arith.constant 0 : index
      %get3A_42 = vector.load %arg6[%get3A_40, %get3A_41] : memref<20x16xf32, #tpu.memory_space<vmem>>, vector<20x16xf32>
      %add3A_43 = arith.addf %get3A_42, %dot_general3A_30 : vector<20x16xf32>
      %swap3A_44 = arith.constant 0 : index
      %swap3A_45 = arith.constant 0 : index
      %swap3A_46 = vector.load %arg6[%swap3A_44, %swap3A_45] : memref<20x16xf32, #tpu.memory_space<vmem>>, vector<20x16xf32>
      tpu.vector_store %arg6[%swap3A_44, %swap3A_45], %add3A_43 {strides = array<i32>} : memref<20x16xf32, #tpu.memory_space<vmem>>, vector<20x16xf32>,
    } else {
    }
    return
  }
  func.func @transform_0(%arg0: i32) -> (i32, i32) {
    %c0_i32 = arith.constant 0 : i32
    %c0_i32_0 = arith.constant 0 : i32
    return %arg0, %c0_i32 : i32, i32
  }
  func.func @transform_1(%arg0: i32) -> (i32, i32) {
    %c0_i32 = arith.constant 0 : i32
    %c0_i32_0 = arith.constant 0 : i32
    %c0_i32_1 = arith.constant 0 : i32
    return %c0_i32, %c0_i32_0 : i32, i32
  }
  func.func @transform_2(%arg0: i32) -> (i32, i32) {
    %c0_i32 = arith.constant 0 : i32
    %c0_i32_0 = arith.constant 0 : i32
    %c0_i32_1 = arith.constant 0 : i32
    return %c0_i32, %c0_i32_0 : i32, i32
  }
  func.func @transform_3(%arg0: i32) -> (i32, i32) {
    %c0_i32 = arith.constant 0 : i32
    %c0_i32_0 = arith.constant 0 : i32
    %c0_i32_1 = arith.constant 0 : i32
    return %c0_i32, %c0_i32_0 : i32, i32
  }
  func.func @transform_4(%arg0: i32) -> (i32, i32) {
    %c0_i32 = arith.constant 0 : i32
    %c0_i32_0 = arith.constant 0 : i32
    return %c0_i32, %arg0 : i32, i32
  }
  func.func @transform_5(%arg0: i32) -> (i32, i32) {
    %c0_i32 = arith.constant 0 : i32
    %c0_i32_0 = arith.constant 0 : i32
    %c0_i32_1 = arith.constant 0 : i32
    return %c0_i32, %c0_i32_0 : i32, i32
  }
}

</mosaic_0001>

<sc_bundles>
// kernel: _run.4.cloned.1.call-start
scs
__scs_entry_jumppad:
0x0: {  	(pc) =	sbr.rel $0x88, $3  }
0x1: {  	(tag) =	ssettag $0x0;
	lr =	simm.s32 $0x1  }
0x2: {  	[smem:$0x3F9A] =	sst lr;
	_ =	strace $0xD0000000  }
0x3: {  	_ = 	snop  }
0x4: {  	_ = 	snop  }
0x5: {  	_ = 	snop  }
0x6: {  	_ = 	snop  }
0x7: {  	_ = 	snop  }
__scs_overlays_trampoline_lowered:
0x8: {  	[smem:$0x3FA9] =	sst s0  }
0x9: {  	[smem:$0x3FAA] =	sst s1  }
0xa: {  	[smem:$0x3FAB] =	sst s2  }
0xb: {  	[smem:$0x3FAC] =	sst s3  }
0xc: {  	[smem:$0x3FAD] =	sst s4  }
0xd: {  	[smem:$0x3FAE] =	sst s5  }
0xe: {  	[smem:$0x3FAF] =	sst s6  }
0xf: {  	[smem:$0x3FB0] =	sst s7  }
0x10: {  	[smem:$0x3FB1] =	sst s8  }
0x11: {  	[smem:$0x3FB2] =	sst s9;
	s0 =	simm.s32 @!p0 $0x0  }
0x12: {  	s1 =	sld [smem:$0x3F98];
	s0 =	simm.s32 @p0 $0x1  }
0x13: {  	[smem:$0x3FB3] =	sst s0;
	s0 =	simm.s32 @!p1 $0x0  }
0x14: {  	s2 =	sld [smem:$0x3F97];
	s0 =	simm.s32 @p1 $0x1  }
0x15: {  	[smem:$0x3FB4] =	sst s0;
	s0 =	simm.s32 @!p2 $0x0  }
0x16: {  	s3 =	sld [smem:$0x3FDB];
	s0 =	simm.s32 @p2 $0x1  }
0x17: {  	s4 =	simm.s32 $0x1BF5;
	[smem:$0x3FB6] =	sst s0  }
0x18: {  	s0 =	sld [smem:$0x3F99];
	_ =	swait.ge [sflag:s4], $0x0  }
0x19: {  	s7 =	sld [smem:$0x3F9A]  }
0x1a: {  	s8 =	sadd.s32 $0xFFFFE003, lr  }
0x1b: {  	s9 =	sadd.s32 $0xFFFFFEF7, lr;
	s5 =	simm.s32 $0xFFFFFFFF;
	p2 =	slt.u32 s8, $0xFFFFF086  }
0x1c: {  	p1 =	slt.u32 s9, $0xF7A;
	s5 =	simm.s32 @!p2 $0x0  }
0x1d: {  	s5 =	simm.s32 @p1 $0x1;
	p0 =	seq.s32 s7, s2  }
0x1e: {  	s7 =	smul.u32 @!p0 $0xF7A, s2;
	p2 =	seq.s32 @!p0 s5, $0x0  }
0x1f: {  	s9 =	smul.u32 $0xF7A, s1;
	s8 =	simm.s32 @!p0 $0x1BF5;
	p2 =	por !p2, p0  }
0x20: {  	[sflag:s8] =	ssyncset.s32 @!p0 $0xFFFFF086;
	s6 =	sadd.s32 @!p0 s3, s7;
	s7 =	simm.s32 @!p0 $0x108  }
0x21: {  	s3 =	sadd.s32 s3, s9;
	s6 =	sadd.s32 @!p0 $0x88, s6;
	s7 =	simm.s32 @p2 $0x1082  }
0x22: {  	[simem:s7], [sflag:s8] =	dma.local @!p0 [hbm:s6], $0xF7A  }
0x23: {  	s9 =	sor.u32 $0xD0000000, s2;
	s6 =	simm.s32 $0x108;
	_ =	swait.ge @!p0 [sflag:s8], $0x0  }
0x24: {  	s3 =	sadd.s32 $0x88, s3;
	s6 =	simm.s32 @!p1 $0x1082;
	[sflag:s4] =	ssyncset.s32 $0xFFFFF086  }
0x25: {  	[simem:s6], [sflag:s4] =	dma.local [hbm:s3], $0xF7A  }
0x26: {  	[smem:$0x3F9A] =	sst s1;
	(tag) =	ssettag s2;
	_ =	strace s9  }
0x27: {  	s1 =	sld [smem:$0x3FAA]  }
0x28: {  	s2 =	sld [smem:$0x3FAB]  }
0x29: {  	s4 =	sld [smem:$0x3FAD]  }
0x2a: {  	p0 =	seq.s32 s5, $0x0;
	s5 =	sld [smem:$0x3FAE]  }
0x2b: {  	s6 =	sld [smem:$0x3FAF]  }
0x2c: {  	s7 =	sld [smem:$0x3FB0]  }
0x2d: {  	s3 =	simm.s32 $0x108;
	s8 =	sld [smem:$0x3FB1]  }
0x2e: {  	s3 =	simm.s32 @!p0 $0x1082;
	s9 =	sld [smem:$0x3FB2]  }
0x2f: {  	lr =	sadd.s32 s0, s3;
	s0 =	sld [smem:$0x3FA9]  }
0x30: {  	s3 =	sld [smem:$0x3FAC]  }
0x31: {  	[smem:$0x3FB5] =	sst s10  }
0x32: {  	s10 =	sld [smem:$0x3FB3];
	_ =	sdelay $0x3  }
0x33: {  	p0 =	seq.s32 s10, $0x1;
	s10 =	sld [smem:$0x3FB5];
	_ =	sdelay $0x3  }
0x34: {  	[smem:$0x3FB5] =	sst s10  }
0x35: {  	s10 =	sld [smem:$0x3FB4];
	_ =	sdelay $0x3  }
0x36: {  	p1 =	seq.s32 s10, $0x1;
	s10 =	sld [smem:$0x3FB5];
	_ =	sdelay $0x3  }
0x37: {  	[smem:$0x3FB5] =	sst s10  }
0x38: {  	s10 =	sld [smem:$0x3FB6]  }
0x39: {  	_ = 	snop;
	(pc) =	sbr.ind lr, $3  }
0x3a: {  	_ = 	snop  }
0x3b: {  	_ = 	snop  }
0x3c: {  	p2 =	seq.s32 s10, $0x1;
	s10 =	sld [smem:$0x3FB5]  }
0x3d: {  	_ =	shalt  }
0x3e: {  	_ =	shalt  }
0x3f: {  	_ =	shalt  }
0x40: {  	_ =	shalt  }
0x41: {  	_ =	shalt  }
0x42: {  	_ =	shalt  }
0x43: {  	_ =	shalt  }
0x44: {  	_ =	shalt  }
0x45: {  	_ =	shalt  }
0x46: {  	_ =	shalt  }
0x47: {  	_ =	shalt  }
0x48: {  	_ =	shalt  }
0x49: {  	_ =	shalt  }
0x4a: {  	_ =	shalt  }
0x4b: {  	_ =	shalt  }
0x4c: {  	_ =	shalt  }
0x4d: {  	_ =	shalt  }
0x4e: {  	_ =	shalt  }
0x4f: {  	_ =	shalt  }
0x50: {  	_ =	shalt  }
0x51: {  	_ =	shalt  }
0x52: {  	_ =	shalt  }
0x53: {  	_ =	shalt  }
0x54: {  	_ =	shalt  }
0x55: {  	_ =	shalt  }
0x56: {  	_ =	shalt  }
0x57: {  	_ =	shalt  }
0x58: {  	_ =	shalt  }
0x59: {  	_ =	shalt  }
0x5a: {  	_ =	shalt  }
0x5b: {  	_ =	shalt  }
0x5c: {  	_ =	shalt  }
0x5d: {  	_ =	shalt  }
0x5e: {  	_ =	shalt  }
0x5f: {  	_ =	shalt  }
0x60: {  	_ =	shalt  }
0x61: {  	_ =	shalt  }
0x62: {  	_ =	shalt  }
0x63: {  	_ =	shalt  }
0x64: {  	_ =	shalt  }
0x65: {  	_ =	shalt  }
0x66: {  	_ =	shalt  }
0x67: {  	_ =	shalt  }
0x68: {  	_ =	shalt  }
0x69: {  	_ =	shalt  }
0x6a: {  	_ =	shalt  }
0x6b: {  	_ =	shalt  }
0x6c: {  	_ =	shalt  }
0x6d: {  	_ =	shalt  }
0x6e: {  	_ =	shalt  }
0x6f: {  	_ =	shalt  }
0x70: {  	_ =	shalt  }
0x71: {  	_ =	shalt  }
0x72: {  	_ =	shalt  }
0x73: {  	_ =	shalt  }
0x74: {  	_ =	shalt  }
0x75: {  	_ =	shalt  }
0x76: {  	_ =	shalt  }
0x77: {  	_ =	shalt  }
0x78: {  	_ =	shalt  }
0x79: {  	_ =	shalt  }
0x7a: {  	_ =	shalt  }
0x7b: {  	_ =	shalt  }
0x7c: {  	_ =	shalt  }
0x7d: {  	_ =	shalt  }
0x7e: {  	_ =	shalt  }
0x7f: {  	_ =	shalt  }
0x80: {  	_ =	shalt  }
0x81: {  	_ =	shalt  }
0x82: {  	_ =	shalt  }
0x83: {  	_ =	shalt  }
0x84: {  	_ =	shalt  }
0x85: {  	_ =	shalt  }
0x86: {  	_ =	shalt  }
0x87: {  	_ =	shalt  }
.Lfunc_end0:
.L_simem_size_0:
called_computation_lowered:
.L_overlay_start_0:
0x88: {  	s2 =	sld [smem:$0x3FD9]  }
0x89: {  	s3 =	sld [smem:$0x3FFE];
	_ =	sdelay $0x1  }
0x8a: {  	s1 =	srdreg.scid  }
0x8b: {  	s0 =	sand.u32 $0x1, s1  }
0x8c: {  	s17 =	sshll.u32 s0, $0xA;
	s2 =	sadd.s32 s3, s2  }
0x8d: {  	s2 =	sadd.s32 s2, s17  }
0x8e: {  	[smem:$0x3FC1] =	sst s2  }
0x8f: {  	_ = 	snop  }
0x90: {  	s2 =	sld [smem:$0x3FC8]  }
0x91: {  	s18 =	sld [smem:$0x3FC7]  }
0x92: {  	s4 =	sld [smem:$0x3FD0];
	(tm) =	ssettm $0x1  }
0x93: {  	s5 =	sld [smem:$0x3FFB];
	_ =	sdelay $0x3  }
0x94: {  	_ =	strace s5  }
0x95: {  	s5 =	sld [smem:$0x3FFC];
	_ =	sdelay $0x3  }
0x96: {  	_ =	strace s5  }
0x97: {  	s5 =	sld [smem:$0x3FFD];
	_ =	sdelay $0x3  }
0x98: {  	_ =	strace s5  }
0x99: {  	_ =	strace $0x8FFFFFFF  }
0x9a: {  	s19 =	sld [smem:$0x3FDB];
	_ =	sdelay $0x1  }
0x9b: {  	s6 =	simm.s32 $_scs_section_size  }
0x9c: {  	s7 =	simm.s32 $_size__tile_overlayer_lowered;
	s8 =	simm.s32 $_tile_overlayer_lowered  }
0x9d: {  	s22 =	simm.s32 $0x1BFF;
	s21 =	sshll.u32 s8, $0x1;
	s5 =	sadd.s32 s6, s19  }
0x9e: {  	s9 =	simm.s32 $0x0;
	s20 =	sshll.u32 s7, $0x1;
	s7 =	sadd.s32 s21, s5  }
0x9f: {  	[timem:s9], [sflag:s22] =	dma.local [hbm:s7], s20  }
0xa0: {  	_ =	swait.ge [sflag:s22], s20  }
0xa1: {  	s6 =	ssub.s32 $0x0, s20;
	[sflag:s22] =	ssyncset.done $0x0  }
0xa2: {  	[sflag:s22] =	ssyncadd.s32 s6;
	_ =	sdelay $0x1  }
0xa3: {  	s23 =	simm.s32 $0x1B8B  }
0xa4: {  	_ =	swait.ge [sflag:s23], $0x1  }
0xa5: {  	[sflag:s23] =	ssyncset.done $0x0  }
0xa6: {  	s25 =	simm.s32 $0x1B8E;
	s24 =	sld [smem:$0x3FFE];
	[sflag:s23] =	ssyncadd.s32 $0xFFFFFFFF  }
0xa7: {  	s26 =	simm.s32 $execute0_lowered;
	[smem:$0x3FD2] =	sst s25  }
0xa8: {  	s7 =	sshll.u32 s26, $0x1;
	_ =	strace $0x80000046;
	[dreg:$0x1] =	wrdreg $0xFFFFFFFF  }
0xa9: {  	s28 =	simm.s32 $_size_execute0_lowered;
	s5 =	sadd.s32 s5, s7;
	[dreg:$0x0] =	wrdreg $0x0  }
0xaa: {  	s7 =	sshll.u32 s28, $0x1;
	[dreg:$0x2] =	wrdreg s5  }
0xab: {  	[dreg:$0x3] =	wrdreg s7  }
0xac: {  	[dreg:$0x4] =	wrdreg $0xC0  }
0xad: {  	_ =	task [dreg:s9], $0x5FFFF  }
0xae: {  	[dreg:$0x1] =	wrdreg $0xFFFFFFFF  }
0xaf: {  	[dreg:$0x0] =	wrdreg $0x60  }
0xb0: {  	[dreg:$0x2] =	wrdreg s24  }
0xb1: {  	[dreg:$0x3] =	wrdreg s18  }
0xb2: {  	[dreg:$0x4] =	wrdreg s2  }
0xb3: {  	[dreg:$0x5] =	wrdreg s4  }
0xb4: {  	[dreg:$0x6] =	wrdreg $0x9  }
0xb5: {  	_ =	task.clear_ibuf [dreg:s9], $0x7FFFF;
	_ =	strace $0x90000046  }
0xb6: {  	s29 =	simm.s32 $0x9;
	_ =	strace $0x80000048  }
0xb7: {  	_ =	swait.ge [sflag:s29], $0x1  }
0xb8: {  	[sflag:s29] =	ssyncadd.s32 $0xFFFFFFFF  }
0xb9: {  	_ =	strace $0x90000048  }
0xba: {  	_ =	sfence  }
0xbb: {  	s30 =	sld [smem:$0x0];
	_ =	sdelay $0x2  }
0xbc: {  	s31 =	sshll.u32 s1, $0xD;
	s1 =	sshrl.u32 s1, $0x2  }
0xbd: {  	s3 =	sand.u32 $0x4000, s31;
	s1 =	sadd.s32 s1, s30  }
0xbe: {  	s0 =	sor.u32 s3, s0;
	s1 =	sshll.u32 s1, $0x11  }
0xbf: {  	s0 =	sor.u32 s1, s0  }
0xc0: {  	s0 =	sadd.s32 $0x8F2B, s0  }
0xc1: {  	[sflag:s0] =	ssyncadd.remote.s32 $0x1  }
0xc2: {  	_ =	sfence.sel $0xFFFF  }
0xc3: {  	[dreg:$0x0] =	wrdreg $0xFFFFFFFF;
	(pc) =	sbr.abs _section_cstart, $3  }
0xc4: {  	[dreg:$0x1] =	wrdreg $0xFFFFFFFF  }
0xc5: {  	_ =	task.clear_ibuf [dreg:s9], $0x2FFFF;
	_ =	strace $0x9FFFFFFF  }
0xc6: {  	(tm) =	ssettm $0x7FFFFFFF  }
0xc7: {  	_ =	shalt  }
tec
execute0_lowered:
.L_overlay_start_1:
0x0: {  	(tag) =	ssettag $0x1  }
0x1: {  	s0 =	rddreg [dreg:$0x0]  }
0x2: {  	s1 =	rddreg [dreg:$0x2];
	s4 =	srdreg.scid  }
0x3: {  	s2 =	rddreg [dreg:$0x3];
	s5 =	stileid.u32;
	s4 =	sand.u32 $0x1, s4  }
0x4: {  	s3 =	simm.s32 $0x0;
	s5 =	sshll.u32 s5, $0xB;
	s6 =	sshll.u32 s4, $0xA  }
0x5: {  	[smem:$0x7FF] =	sst s3;
	s5 =	sor.u32 s6, s5  }
0x6: {  	_ =	strace $0x80000047;
	s6 =	sadd.s32 s5, s0;
	s0 =	sadd.s32 $0x18C00, s0  }
0x7: {  	s8 =	sshrl.u32 s5, $0x3;
	s31 =	sadd.s32 s2, s5;
	[dreg:$0x5] =	wrdreg s0  }
0x8: {  	s1 =	sadd.s32 s1, s8;
	[dreg:$0x16] =	wrdreg s31  }
0x9: {  	s14 =	sadd.s32 $0xC00, s6;
	[dreg:$0x6] =	wrdreg s1  }
0xa: {  	s15 =	sadd.s32 $0xC10, s6;
	[dreg:$0x7] =	wrdreg s14  }
0xb: {  	s16 =	sadd.s32 $0xC20, s6;
	[dreg:$0x8] =	wrdreg s15  }
0xc: {  	s17 =	sadd.s32 $0xC30, s6;
	[dreg:$0x9] =	wrdreg s16  }
0xd: {  	s18 =	sadd.s32 $0xC40, s6;
	[dreg:$0xa] =	wrdreg s17  }
0xe: {  	s19 =	sadd.s32 $0xC50, s6;
	[dreg:$0xb] =	wrdreg s18  }
0xf: {  	s20 =	sadd.s32 $0xC60, s6;
	[dreg:$0xc] =	wrdreg s19  }
0x10: {  	s21 =	sadd.s32 $0xC70, s6;
	[dreg:$0xd] =	wrdreg s20  }
0x11: {  	s22 =	sadd.s32 $0x8C00, s6;
	[dreg:$0xe] =	wrdreg s21  }
0x12: {  	s30 =	simm.s32 $0x0;
	s23 =	sadd.s32 $0x8C10, s6;
	[dreg:$0xf] =	wrdreg s22  }
0x13: {  	s4 =	ssub.s32 $0x2, s4;
	s24 =	sadd.s32 $0x8C20, s6;
	[dreg:$0x10] =	wrdreg s23  }
0x14: {  	s7 =	sshrl.u32 s4, $0x1;
	s25 =	sadd.s32 $0x8C30, s6;
	[dreg:$0x11] =	wrdreg s24  }
0x15: {  	s13 =	ssub.s32 s4, s7;
	s26 =	sadd.s32 $0x8C40, s6;
	[dreg:$0x12] =	wrdreg s25  }
0x16: {  	s2 =	simm.s32 $0x2;
	s28 =	sadd.s32 $0x8C50, s6;
	[dreg:$0x13] =	wrdreg s26  }
0x17: {  	s5 =	simm.s32 $0x2000;
	s29 =	sadd.s32 $0x8C60, s6;
	[dreg:$0x14] =	wrdreg s28  }
0x18: {  	s0 =	smax.u32 s13, $0x1;
	[dreg:$0x15] =	wrdreg s29;
	s21 =	sadd.s32 $0x8C70, s6  }
0x19: {  	s23 =	sadd.s32 $0x10C00, s6;
	s24 =	sadd.s32 $0x10C10, s6;
	s25 =	sadd.s32 $0x10C20, s6  }
0x1a: {  	s26 =	sadd.s32 $0x10C30, s6;
	[dreg:$0x17] =	wrdreg s0;
	s0 =	simm.s32 $0x1  }
.LBB2_1:
0x1b: {  	s1 =	rddreg [dreg:$0x6]  }
0x1c: {  	[tilespmem:s3], [sflag:$0x2] =	stream.linear.gather [hbm4b:s1+s3], $0x400, $0x38;
	[tilespmem:$0xB080] =	vst v63  }
0x1d: {  	_ =	swait.ge [sflag:s2], $0x400  }
0x1e: {  	[sflag:s2] =	ssyncset.done $0x0  }
0x1f: {  	s4 =	simm.s32 $0x400;
	s16 =	rddreg [dreg:$0x5];
	[sflag:s2] =	ssyncadd.s32 $0xFFFFFC00  }
0x20: {  	[tilespmem:s4], [sflag:$0x2] =	stream.linear.gather [hbm4b:s16+s3], $0xA00, $0x38;
	[tilespmem:$0xB080] =	vst v63  }
0x21: {  	_ =	swait.ge [sflag:s2], $0xA00  }
0x22: {  	[sflag:s2] =	ssyncset.done $0x0  }
0x23: {  	[sflag:s2] =	ssyncadd.s32 $0xFFFFF600  }
0x24: {  	s18 =	simm.s32 $0x1000;
	s17 =	rddreg [dreg:$0x1]  }
0x25: {  	[tilespmem:s18], [sflag:$0x2] =	stream.linear.gather [hbm4b:s17+s3], $0x80, $0x38;
	[tilespmem:$0xB080] =	vst v63  }
0x26: {  	_ =	swait.ge [sflag:s2], $0x80  }
0x27: {  	[sflag:s2] =	ssyncset.done $0x0  }
0x28: {  	s20 =	simm.s32 $0x1080;
	s19 =	rddreg [dreg:$0x7];
	[sflag:s2] =	ssyncadd.s32 $0xFFFFFF80  }
0x29: {  	[tilespmem:s20], [sflag:$0x1] =	stream.linear.gather [hbm4b:s19+s3], $0x80, $0x38;
	[tilespmem:$0xB080] =	vst v63  }
0x2a: {  	s28 =	simm.s32 $0x1480;
	s22 =	sadd.s32 $0x80, s19  }
0x2b: {  	[tilespmem:s28], [sflag:$0x1] =	stream.linear.gather [hbm4b:s22+s3], $0x80, $0x38;
	[tilespmem:$0xB080] =	vst v63  }
0x2c: {  	s31 =	simm.s32 $0x1880;
	s29 =	sadd.s32 $0x100, s19  }
0x2d: {  	[tilespmem:s31], [sflag:$0x1] =	stream.linear.gather [hbm4b:s29+s3], $0x80, $0x38;
	[tilespmem:$0xB080] =	vst v63  }
0x2e: {  	s6 =	simm.s32 $0x1C80;
	s4 =	sadd.s32 $0x180, s19  }
0x2f: {  	[tilespmem:s6], [sflag:$0x1] =	stream.linear.gather [hbm4b:s4+s3], $0x80, $0x38;
	[tilespmem:$0xB080] =	vst v63  }
0x30: {  	s8 =	simm.s32 $0x2080;
	s7 =	sadd.s32 $0x200, s19  }
0x31: {  	[tilespmem:s8], [sflag:$0x1] =	stream.linear.gather [hbm4b:s7+s3], $0x80, $0x38;
	[tilespmem:$0xB080] =	vst v63  }
0x32: {  	s10 =	simm.s32 $0x2480;
	s9 =	sadd.s32 $0x280, s19  }
0x33: {  	[tilespmem:s10], [sflag:$0x1] =	stream.linear.gather [hbm4b:s9+s3], $0x80, $0x38;
	[tilespmem:$0xB080] =	vst v63  }
0x34: {  	s12 =	simm.s32 $0x2880;
	s11 =	sadd.s32 $0x300, s19  }
0x35: {  	[tilespmem:s12], [sflag:$0x1] =	stream.linear.gather [hbm4b:s11+s3], $0x80, $0x38;
	[tilespmem:$0xB080] =	vst v63  }
0x36: {  	s14 =	simm.s32 $0x2C80;
	s13 =	sadd.s32 $0x380, s19  }
0x37: {  	[tilespmem:s14], [sflag:$0x1] =	stream.linear.gather [hbm4b:s13+s3], $0x80, $0x38;
	[tilespmem:$0xB080] =	vst v63  }
0x38: {  	s16 =	simm.s32 $0x1100;
	s15 =	rddreg [dreg:$0x8]  }
0x39: {  	[tilespmem:s16], [sflag:$0x1] =	stream.linear.gather [hbm4b:s15+s3], $0x80, $0x38;
	[tilespmem:$0xB080] =	vst v63  }
0x3a: {  	s18 =	simm.s32 $0x1500;
	s17 =	sadd.s32 $0x80, s15  }
0x3b: {  	[tilespmem:s18], [sflag:$0x1] =	stream.linear.gather [hbm4b:s17+s3], $0x80, $0x38;
	[tilespmem:$0xB080] =	vst v63  }
0x3c: {  	s19 =	sadd.s32 $0x100, s15;
	s20 =	simm.s32 $0x1900  }
0x3d: {  	[tilespmem:s20], [sflag:$0x1] =	stream.linear.gather [hbm4b:s19+s3], $0x80, $0x38;
	[tilespmem:$0xB080] =	vst v63  }
0x3e: {  	s22 =	sadd.s32 $0x180, s15;
	s28 =	simm.s32 $0x1D00  }
0x3f: {  	[tilespmem:s28], [sflag:$0x1] =	stream.linear.gather [hbm4b:s22+s3], $0x80, $0x38;
	[tilespmem:$0xB080] =	vst v63  }
0x40: {  	s29 =	sadd.s32 $0x200, s15;
	s31 =	simm.s32 $0x2100  }
0x41: {  	[tilespmem:s31], [sflag:$0x1] =	stream.linear.gather [hbm4b:s29+s3], $0x80, $0x38;
	[tilespmem:$0xB080] =	vst v63  }
0x42: {  	s4 =	sadd.s32 $0x280, s15;
	s6 =	simm.s32 $0x2500  }
0x43: {  	[tilespmem:s6], [sflag:$0x1] =	stream.linear.gather [hbm4b:s4+s3], $0x80, $0x38;
	[tilespmem:$0xB080] =	vst v63  }
0x44: {  	s7 =	sadd.s32 $0x300, s15;
	s8 =	simm.s32 $0x2900  }
0x45: {  	[tilespmem:s8], [sflag:$0x1] =	stream.linear.gather [hbm4b:s7+s3], $0x80, $0x38;
	[tilespmem:$0xB080] =	vst v63  }
0x46: {  	s9 =	sadd.s32 $0x380, s15;
	s10 =	simm.s32 $0x2D00  }
0x47: {  	[tilespmem:s10], [sflag:$0x1] =	stream.linear.gather [hbm4b:s9+s3], $0x80, $0x38;
	[tilespmem:$0xB080] =	vst v63  }
0x48: {  	s11 =	rddreg [dreg:$0x9];
	s12 =	simm.s32 $0x1180  }
0x49: {  	[tilespmem:s12], [sflag:$0x1] =	stream.linear.gather [hbm4b:s11+s3], $0x80, $0x38;
	[tilespmem:$0xB080] =	vst v63  }
0x4a: {  	s13 =	sadd.s32 $0x80, s11;
	s14 =	simm.s32 $0x1580  }
0x4b: {  	[tilespmem:s14], [sflag:$0x1] =	stream.linear.gather [hbm4b:s13+s3], $0x80, $0x38;
	[tilespmem:$0xB080] =	vst v63  }
0x4c: {  	s15 =	sadd.s32 $0x100, s11;
	s16 =	simm.s32 $0x1980  }
0x4d: {  	[tilespmem:s16], [sflag:$0x1] =	stream.linear.gather [hbm4b:s15+s3], $0x80, $0x38;
	[tilespmem:$0xB080] =	vst v63  }
0x4e: {  	s17 =	sadd.s32 $0x180, s11;
	s18 =	simm.s32 $0x1D80  }
0x4f: {  	[tilespmem:s18], [sflag:$0x1] =	stream.linear.gather [hbm4b:s17+s3], $0x80, $0x38;
	[tilespmem:$0xB080] =	vst v63  }
0x50: {  	s19 =	sadd.s32 $0x200, s11;
	s20 =	simm.s32 $0x2180  }
0x51: {  	[tilespmem:s20], [sflag:$0x1] =	stream.linear.gather [hbm4b:s19+s3], $0x80, $0x38;
	[tilespmem:$0xB080] =	vst v63  }
0x52: {  	s22 =	sadd.s32 $0x280, s11;
	s28 =	simm.s32 $0x2580  }
0x53: {  	[tilespmem:s28], [sflag:$0x1] =	stream.linear.gather [hbm4b:s22+s3], $0x80, $0x38;
	[tilespmem:$0xB080] =	vst v63  }
0x54: {  	s29 =	sadd.s32 $0x300, s11;
	s31 =	simm.s32 $0x2980  }
0x55: {  	[tilespmem:s31], [sflag:$0x1] =	stream.linear.gather [hbm4b:s29+s3], $0x80, $0x38;
	[tilespmem:$0xB080] =	vst v63  }
0x56: {  	s4 =	sadd.s32 $0x380, s11;
	s6 =	simm.s32 $0x2D80  }
0x57: {  	[tilespmem:s6], [sflag:$0x1] =	stream.linear.gather [hbm4b:s4+s3], $0x80, $0x38;
	[tilespmem:$0xB080] =	vst v63  }
0x58: {  	s7 =	rddreg [dreg:$0xa];
	s8 =	simm.s32 $0x1200  }
0x59: {  	[tilespmem:s8], [sflag:$0x1] =	stream.linear.gather [hbm4b:s7+s3], $0x80, $0x38;
	[tilespmem:$0xB080] =	vst v63  }
0x5a: {  	s9 =	sadd.s32 $0x80, s7;
	s10 =	simm.s32 $0x1600  }
0x5b: {  	[tilespmem:s10], [sflag:$0x1] =	stream.linear.gather [hbm4b:s9+s3], $0x80, $0x38;
	[tilespmem:$0xB080] =	vst v63  }
0x5c: {  	s11 =	sadd.s32 $0x100, s7;
	s12 =	simm.s32 $0x1A00  }
0x5d: {  	[tilespmem:s12], [sflag:$0x1] =	stream.linear.gather [hbm4b:s11+s3], $0x80, $0x38;
	[tilespmem:$0xB080] =	vst v63  }
0x5e: {  	s13 =	sadd.s32 $0x180, s7;
	s14 =	simm.s32 $0x1E00  }
0x5f: {  	[tilespmem:s14], [sflag:$0x1] =	stream.linear.gather [hbm4b:s13+s3], $0x80, $0x38;
	[tilespmem:$0xB080] =	vst v63  }
0x60: {  	s15 =	sadd.s32 $0x200, s7;
	s16 =	simm.s32 $0x2200  }
0x61: {  	[tilespmem:s16], [sflag:$0x1] =	stream.linear.gather [hbm4b:s15+s3], $0x80, $0x38;
	[tilespmem:$0xB080] =	vst v63  }
0x62: {  	s17 =	sadd.s32 $0x280, s7;
	s18 =	simm.s32 $0x2600  }
0x63: {  	[tilespmem:s18], [sflag:$0x1] =	stream.linear.gather [hbm4b:s17+s3], $0x80, $0x38;
	[tilespmem:$0xB080] =	vst v63  }
0x64: {  	s19 =	sadd.s32 $0x300, s7;
	s20 =	simm.s32 $0x2A00  }
0x65: {  	[tilespmem:s20], [sflag:$0x1] =	stream.linear.gather [hbm4b:s19+s3], $0x80, $0x38;
	[tilespmem:$0xB080] =	vst v63  }
0x66: {  	s22 =	sadd.s32 $0x380, s7;
	s28 =	simm.s32 $0x2E00  }
0x67: {  	[tilespmem:s28], [sflag:$0x1] =	stream.linear.gather [hbm4b:s22+s3], $0x80, $0x38;
	[tilespmem:$0xB080] =	vst v63  }
0x68: {  	s29 =	rddreg [dreg:$0xb];
	s31 =	simm.s32 $0x1280  }
0x69: {  	[tilespmem:s31], [sflag:$0x1] =	stream.linear.gather [hbm4b:s29+s3], $0x80, $0x38;
	[tilespmem:$0xB080] =	vst v63  }
0x6a: {  	s4 =	sadd.s32 $0x80, s29;
	s6 =	simm.s32 $0x1680  }
0x6b: {  	[tilespmem:s6], [sflag:$0x1] =	stream.linear.gather [hbm4b:s4+s3], $0x80, $0x38;
	[tilespmem:$0xB080] =	vst v63  }
0x6c: {  	s7 =	sadd.s32 $0x100, s29;
	s8 =	simm.s32 $0x1A80  }
0x6d: {  	[tilespmem:s8], [sflag:$0x1] =	stream.linear.gather [hbm4b:s7+s3], $0x80, $0x38;
	[tilespmem:$0xB080] =	vst v63  }
0x6e: {  	s9 =	sadd.s32 $0x180, s29;
	s10 =	simm.s32 $0x1E80  }
0x6f: {  	[tilespmem:s10], [sflag:$0x1] =	stream.linear.gather [hbm4b:s9+s3], $0x80, $0x38;
	[tilespmem:$0xB080] =	vst v63  }
0x70: {  	s11 =	sadd.s32 $0x200, s29;
	s12 =	simm.s32 $0x2280  }
0x71: {  	[tilespmem:s12], [sflag:$0x1] =	stream.linear.gather [hbm4b:s11+s3], $0x80, $0x38;
	[tilespmem:$0xB080] =	vst v63  }
0x72: {  	s13 =	sadd.s32 $0x280, s29;
	s14 =	simm.s32 $0x2680  }
0x73: {  	[tilespmem:s14], [sflag:$0x1] =	stream.linear.gather [hbm4b:s13+s3], $0x80, $0x38;
	[tilespmem:$0xB080] =	vst v63  }
0x74: {  	s15 =	sadd.s32 $0x300, s29;
	s16 =	simm.s32 $0x2A80  }
0x75: {  	[tilespmem:s16], [sflag:$0x1] =	stream.linear.gather [hbm4b:s15+s3], $0x80, $0x38;
	[tilespmem:$0xB080] =	vst v63  }
0x76: {  	s17 =	sadd.s32 $0x380, s29;
	s18 =	simm.s32 $0x2E80  }
0x77: {  	[tilespmem:s18], [sflag:$0x1] =	stream.linear.gather [hbm4b:s17+s3], $0x80, $0x38;
	[tilespmem:$0xB080] =	vst v63  }
0x78: {  	s19 =	rddreg [dreg:$0xc];
	s20 =	simm.s32 $0x1300  }
0x79: {  	[tilespmem:s20], [sflag:$0x1] =	stream.linear.gather [hbm4b:s19+s3], $0x80, $0x38;
	[tilespmem:$0xB080] =	vst v63  }
0x7a: {  	s22 =	sadd.s32 $0x80, s19;
	s28 =	simm.s32 $0x1700  }
0x7b: {  	[tilespmem:s28], [sflag:$0x1] =	stream.linear.gather [hbm4b:s22+s3], $0x80, $0x38;
	[tilespmem:$0xB080] =	vst v63  }
0x7c: {  	s29 =	sadd.s32 $0x100, s19;
	s31 =	simm.s32 $0x1B00  }
0x7d: {  	[tilespmem:s31], [sflag:$0x1] =	stream.linear.gather [hbm4b:s29+s3], $0x80, $0x38;
	[tilespmem:$0xB080] =	vst v63  }
0x7e: {  	s4 =	sadd.s32 $0x180, s19;
	s6 =	simm.s32 $0x1F00  }
0x7f: {  	[tilespmem:s6], [sflag:$0x1] =	stream.linear.gather [hbm4b:s4+s3], $0x80, $0x38;
	[tilespmem:$0xB080] =	vst v63  }
0x80: {  	s7 =	sadd.s32 $0x200, s19;
	s8 =	simm.s32 $0x2300  }
0x81: {  	[tilespmem:s8], [sflag:$0x1] =	stream.linear.gather [hbm4b:s7+s3], $0x80, $0x38;
	[tilespmem:$0xB080] =	vst v63  }
0x82: {  	s9 =	sadd.s32 $0x280, s19;
	s10 =	simm.s32 $0x2700  }
0x83: {  	[tilespmem:s10], [sflag:$0x1] =	stream.linear.gather [hbm4b:s9+s3], $0x80, $0x38;
	[tilespmem:$0xB080] =	vst v63  }
0x84: {  	s11 =	sadd.s32 $0x300, s19;
	s12 =	simm.s32 $0x2B00  }
0x85: {  	[tilespmem:s12], [sflag:$0x1] =	stream.linear.gather [hbm4b:s11+s3], $0x80, $0x38;
	[tilespmem:$0xB080] =	vst v63  }
0x86: {  	s13 =	sadd.s32 $0x380, s19;
	s14 =	simm.s32 $0x2F00  }
0x87: {  	[tilespmem:s14], [sflag:$0x1] =	stream.linear.gather [hbm4b:s13+s3], $0x80, $0x38;
	[tilespmem:$0xB080] =	vst v63  }
0x88: {  	s15 =	rddreg [dreg:$0xd];
	s16 =	simm.s32 $0x1380  }
0x89: {  	[tilespmem:s16], [sflag:$0x1] =	stream.linear.gather [hbm4b:s15+s3], $0x80, $0x38;
	[tilespmem:$0xB080] =	vst v63  }
0x8a: {  	s17 =	sadd.s32 $0x80, s15;
	s18 =	simm.s32 $0x1780  }
0x8b: {  	[tilespmem:s18], [sflag:$0x1] =	stream.linear.gather [hbm4b:s17+s3], $0x80, $0x38;
	[tilespmem:$0xB080] =	vst v63  }
0x8c: {  	s19 =	sadd.s32 $0x100, s15;
	s20 =	simm.s32 $0x1B80  }
0x8d: {  	[tilespmem:s20], [sflag:$0x1] =	stream.linear.gather [hbm4b:s19+s3], $0x80, $0x38;
	[tilespmem:$0xB080] =	vst v63  }
0x8e: {  	s22 =	sadd.s32 $0x180, s15;
	s28 =	simm.s32 $0x1F80  }
0x8f: {  	[tilespmem:s28], [sflag:$0x1] =	stream.linear.gather [hbm4b:s22+s3], $0x80, $0x38;
	[tilespmem:$0xB080] =	vst v63  }
0x90: {  	s29 =	sadd.s32 $0x200, s15;
	s31 =	simm.s32 $0x2380  }
0x91: {  	[tilespmem:s31], [sflag:$0x1] =	stream.linear.gather [hbm4b:s29+s3], $0x80, $0x38;
	[tilespmem:$0xB080] =	vst v63  }
0x92: {  	s6 =	sadd.s32 $0x280, s15;
	s7 =	simm.s32 $0x2780  }
0x93: {  	[tilespmem:s7], [sflag:$0x1] =	stream.linear.gather [hbm4b:s6+s3], $0x80, $0x38;
	[tilespmem:$0xB080] =	vst v63  }
0x94: {  	s8 =	sadd.s32 $0x300, s15;
	s9 =	simm.s32 $0x2B80  }
0x95: {  	[tilespmem:s9], [sflag:$0x1] =	stream.linear.gather [hbm4b:s8+s3], $0x80, $0x38;
	[tilespmem:$0xB080] =	vst v63  }
0x96: {  	s10 =	sadd.s32 $0x380, s15;
	s11 =	simm.s32 $0x2F80  }
0x97: {  	[tilespmem:s11], [sflag:$0x1] =	stream.linear.gather [hbm4b:s10+s3], $0x80, $0x38;
	[tilespmem:$0xB080] =	vst v63  }
0x98: {  	s12 =	rddreg [dreg:$0xe];
	s13 =	simm.s32 $0x1400  }
0x99: {  	[tilespmem:s13], [sflag:$0x1] =	stream.linear.gather [hbm4b:s12+s3], $0x80, $0x38;
	[tilespmem:$0xB080] =	vst v63  }
0x9a: {  	s14 =	sadd.s32 $0x80, s12;
	s15 =	simm.s32 $0x1800  }
0x9b: {  	[tilespmem:s15], [sflag:$0x1] =	stream.linear.gather [hbm4b:s14+s3], $0x80, $0x38;
	[tilespmem:$0xB080] =	vst v63  }
0x9c: {  	s16 =	sadd.s32 $0x100, s12;
	s17 =	simm.s32 $0x1C00  }
0x9d: {  	[tilespmem:s17], [sflag:$0x1] =	stream.linear.gather [hbm4b:s16+s3], $0x80, $0x38;
	[tilespmem:$0xB080] =	vst v63  }
0x9e: {  	s18 =	sadd.s32 $0x180, s12  }
0x9f: {  	[tilespmem:s5], [sflag:$0x1] =	stream.linear.gather [hbm4b:s18+s3], $0x80, $0x38;
	[tilespmem:$0xB080] =	vst v63  }
0xa0: {  	s19 =	sadd.s32 $0x200, s12;
	s20 =	simm.s32 $0x2400  }
0xa1: {  	[tilespmem:s20], [sflag:$0x1] =	stream.linear.gather [hbm4b:s19+s3], $0x80, $0x38;
	[tilespmem:$0xB080] =	vst v63  }
0xa2: {  	s22 =	sadd.s32 $0x280, s12;
	s28 =	simm.s32 $0x2800  }
0xa3: {  	[tilespmem:s28], [sflag:$0x1] =	stream.linear.gather [hbm4b:s22+s3], $0x80, $0x38;
	[tilespmem:$0xB080] =	vst v63  }
0xa4: {  	s29 =	sadd.s32 $0x300, s12;
	s31 =	simm.s32 $0x2C00  }
0xa5: {  	[tilespmem:s31], [sflag:$0x1] =	stream.linear.gather [hbm4b:s29+s3], $0x80, $0x38;
	[tilespmem:$0xB080] =	vst v63  }
0xa6: {  	s4 =	simm.s32 $0x3000;
	s2 =	sadd.s32 $0x380, s12  }
0xa7: {  	[tilespmem:s4], [sflag:$0x1] =	stream.linear.gather [hbm4b:s2+s3], $0x80, $0x38;
	[tilespmem:$0xB080] =	vst v63  }
0xa8: {  	s6 =	simm.s32 $0x3080;
	s5 =	rddreg [dreg:$0xf]  }
0xa9: {  	[tilespmem:s6], [sflag:$0x1] =	stream.linear.gather [hbm4b:s5+s3], $0x80, $0x38;
	[tilespmem:$0xB080] =	vst v63  }
0xaa: {  	s8 =	simm.s32 $0x3480;
	s7 =	sadd.s32 $0x80, s5  }
0xab: {  	[tilespmem:s8], [sflag:$0x1] =	stream.linear.gather [hbm4b:s7+s3], $0x80, $0x38;
	[tilespmem:$0xB080] =	vst v63  }
0xac: {  	s10 =	simm.s32 $0x3880;
	s9 =	sadd.s32 $0x100, s5  }
0xad: {  	[tilespmem:s10], [sflag:$0x1] =	stream.linear.gather [hbm4b:s9+s3], $0x80, $0x38;
	[tilespmem:$0xB080] =	vst v63  }
0xae: {  	s12 =	simm.s32 $0x3C80;
	s11 =	sadd.s32 $0x180, s5  }
0xaf: {  	[tilespmem:s12], [sflag:$0x1] =	stream.linear.gather [hbm4b:s11+s3], $0x80, $0x38;
	[tilespmem:$0xB080] =	vst v63  }
0xb0: {  	s14 =	simm.s32 $0x4080;
	s13 =	sadd.s32 $0x200, s5  }
0xb1: {  	[tilespmem:s14], [sflag:$0x1] =	stream.linear.gather [hbm4b:s13+s3], $0x80, $0x38;
	[tilespmem:$0xB080] =	vst v63  }
0xb2: {  	s16 =	simm.s32 $0x4480;
	s15 =	sadd.s32 $0x280, s5  }
0xb3: {  	[tilespmem:s16], [sflag:$0x1] =	stream.linear.gather [hbm4b:s15+s3], $0x80, $0x38;
	[tilespmem:$0xB080] =	vst v63  }
0xb4: {  	s18 =	simm.s32 $0x4880;
	s17 =	sadd.s32 $0x300, s5  }
0xb5: {  	[tilespmem:s18], [sflag:$0x1] =	stream.linear.gather [hbm4b:s17+s3], $0x80, $0x38;
	[tilespmem:$0xB080] =	vst v63  }
0xb6: {  	s19 =	sadd.s32 $0x380, s5;
	s20 =	simm.s32 $0x4C80  }
0xb7: {  	[tilespmem:s20], [sflag:$0x1] =	stream.linear.gather [hbm4b:s19+s3], $0x80, $0x38;
	[tilespmem:$0xB080] =	vst v63  }
0xb8: {  	s22 =	rddreg [dreg:$0x10];
	s28 =	simm.s32 $0x3100  }
0xb9: {  	[tilespmem:s28], [sflag:$0x1] =	stream.linear.gather [hbm4b:s22+s3], $0x80, $0x38;
	[tilespmem:$0xB080] =	vst v63  }
0xba: {  	s29 =	sadd.s32 $0x80, s22;
	s31 =	simm.s32 $0x3500  }
0xbb: {  	[tilespmem:s31], [sflag:$0x1] =	stream.linear.gather [hbm4b:s29+s3], $0x80, $0x38;
	[tilespmem:$0xB080] =	vst v63  }
0xbc: {  	s5 =	sadd.s32 $0x100, s22;
	s6 =	simm.s32 $0x3900  }
0xbd: {  	[tilespmem:s6], [sflag:$0x1] =	stream.linear.gather [hbm4b:s5+s3], $0x80, $0x38;
	[tilespmem:$0xB080] =	vst v63  }
0xbe: {  	s7 =	sadd.s32 $0x180, s22;
	s8 =	simm.s32 $0x3D00  }
0xbf: {  	[tilespmem:s8], [sflag:$0x1] =	stream.linear.gather [hbm4b:s7+s3], $0x80, $0x38;
	[tilespmem:$0xB080] =	vst v63  }
0xc0: {  	s9 =	sadd.s32 $0x200, s22;
	s10 =	simm.s32 $0x4100  }
0xc1: {  	[tilespmem:s10], [sflag:$0x1] =	stream.linear.gather [hbm4b:s9+s3], $0x80, $0x38;
	[tilespmem:$0xB080] =	vst v63  }
0xc2: {  	s11 =	sadd.s32 $0x280, s22;
	s12 =	simm.s32 $0x4500  }
0xc3: {  	[tilespmem:s12], [sflag:$0x1] =	stream.linear.gather [hbm4b:s11+s3], $0x80, $0x38;
	[tilespmem:$0xB080] =	vst v63  }
0xc4: {  	s13 =	sadd.s32 $0x300, s22;
	s14 =	simm.s32 $0x4900  }
0xc5: {  	[tilespmem:s14], [sflag:$0x1] =	stream.linear.gather [hbm4b:s13+s3], $0x80, $0x38;
	[tilespmem:$0xB080] =	vst v63  }
0xc6: {  	s15 =	sadd.s32 $0x380, s22;
	s16 =	simm.s32 $0x4D00  }
0xc7: {  	[tilespmem:s16], [sflag:$0x1] =	stream.linear.gather [hbm4b:s15+s3], $0x80, $0x38;
	[tilespmem:$0xB080] =	vst v63  }
0xc8: {  	s17 =	rddreg [dreg:$0x11];
	s18 =	simm.s32 $0x3180  }
0xc9: {  	[tilespmem:s18], [sflag:$0x1] =	stream.linear.gather [hbm4b:s17+s3], $0x80, $0x38;
	[tilespmem:$0xB080] =	vst v63  }
0xca: {  	s19 =	sadd.s32 $0x80, s17;
	s20 =	simm.s32 $0x3580  }
0xcb: {  	[tilespmem:s20], [sflag:$0x1] =	stream.linear.gather [hbm4b:s19+s3], $0x80, $0x38;
	[tilespmem:$0xB080] =	vst v63  }
0xcc: {  	s22 =	sadd.s32 $0x100, s17;
	s28 =	simm.s32 $0x3980  }
0xcd: {  	[tilespmem:s28], [sflag:$0x1] =	stream.linear.gather [hbm4b:s22+s3], $0x80, $0x38;
	[tilespmem:$0xB080] =	vst v63  }
0xce: {  	s29 =	sadd.s32 $0x180, s17;
	s31 =	simm.s32 $0x3D80  }
0xcf: {  	[tilespmem:s31], [sflag:$0x1] =	stream.linear.gather [hbm4b:s29+s3], $0x80, $0x38;
	[tilespmem:$0xB080] =	vst v63  }
0xd0: {  	s5 =	sadd.s32 $0x200, s17;
	s6 =	simm.s32 $0x4180  }
0xd1: {  	[tilespmem:s6], [sflag:$0x1] =	stream.linear.gather [hbm4b:s5+s3], $0x80, $0x38;
	[tilespmem:$0xB080] =	vst v63  }
0xd2: {  	s7 =	sadd.s32 $0x280, s17;
	s8 =	simm.s32 $0x4580  }
0xd3: {  	[tilespmem:s8], [sflag:$0x1] =	stream.linear.gather [hbm4b:s7+s3], $0x80, $0x38;
	[tilespmem:$0xB080] =	vst v63  }
0xd4: {  	s9 =	sadd.s32 $0x300, s17;
	s10 =	simm.s32 $0x4980  }
0xd5: {  	[tilespmem:s10], [sflag:$0x1] =	stream.linear.gather [hbm4b:s9+s3], $0x80, $0x38;
	[tilespmem:$0xB080] =	vst v63  }
0xd6: {  	s11 =	sadd.s32 $0x380, s17;
	s12 =	simm.s32 $0x4D80  }
0xd7: {  	[tilespmem:s12], [sflag:$0x1] =	stream.linear.gather [hbm4b:s11+s3], $0x80, $0x38;
	[tilespmem:$0xB080] =	vst v63  }
0xd8: {  	s13 =	rddreg [dreg:$0x12];
	s14 =	simm.s32 $0x3200  }
0xd9: {  	[tilespmem:s14], [sflag:$0x1] =	stream.linear.gather [hbm4b:s13+s3], $0x80, $0x38;
	[tilespmem:$0xB080] =	vst v63  }
0xda: {  	s15 =	sadd.s32 $0x80, s13;
	s16 =	simm.s32 $0x3600  }
0xdb: {  	[tilespmem:s16], [sflag:$0x1] =	stream.linear.gather [hbm4b:s15+s3], $0x80, $0x38;
	[tilespmem:$0xB080] =	vst v63  }
0xdc: {  	s17 =	sadd.s32 $0x100, s13;
	s18 =	simm.s32 $0x3A00  }
0xdd: {  	[tilespmem:s18], [sflag:$0x1] =	stream.linear.gather [hbm4b:s17+s3], $0x80, $0x38;
	[tilespmem:$0xB080] =	vst v63  }
0xde: {  	s19 =	sadd.s32 $0x180, s13;
	s20 =	simm.s32 $0x3E00  }
0xdf: {  	[tilespmem:s20], [sflag:$0x1] =	stream.linear.gather [hbm4b:s19+s3], $0x80, $0x38;
	[tilespmem:$0xB080] =	vst v63  }
0xe0: {  	s22 =	sadd.s32 $0x200, s13;
	s28 =	simm.s32 $0x4200  }
0xe1: {  	[tilespmem:s28], [sflag:$0x1] =	stream.linear.gather [hbm4b:s22+s3], $0x80, $0x38;
	[tilespmem:$0xB080] =	vst v63  }
0xe2: {  	s29 =	sadd.s32 $0x280, s13;
	s31 =	simm.s32 $0x4600  }
0xe3: {  	[tilespmem:s31], [sflag:$0x1] =	stream.linear.gather [hbm4b:s29+s3], $0x80, $0x38;
	[tilespmem:$0xB080] =	vst v63  }
0xe4: {  	s4 =	sadd.s32 $0x300, s13;
	s5 =	simm.s32 $0x4A00  }
0xe5: {  	[tilespmem:s5], [sflag:$0x1] =	stream.linear.gather [hbm4b:s4+s3], $0x80, $0x38;
	[tilespmem:$0xB080] =	vst v63  }
0xe6: {  	s6 =	sadd.s32 $0x380, s13;
	s7 =	simm.s32 $0x4E00  }
0xe7: {  	[tilespmem:s7], [sflag:$0x1] =	stream.linear.gather [hbm4b:s6+s3], $0x80, $0x38;
	[tilespmem:$0xB080] =	vst v63  }
0xe8: {  	s8 =	rddreg [dreg:$0x13];
	s9 =	simm.s32 $0x3280  }
0xe9: {  	[tilespmem:s9], [sflag:$0x1] =	stream.linear.gather [hbm4b:s8+s3], $0x80, $0x38;
	[tilespmem:$0xB080] =	vst v63  }
0xea: {  	s10 =	sadd.s32 $0x80, s8;
	s11 =	simm.s32 $0x3680  }
0xeb: {  	[tilespmem:s11], [sflag:$0x1] =	stream.linear.gather [hbm4b:s10+s3], $0x80, $0x38;
	[tilespmem:$0xB080] =	vst v63  }
0xec: {  	s12 =	sadd.s32 $0x100, s8;
	s13 =	simm.s32 $0x3A80  }
0xed: {  	[tilespmem:s13], [sflag:$0x1] =	stream.linear.gather [hbm4b:s12+s3], $0x80, $0x38;
	[tilespmem:$0xB080] =	vst v63  }
0xee: {  	s14 =	sadd.s32 $0x180, s8;
	s15 =	simm.s32 $0x3E80  }
0xef: {  	[tilespmem:s15], [sflag:$0x1] =	stream.linear.gather [hbm4b:s14+s3], $0x80, $0x38;
	[tilespmem:$0xB080] =	vst v63  }
0xf0: {  	s16 =	sadd.s32 $0x200, s8;
	s17 =	simm.s32 $0x4280  }
0xf1: {  	[tilespmem:s17], [sflag:$0x1] =	stream.linear.gather [hbm4b:s16+s3], $0x80, $0x38;
	[tilespmem:$0xB080] =	vst v63  }
0xf2: {  	s18 =	sadd.s32 $0x280, s8;
	s19 =	simm.s32 $0x4680  }
0xf3: {  	[tilespmem:s19], [sflag:$0x1] =	stream.linear.gather [hbm4b:s18+s3], $0x80, $0x38;
	[tilespmem:$0xB080] =	vst v63  }
0xf4: {  	s20 =	sadd.s32 $0x300, s8;
	s22 =	simm.s32 $0x4A80  }
0xf5: {  	[tilespmem:s22], [sflag:$0x1] =	stream.linear.gather [hbm4b:s20+s3], $0x80, $0x38;
	[tilespmem:$0xB080] =	vst v63  }
0xf6: {  	s28 =	sadd.s32 $0x380, s8;
	s29 =	simm.s32 $0x4E80  }
0xf7: {  	[tilespmem:s29], [sflag:$0x1] =	stream.linear.gather [hbm4b:s28+s3], $0x80, $0x38;
	[tilespmem:$0xB080] =	vst v63  }
0xf8: {  	s31 =	rddreg [dreg:$0x14];
	s4 =	simm.s32 $0x3300  }
0xf9: {  	[tilespmem:s4], [sflag:$0x1] =	stream.linear.gather [hbm4b:s31+s3], $0x80, $0x38;
	[tilespmem:$0xB080] =	vst v63  }
0xfa: {  	s5 =	sadd.s32 $0x80, s31;
	s6 =	simm.s32 $0x3700  }
0xfb: {  	[tilespmem:s6], [sflag:$0x1] =	stream.linear.gather [hbm4b:s5+s3], $0x80, $0x38;
	[tilespmem:$0xB080] =	vst v63  }
0xfc: {  	s7 =	sadd.s32 $0x100, s31;
	s8 =	simm.s32 $0x3B00  }
0xfd: {  	[tilespmem:s8], [sflag:$0x1] =	stream.linear.gather [hbm4b:s7+s3], $0x80, $0x38;
	[tilespmem:$0xB080] =	vst v63  }
0xfe: {  	s9 =	sadd.s32 $0x180, s31;
	s10 =	simm.s32 $0x3F00  }
0xff: {  	[tilespmem:s10], [sflag:$0x1] =	stream.linear.gather [hbm4b:s9+s3], $0x80, $0x38;
	[tilespmem:$0xB080] =	vst v63  }
0x100: {  	s11 =	sadd.s32 $0x200, s31;
	s12 =	simm.s32 $0x4300  }
0x101: {  	[tilespmem:s12], [sflag:$0x1] =	stream.linear.gather [hbm4b:s11+s3], $0x80, $0x38;
	[tilespmem:$0xB080] =	vst v63  }
0x102: {  	s13 =	sadd.s32 $0x280, s31;
	s14 =	simm.s32 $0x4700  }
0x103: {  	[tilespmem:s14], [sflag:$0x1] =	stream.linear.gather [hbm4b:s13+s3], $0x80, $0x38;
	[tilespmem:$0xB080] =	vst v63  }
0x104: {  	s15 =	sadd.s32 $0x300, s31;
	s16 =	simm.s32 $0x4B00  }
0x105: {  	[tilespmem:s16], [sflag:$0x1] =	stream.linear.gather [hbm4b:s15+s3], $0x80, $0x38;
	[tilespmem:$0xB080] =	vst v63  }
0x106: {  	s17 =	sadd.s32 $0x380, s31;
	s18 =	simm.s32 $0x4F00  }
0x107: {  	[tilespmem:s18], [sflag:$0x1] =	stream.linear.gather [hbm4b:s17+s3], $0x80, $0x38;
	[tilespmem:$0xB080] =	vst v63  }
0x108: {  	s19 =	rddreg [dreg:$0x15];
	s20 =	simm.s32 $0x3380  }
0x109: {  	[tilespmem:s20], [sflag:$0x1] =	stream.linear.gather [hbm4b:s19+s3], $0x80, $0x38;
	[tilespmem:$0xB080] =	vst v63  }
0x10a: {  	s22 =	sadd.s32 $0x80, s19;
	s28 =	simm.s32 $0x3780  }
0x10b: {  	[tilespmem:s28], [sflag:$0x1] =	stream.linear.gather [hbm4b:s22+s3], $0x80, $0x38;
	[tilespmem:$0xB080] =	vst v63  }
0x10c: {  	s29 =	sadd.s32 $0x100, s19;
	s31 =	simm.s32 $0x3B80  }
0x10d: {  	[tilespmem:s31], [sflag:$0x1] =	stream.linear.gather [hbm4b:s29+s3], $0x80, $0x38;
	[tilespmem:$0xB080] =	vst v63  }
0x10e: {  	s4 =	sadd.s32 $0x180, s19;
	s5 =	simm.s32 $0x3F80  }
0x10f: {  	[tilespmem:s5], [sflag:$0x1] =	stream.linear.gather [hbm4b:s4+s3], $0x80, $0x38;
	[tilespmem:$0xB080] =	vst v63  }
0x110: {  	s6 =	sadd.s32 $0x200, s19;
	s7 =	simm.s32 $0x4380  }
0x111: {  	[tilespmem:s7], [sflag:$0x1] =	stream.linear.gather [hbm4b:s6+s3], $0x80, $0x38;
	[tilespmem:$0xB080] =	vst v63  }
0x112: {  	s8 =	sadd.s32 $0x280, s19;
	s9 =	simm.s32 $0x4780  }
0x113: {  	[tilespmem:s9], [sflag:$0x1] =	stream.linear.gather [hbm4b:s8+s3], $0x80, $0x38;
	[tilespmem:$0xB080] =	vst v63  }
0x114: {  	s10 =	sadd.s32 $0x300, s19;
	s11 =	simm.s32 $0x4B80  }
0x115: {  	[tilespmem:s11], [sflag:$0x1] =	stream.linear.gather [hbm4b:s10+s3], $0x80, $0x38;
	[tilespmem:$0xB080] =	vst v63  }
0x116: {  	s12 =	sadd.s32 $0x380, s19;
	s13 =	simm.s32 $0x4F80  }
0x117: {  	[tilespmem:s13], [sflag:$0x1] =	stream.linear.gather [hbm4b:s12+s3], $0x80, $0x38;
	[tilespmem:$0xB080] =	vst v63  }
0x118: {  	s14 =	simm.s32 $0x3400  }
0x119: {  	[tilespmem:s14], [sflag:$0x1] =	stream.linear.gather [hbm4b:s21+s3], $0x80, $0x38;
	[tilespmem:$0xB080] =	vst v63  }
0x11a: {  	s15 =	sadd.s32 $0x80, s21;
	s16 =	simm.s32 $0x3800  }
0x11b: {  	[tilespmem:s16], [sflag:$0x1] =	stream.linear.gather [hbm4b:s15+s3], $0x80, $0x38;
	[tilespmem:$0xB080] =	vst v63  }
0x11c: {  	s17 =	sadd.s32 $0x100, s21;
	s18 =	simm.s32 $0x3C00  }
0x11d: {  	[tilespmem:s18], [sflag:$0x1] =	stream.linear.gather [hbm4b:s17+s3], $0x80, $0x38;
	[tilespmem:$0xB080] =	vst v63  }
0x11e: {  	s19 =	sadd.s32 $0x180, s21;
	s20 =	simm.s32 $0x4000  }
0x11f: {  	[tilespmem:s20], [sflag:$0x1] =	stream.linear.gather [hbm4b:s19+s3], $0x80, $0x38;
	[tilespmem:$0xB080] =	vst v63  }
0x120: {  	s22 =	sadd.s32 $0x200, s21;
	s28 =	simm.s32 $0x4400  }
0x121: {  	[tilespmem:s28], [sflag:$0x1] =	stream.linear.gather [hbm4b:s22+s3], $0x80, $0x38;
	[tilespmem:$0xB080] =	vst v63  }
0x122: {  	s29 =	sadd.s32 $0x280, s21;
	s31 =	simm.s32 $0x4800  }
0x123: {  	[tilespmem:s31], [sflag:$0x1] =	stream.linear.gather [hbm4b:s29+s3], $0x80, $0x38;
	[tilespmem:$0xB080] =	vst v63  }
0x124: {  	s2 =	sadd.s32 $0x300, s21;
	s4 =	simm.s32 $0x4C00  }
0x125: {  	[tilespmem:s4], [sflag:$0x1] =	stream.linear.gather [hbm4b:s2+s3], $0x80, $0x38;
	[tilespmem:$0xB080] =	vst v63  }
0x126: {  	s5 =	sadd.s32 $0x380, s21;
	s6 =	simm.s32 $0x5000  }
0x127: {  	[tilespmem:s6], [sflag:$0x1] =	stream.linear.gather [hbm4b:s5+s3], $0x80, $0x38;
	[tilespmem:$0xB080] =	vst v63  }
0x128: {  	s7 =	simm.s32 $0x5080  }
0x129: {  	[tilespmem:s7], [sflag:$0x1] =	stream.linear.gather [hbm4b:s23+s3], $0x80, $0x38;
	[tilespmem:$0xB080] =	vst v63  }
0x12a: {  	s8 =	sadd.s32 $0x80, s23;
	s9 =	simm.s32 $0x5480  }
0x12b: {  	[tilespmem:s9], [sflag:$0x1] =	stream.linear.gather [hbm4b:s8+s3], $0x80, $0x38;
	[tilespmem:$0xB080] =	vst v63  }
0x12c: {  	s10 =	sadd.s32 $0x100, s23;
	s11 =	simm.s32 $0x5880  }
0x12d: {  	[tilespmem:s11], [sflag:$0x1] =	stream.linear.gather [hbm4b:s10+s3], $0x80, $0x38;
	[tilespmem:$0xB080] =	vst v63  }
0x12e: {  	s12 =	sadd.s32 $0x180, s23;
	s13 =	simm.s32 $0x5C80  }
0x12f: {  	[tilespmem:s13], [sflag:$0x1] =	stream.linear.gather [hbm4b:s12+s3], $0x80, $0x38;
	[tilespmem:$0xB080] =	vst v63  }
0x130: {  	s14 =	sadd.s32 $0x200, s23;
	s15 =	simm.s32 $0x6080  }
0x131: {  	[tilespmem:s15], [sflag:$0x1] =	stream.linear.gather [hbm4b:s14+s3], $0x80, $0x38;
	[tilespmem:$0xB080] =	vst v63  }
0x132: {  	s16 =	sadd.s32 $0x280, s23;
	s17 =	simm.s32 $0x6480  }
0x133: {  	[tilespmem:s17], [sflag:$0x1] =	stream.linear.gather [hbm4b:s16+s3], $0x80, $0x38;
	[tilespmem:$0xB080] =	vst v63  }
0x134: {  	s18 =	sadd.s32 $0x300, s23;
	s19 =	simm.s32 $0x6880  }
0x135: {  	[tilespmem:s19], [sflag:$0x1] =	stream.linear.gather [hbm4b:s18+s3], $0x80, $0x38;
	[tilespmem:$0xB080] =	vst v63  }
0x136: {  	s20 =	sadd.s32 $0x380, s23;
	s22 =	simm.s32 $0x6C80  }
0x137: {  	[tilespmem:s22], [sflag:$0x1] =	stream.linear.gather [hbm4b:s20+s3], $0x80, $0x38;
	[tilespmem:$0xB080] =	vst v63  }
0x138: {  	s28 =	simm.s32 $0x5100  }
0x139: {  	[tilespmem:s28], [sflag:$0x1] =	stream.linear.gather [hbm4b:s24+s3], $0x80, $0x38;
	[tilespmem:$0xB080] =	vst v63  }
0x13a: {  	s29 =	sadd.s32 $0x80, s24;
	s31 =	simm.s32 $0x5500  }
0x13b: {  	[tilespmem:s31], [sflag:$0x1] =	stream.linear.gather [hbm4b:s29+s3], $0x80, $0x38;
	[tilespmem:$0xB080] =	vst v63  }
0x13c: {  	s4 =	sadd.s32 $0x100, s24;
	s5 =	simm.s32 $0x5900  }
0x13d: {  	[tilespmem:s5], [sflag:$0x1] =	stream.linear.gather [hbm4b:s4+s3], $0x80, $0x38;
	[tilespmem:$0xB080] =	vst v63  }
0x13e: {  	s6 =	sadd.s32 $0x180, s24;
	s7 =	simm.s32 $0x5D00  }
0x13f: {  	[tilespmem:s7], [sflag:$0x1] =	stream.linear.gather [hbm4b:s6+s3], $0x80, $0x38;
	[tilespmem:$0xB080] =	vst v63  }
0x140: {  	s8 =	sadd.s32 $0x200, s24;
	s9 =	simm.s32 $0x6100  }
0x141: {  	[tilespmem:s9], [sflag:$0x1] =	stream.linear.gather [hbm4b:s8+s3], $0x80, $0x38;
	[tilespmem:$0xB080] =	vst v63  }
0x142: {  	s10 =	sadd.s32 $0x280, s24;
	s11 =	simm.s32 $0x6500  }
0x143: {  	[tilespmem:s11], [sflag:$0x1] =	stream.linear.gather [hbm4b:s10+s3], $0x80, $0x38;
	[tilespmem:$0xB080] =	vst v63  }
0x144: {  	s12 =	sadd.s32 $0x300, s24;
	s13 =	simm.s32 $0x6900  }
0x145: {  	[tilespmem:s13], [sflag:$0x1] =	stream.linear.gather [hbm4b:s12+s3], $0x80, $0x38;
	[tilespmem:$0xB080] =	vst v63  }
0x146: {  	s14 =	sadd.s32 $0x380, s24;
	s15 =	simm.s32 $0x6D00  }
0x147: {  	[tilespmem:s15], [sflag:$0x1] =	stream.linear.gather [hbm4b:s14+s3], $0x80, $0x38;
	[tilespmem:$0xB080] =	vst v63  }
0x148: {  	s16 =	simm.s32 $0x5180  }
0x149: {  	[tilespmem:s16], [sflag:$0x1] =	stream.linear.gather [hbm4b:s25+s3], $0x80, $0x38;
	[tilespmem:$0xB080] =	vst v63  }
0x14a: {  	s17 =	sadd.s32 $0x80, s25;
	s18 =	simm.s32 $0x5580  }
0x14b: {  	[tilespmem:s18], [sflag:$0x1] =	stream.linear.gather [hbm4b:s17+s3], $0x80, $0x38;
	[tilespmem:$0xB080] =	vst v63  }
0x14c: {  	s19 =	sadd.s32 $0x100, s25;
	s20 =	simm.s32 $0x5980  }
0x14d: {  	[tilespmem:s20], [sflag:$0x1] =	stream.linear.gather [hbm4b:s19+s3], $0x80, $0x38;
	[tilespmem:$0xB080] =	vst v63  }
0x14e: {  	s22 =	sadd.s32 $0x180, s25;
	s28 =	simm.s32 $0x5D80  }
0x14f: {  	[tilespmem:s28], [sflag:$0x1] =	stream.linear.gather [hbm4b:s22+s3], $0x80, $0x38;
	[tilespmem:$0xB080] =	vst v63  }
0x150: {  	s29 =	sadd.s32 $0x200, s25;
	s31 =	simm.s32 $0x6180  }
0x151: {  	[tilespmem:s31], [sflag:$0x1] =	stream.linear.gather [hbm4b:s29+s3], $0x80, $0x38;
	[tilespmem:$0xB080] =	vst v63  }
0x152: {  	s4 =	sadd.s32 $0x280, s25;
	s5 =	simm.s32 $0x6580  }
0x153: {  	[tilespmem:s5], [sflag:$0x1] =	stream.linear.gather [hbm4b:s4+s3], $0x80, $0x38;
	[tilespmem:$0xB080] =	vst v63  }
0x154: {  	s6 =	sadd.s32 $0x300, s25;
	s7 =	simm.s32 $0x6980  }
0x155: {  	[tilespmem:s7], [sflag:$0x1] =	stream.linear.gather [hbm4b:s6+s3], $0x80, $0x38;
	[tilespmem:$0xB080] =	vst v63  }
0x156: {  	s8 =	sadd.s32 $0x380, s25;
	s9 =	simm.s32 $0x6D80  }
0x157: {  	[tilespmem:s9], [sflag:$0x1] =	stream.linear.gather [hbm4b:s8+s3], $0x80, $0x38;
	[tilespmem:$0xB080] =	vst v63  }
0x158: {  	s10 =	simm.s32 $0x5200  }
0x159: {  	[tilespmem:s10], [sflag:$0x1] =	stream.linear.gather [hbm4b:s26+s3], $0x80, $0x38;
	[tilespmem:$0xB080] =	vst v63  }
0x15a: {  	s11 =	sadd.s32 $0x80, s26;
	s12 =	simm.s32 $0x5600  }
0x15b: {  	[tilespmem:s12], [sflag:$0x1] =	stream.linear.gather [hbm4b:s11+s3], $0x80, $0x38;
	[tilespmem:$0xB080] =	vst v63  }
0x15c: {  	s13 =	sadd.s32 $0x100, s26;
	s14 =	simm.s32 $0x5A00  }
0x15d: {  	[tilespmem:s14], [sflag:$0x1] =	stream.linear.gather [hbm4b:s13+s3], $0x80, $0x38;
	[tilespmem:$0xB080] =	vst v63  }
0x15e: {  	s15 =	sadd.s32 $0x180, s26;
	s16 =	simm.s32 $0x5E00  }
0x15f: {  	[tilespmem:s16], [sflag:$0x1] =	stream.linear.gather [hbm4b:s15+s3], $0x80, $0x38;
	[tilespmem:$0xB080] =	vst v63  }
0x160: {  	s17 =	sadd.s32 $0x200, s26;
	s18 =	simm.s32 $0x6200  }
0x161: {  	[tilespmem:s18], [sflag:$0x1] =	stream.linear.gather [hbm4b:s17+s3], $0x80, $0x38;
	[tilespmem:$0xB080] =	vst v63  }
0x162: {  	s19 =	sadd.s32 $0x280, s26;
	s20 =	simm.s32 $0x6600  }
0x163: {  	[tilespmem:s20], [sflag:$0x1] =	stream.linear.gather [hbm4b:s19+s3], $0x80, $0x38;
	[tilespmem:$0xB080] =	vst v63  }
0x164: {  	s22 =	sadd.s32 $0x300, s26;
	s28 =	simm.s32 $0x6A00  }
0x165: {  	[tilespmem:s28], [sflag:$0x1] =	stream.linear.gather [hbm4b:s22+s3], $0x80, $0x38;
	[tilespmem:$0xB080] =	vst v63  }
0x166: {  	s29 =	sadd.s32 $0x380, s26;
	s31 =	simm.s32 $0x6E00  }
0x167: {  	[tilespmem:s31], [sflag:$0x1] =	stream.linear.gather [hbm4b:s29+s3], $0x80, $0x38;
	[tilespmem:$0xB080] =	vst v63  }
0x168: {  	_ =	swait.ge [sflag:s0], $0x400  }
0x169: {  	[sflag:s0] =	ssyncset.done $0x0  }
0x16a: {  	[sflag:s0] =	ssyncadd.s32 $0xFFFFFC00  }
0x16b: {  	_ =	swait.ge [sflag:s0], $0x400  }
0x16c: {  	[sflag:s0] =	ssyncset.done $0x0  }
0x16d: {  	[sflag:s0] =	ssyncadd.s32 $0xFFFFFC00  }
0x16e: {  	_ =	swait.ge [sflag:s0], $0x400  }
0x16f: {  	[sflag:s0] =	ssyncset.done $0x0  }
0x170: {  	[sflag:s0] =	ssyncadd.s32 $0xFFFFFC00  }
0x171: {  	_ =	swait.ge [sflag:s0], $0x400  }
0x172: {  	[sflag:s0] =	ssyncset.done $0x0  }
0x173: {  	[sflag:s0] =	ssyncadd.s32 $0xFFFFFC00  }
0x174: {  	_ =	swait.ge [sflag:s0], $0x400  }
0x175: {  	[sflag:s0] =	ssyncset.done $0x0  }
0x176: {  	[sflag:s0] =	ssyncadd.s32 $0xFFFFFC00  }
0x177: {  	_ =	swait.ge [sflag:s0], $0x400  }
0x178: {  	[sflag:s0] =	ssyncset.done $0x0  }
0x179: {  	[sflag:s0] =	ssyncadd.s32 $0xFFFFFC00  }
0x17a: {  	_ =	swait.ge [sflag:s0], $0x400  }
0x17b: {  	[sflag:s0] =	ssyncset.done $0x0  }
0x17c: {  	[sflag:s0] =	ssyncadd.s32 $0xFFFFFC00  }
0x17d: {  	_ =	swait.ge [sflag:s0], $0x400  }
0x17e: {  	[sflag:s0] =	ssyncset.done $0x0  }
0x17f: {  	[sflag:s0] =	ssyncadd.s32 $0xFFFFFC00  }
0x180: {  	_ =	swait.ge [sflag:s0], $0x400  }
0x181: {  	[sflag:s0] =	ssyncset.done $0x0  }
0x182: {  	[sflag:s0] =	ssyncadd.s32 $0xFFFFFC00  }
0x183: {  	_ =	swait.ge [sflag:s0], $0x400  }
0x184: {  	[sflag:s0] =	ssyncset.done $0x0  }
0x185: {  	[sflag:s0] =	ssyncadd.s32 $0xFFFFFC00  }
0x186: {  	_ =	swait.ge [sflag:s0], $0x400  }
0x187: {  	[sflag:s0] =	ssyncset.done $0x0  }
0x188: {  	[sflag:s0] =	ssyncadd.s32 $0xFFFFFC00  }
0x189: {  	_ =	swait.ge [sflag:s0], $0x400  }
0x18a: {  	[sflag:s0] =	ssyncset.done $0x0  }
0x18b: {  	[sflag:s0] =	ssyncadd.s32 $0xFFFFFC00  }
0x18c: {  	_ =	swait.ge [sflag:s0], $0x400  }
0x18d: {  	[sflag:s0] =	ssyncset.done $0x0  }
0x18e: {  	[sflag:s0] =	ssyncadd.s32 $0xFFFFFC00  }
0x18f: {  	_ =	swait.ge [sflag:s0], $0x400  }
0x190: {  	[sflag:s0] =	ssyncset.done $0x0  }
0x191: {  	[sflag:s0] =	ssyncadd.s32 $0xFFFFFC00  }
0x192: {  	_ =	swait.ge [sflag:s0], $0x400  }
0x193: {  	[sflag:s0] =	ssyncset.done $0x0  }
0x194: {  	[sflag:s0] =	ssyncadd.s32 $0xFFFFFC00  }
0x195: {  	_ =	swait.ge [sflag:s0], $0x400  }
0x196: {  	[sflag:s0] =	ssyncset.done $0x0  }
0x197: {  	[sflag:s0] =	ssyncadd.s32 $0xFFFFFC00  }
0x198: {  	_ =	swait.ge [sflag:s0], $0x400  }
0x199: {  	[sflag:s0] =	ssyncset.done $0x0  }
0x19a: {  	[sflag:s0] =	ssyncadd.s32 $0xFFFFFC00  }
0x19b: {  	_ =	swait.ge [sflag:s0], $0x400  }
0x19c: {  	[sflag:s0] =	ssyncset.done $0x0  }
0x19d: {  	[sflag:s0] =	ssyncadd.s32 $0xFFFFFC00  }
0x19e: {  	_ =	swait.ge [sflag:s0], $0x400  }
0x19f: {  	[sflag:s0] =	ssyncset.done $0x0  }
0x1a0: {  	[sflag:s0] =	ssyncadd.s32 $0xFFFFFC00  }
0x1a1: {  	_ =	swait.ge [sflag:s0], $0x400  }
0x1a2: {  	[sflag:s0] =	ssyncset.done $0x0  }
0x1a3: {  	[sflag:s0] =	ssyncadd.s32 $0xFFFFFC00  }
0x1a4: {  	v0 =	vld [tilespmem:$0x400]  }
0x1a5: {  	v1 =	vld [tilespmem:$0x480]  }
0x1a6: {  	v3 =	vld [tilespmem:$0x500]  }
0x1a7: {  	v4 =	vld [tilespmem:$0x580]  }
0x1a8: {  	v5 =	vld [tilespmem:$0x600]  }
0x1a9: {  	v6 =	vld [tilespmem:$0x680];
	vm5 =	vgt.f32 v0, $0.0e+00  }
0x1aa: {  	v7 =	vld [tilespmem:$0x700];
	vm7 =	vgt.f32 v1, $0.0e+00;
	v0 =	vnsel vm5, $0x3F800000, v0  }
0x1ab: {  	vm0 =	vgt.f32 v3, $0.0e+00;
	(erf) = vrcp.f32 v0;
	v0 =	vnsel vm7, $0x3F800000, v1;
	v1 =	vld [tilespmem:$0x780]  }
0x1ac: {  	vm1 =	vgt.f32 v4, $0.0e+00;
	(erf) = vrcp.f32 v0;
	v0 =	vnsel vm0, $0x3F800000, v3;
	v3 =	vld [tilespmem:$0x800]  }
0x1ad: {  	vm2 =	vgt.f32 v5, $0.0e+00;
	(erf) = vrcp.f32 v0;
	v0 =	vnsel vm1, $0x3F800000, v4;
	v4 =	vld [tilespmem:$0x880]  }
0x1ae: {  	vm3 =	vgt.f32 v6, $0.0e+00;
	(erf) = vrcp.f32 v0;
	v0 =	vnsel vm2, $0x3F800000, v5  }
0x1af: {  	v2 =	vld [tilespmem:$0x1000];
	vm4 =	vgt.f32 v7, $0.0e+00;
	(erf) = vrcp.f32 v0;
	v0 =	vnsel vm3, $0x3F800000, v6  }
0x1b0: {  	v5 =	vld [tilespmem:$0x980];
	(erf) = vrcp.f32 v0;
	v0 =	vnsel vm4, $0x3F800000, v7;
	vm6 =	vgt.f32 v1, $0.0e+00  }
0x1b1: {  	v8 =	vld [tilespmem:$0x900];
	(erf) = vrcp.f32 v0;
	v0 =	vnsel vm6, $0x3F800000, v1;
	vm8 =	vgt.f32 v3, $0.0e+00  }
0x1b2: {  	v9 =	vld [tilespmem:$0xB00];
	(erf) = vrcp.f32 v0;
	v0 =	vnsel vm8, $0x3F800000, v3;
	vm9 =	vgt.f32 v4, $0.0e+00  }
0x1b3: {  	v10 =	vld [tilespmem:$0xC80];
	(erf) = vrcp.f32 v0;
	v0 =	vnsel vm9, $0x3F800000, v4  }
0x1b4: {  	v6 =	vld [tilespmem:$0xA00]  }
0x1b5: {  	v7 =	vld [tilespmem:$0xA80];
	v5 =	vsub.f32 v2, v5;
	v1 =	vpop (erf)  }
0x1b6: {  	v4 =	vld [tilespmem:$0xC00];
	(erf) = vrcp.f32 v0;
	v0 =	vpop (erf)  }
0x1b7: {  	v8 =	vsub.f32 v2, v8;
	v3 =	vld [tilespmem:$0xB80];
	v5 =	vmul.f32 v0, v5  }
0x1b8: {  	v12 =	vld [tilespmem:$0xD00];
	v11 =	vpop (erf)  }
0x1b9: {  	v9 =	vsub.f32 v2, v9;
	v1 =	vmul.f32 v1, v8;
	v8 =	vld [tilespmem:$0xD80];
	v13 =	vpop (erf)  }
0x1ba: {  	v6 =	vsub.f32 v2, v6;
	v7 =	vsub.f32 v2, v7;
	v14 =	vpop (erf)  }
0x1bb: {  	v0 =	vnsel vm5, $0x0, v1;
	v4 =	vsub.f32 v2, v4;
	v1 =	vnsel vm7, $0x0, v5;
	v5 =	vpop (erf)  }
0x1bc: {  	v10 =	vsub.f32 v2, v10;
	v3 =	vsub.f32 v2, v3;
	v15 =	vpop (erf)  }
0x1bd: {  	v12 =	vsub.f32 v2, v12;
	v6 =	vmul.f32 v11, v6;
	v7 =	vmul.f32 v13, v7;
	v11 =	vpop (erf)  }
0x1be: {  	v9 =	vmul.f32 v14, v9;
	v8 =	vsub.f32 v2, v8;
	v5 =	vmul.f32 v5, v3;
	v62 =	vpop (erf)  }
0x1bf: {  	v2 =	vnsel vm0, $0x0, v6;
	v6 =	vmul.f32 v15, v4;
	v10 =	vmul.f32 v11, v10;
	v4 =	vpop (erf)  }
0x1c0: {  	v3 =	vnsel vm1, $0x0, v7;
	v11 =	vmul.f32 v62, v12;
	v63 =	vmul.f32 v4, v8  }
0x1c1: {  	p0 =	por $0x0, $0x0;
	s1 =	simm.s32 $0x0;
	v5 =	vnsel vm3, $0x0, v5;
	v6 =	vnsel vm4, $0x0, v6;
	v4 =	vnsel vm2, $0x0, v9  }
0x1c2: {  	s2 =	simm.s32 $0xFFFFFFFC;
	s4 =	simm.s32 $0x0;
	s5 =	simm.s32 $0x0;
	v7 =	vnsel vm6, $0x0, v10;
	v8 =	vnsel vm8, $0x0, v11;
	v9 =	vnsel vm9, $0x0, v63  }
.LBB2_2:
0x1c3: {  	v10 =	vld [tilespmem:s1+$0x0]  }
0x1c4: {  	s7 =	sand.u32 $0x40, s4;
	s22 =	sand.u32 $0x1C00, s5  }
0x1c5: {  	s16 =	sor.u32 s7, s22  }
0x1c6: {  	s28 =	sadd.s32 $0x3180, s22;
	v11 =	vld [tilespmem:s16+$0x1080]  }
0x1c7: {  	s6 =	sor.u32 s7, s28  }
0x1c8: {  	v12 =	vld [tilespmem:s6+$0x0];
	v10 =	vand.u32 $0xF, v10  }
0x1c9: {  	v13 =	vperm.xlane v0, v10;
	_ =	sdelay $0x1  }
0x1ca: {  	v11 =	vmul.f32 v11, v13;
	_ =	sdelay $0x1  }
0x1cb: {  	v11 =	vadd.f32 v11, v12  }
0x1cc: {  	s31 =	sadd.s32 $0x3200, s22;
	v38 =	vld [tilespmem:s16+$0x1100]  }
0x1cd: {  	s11 =	sor.u32 s7, s31;
	[tilespmem:s16+$0x7080] =	vst v11  }
0x1ce: {  	v11 =	vld [tilespmem:s11+$0x0]  }
0x1cf: {  	v39 =	vperm.xlane v1, v10;
	_ =	sdelay $0x1  }
0x1d0: {  	v12 =	vmul.f32 v38, v39;
	_ =	sdelay $0x1  }
0x1d1: {  	v11 =	vadd.f32 v12, v11  }
0x1d2: {  	s29 =	sadd.s32 $0x3280, s22;
	v40 =	vld [tilespmem:s16+$0x1180]  }
0x1d3: {  	s12 =	sor.u32 s7, s29;
	[tilespmem:s16+$0x7100] =	vst v11  }
0x1d4: {  	v11 =	vld [tilespmem:s12+$0x0]  }
0x1d5: {  	v41 =	vperm.xlane v2, v10;
	_ =	sdelay $0x1  }
0x1d6: {  	v12 =	vmul.f32 v40, v41;
	_ =	sdelay $0x1  }
0x1d7: {  	v11 =	vadd.f32 v12, v11  }
0x1d8: {  	v42 =	vld [tilespmem:s16+$0x1200];
	s6 =	sadd.s32 $0x3300, s22  }
0x1d9: {  	s8 =	sor.u32 s7, s6;
	[tilespmem:s16+$0x7180] =	vst v11  }
0x1da: {  	v11 =	vld [tilespmem:s8+$0x0]  }
0x1db: {  	v43 =	vperm.xlane v3, v10;
	_ =	sdelay $0x1  }
0x1dc: {  	v12 =	vmul.f32 v42, v43;
	s8 =	simm.s32 $0x1  }
0x1dd: {  	s8 =	simm.s32 @!p0 $0x0  }
0x1de: {  	s8 =	sshll.u32 s8, $0x6;
	v11 =	vadd.f32 v12, v11  }
0x1df: {  	s9 =	sadd.s32 s8, s5  }
0x1e0: {  	s10 =	sor.u32 $0x200, s9;
	[tilespmem:s16+$0x7200] =	vst v11  }
0x1e1: {  	s8 =	sadd.s32 $0x3380, s22;
	v11 =	vld [tilespmem:s10+$0x1080]  }
0x1e2: {  	s11 =	sor.u32 s7, s8  }
0x1e3: {  	v44 =	vld [tilespmem:s11+$0x0]  }
0x1e4: {  	v45 =	vperm.xlane v4, v10;
	_ =	sdelay $0x1  }
0x1e5: {  	v11 =	vmul.f32 v11, v45;
	_ =	sdelay $0x1  }
0x1e6: {  	v11 =	vadd.f32 v11, v44;
	_ =	sdelay $0x1  }
0x1e7: {  	s13 =	sor.u32 $0x280, s9;
	[tilespmem:s10+$0x7080] =	vst v11  }
0x1e8: {  	s10 =	sadd.s32 $0x3400, s22;
	v11 =	vld [tilespmem:s13+$0x1080]  }
0x1e9: {  	s12 =	sor.u32 s7, s10  }
0x1ea: {  	v46 =	vld [tilespmem:s12+$0x0]  }
0x1eb: {  	v47 =	vperm.xlane v5, v10;
	_ =	sdelay $0x1  }
0x1ec: {  	v11 =	vmul.f32 v11, v47;
	_ =	sdelay $0x1  }
0x1ed: {  	v11 =	vadd.f32 v11, v46;
	_ =	sdelay $0x1  }
0x1ee: {  	s14 =	sor.u32 $0x300, s9;
	[tilespmem:s13+$0x7080] =	vst v11  }
0x1ef: {  	s11 =	sadd.s32 $0x5080, s22;
	v11 =	vld [tilespmem:s14+$0x1080]  }
0x1f0: {  	s13 =	sor.u32 s7, s11  }
0x1f1: {  	v48 =	vld [tilespmem:s13+$0x0]  }
0x1f2: {  	v49 =	vperm.xlane v6, v10;
	_ =	sdelay $0x1  }
0x1f3: {  	v11 =	vmul.f32 v11, v49;
	_ =	sdelay $0x1  }
0x1f4: {  	v11 =	vadd.f32 v11, v48  }
0x1f5: {  	s15 =	sor.u32 s5, s4  }
0x1f6: {  	s13 =	sor.u32 $0x380, s15;
	[tilespmem:s14+$0x7080] =	vst v11  }
0x1f7: {  	s12 =	sadd.s32 $0x5100, s22;
	v11 =	vld [tilespmem:s13+$0x1080]  }
0x1f8: {  	s14 =	sor.u32 s7, s12  }
0x1f9: {  	v50 =	vld [tilespmem:s14+$0x0]  }
0x1fa: {  	v51 =	vperm.xlane v7, v10;
	_ =	sdelay $0x1  }
0x1fb: {  	v11 =	vmul.f32 v11, v51;
	_ =	sdelay $0x1  }
0x1fc: {  	v11 =	vadd.f32 v11, v50;
	_ =	sdelay $0x1  }
0x1fd: {  	[tilespmem:s13+$0x7080] =	vst v11  }
0x1fe: {  	s13 =	sadd.s32 $0x5180, s22;
	v11 =	vld [tilespmem:s16+$0x3080]  }
0x1ff: {  	s17 =	sor.u32 s7, s13  }
0x200: {  	v52 =	vld [tilespmem:s17+$0x0]  }
0x201: {  	v53 =	vperm.xlane v8, v10;
	_ =	sdelay $0x1  }
0x202: {  	v11 =	vmul.f32 v11, v53;
	_ =	sdelay $0x1  }
0x203: {  	v11 =	vadd.f32 v11, v52  }
0x204: {  	s14 =	sadd.s32 $0x5200, s22;
	v54 =	vld [tilespmem:s16+$0x3100]  }
0x205: {  	s15 =	sor.u32 s7, s14;
	[tilespmem:s16+$0x9080] =	vst v11  }
0x206: {  	v11 =	vld [tilespmem:s15+$0x0]  }
0x207: {  	v10 =	vperm.xlane v9, v10;
	_ =	sdelay $0x1  }
0x208: {  	v10 =	vmul.f32 v54, v10;
	_ =	sdelay $0x1  }
0x209: {  	v10 =	vadd.f32 v10, v11  }
0x20a: {  	s17 =	sor.u32 $0x10, s7;
	s15 =	sand.u32 $0x380, s4  }
0x20b: {  	s18 =	sor.u32 s17, s15;
	[tilespmem:s16+$0x9100] =	vst v10  }
0x20c: {  	v10 =	vld [tilespmem:s18+$0x0];
	_ =	sdelay $0x1  }
0x20d: {  	s16 =	sor.u32 s22, s17  }
0x20e: {  	v11 =	vld [tilespmem:s16+$0x1080]  }
0x20f: {  	s18 =	sor.u32 s17, s28  }
0x210: {  	v55 =	vld [tilespmem:s18+$0x0];
	v10 =	vand.u32 $0xF, v10  }
0x211: {  	v56 =	vperm.xlane v0, v10;
	_ =	sdelay $0x1  }
0x212: {  	v11 =	vmul.f32 v11, v56;
	_ =	sdelay $0x1  }
0x213: {  	v11 =	vadd.f32 v11, v55  }
0x214: {  	v57 =	vld [tilespmem:s16+$0x1100]  }
0x215: {  	s19 =	sor.u32 s17, s31;
	[tilespmem:s16+$0x7080] =	vst v11  }
0x216: {  	v11 =	vld [tilespmem:s19+$0x0]  }
0x217: {  	v58 =	vperm.xlane v1, v10;
	_ =	sdelay $0x1  }
0x218: {  	v12 =	vmul.f32 v57, v58;
	_ =	sdelay $0x1  }
0x219: {  	v11 =	vadd.f32 v12, v11  }
0x21a: {  	v59 =	vld [tilespmem:s16+$0x1180]  }
0x21b: {  	s20 =	sor.u32 s17, s29;
	[tilespmem:s16+$0x7100] =	vst v11  }
0x21c: {  	v11 =	vld [tilespmem:s20+$0x0]  }
0x21d: {  	v60 =	vperm.xlane v2, v10;
	_ =	sdelay $0x1  }
0x21e: {  	v12 =	vmul.f32 v59, v60;
	_ =	sdelay $0x1  }
0x21f: {  	v11 =	vadd.f32 v12, v11  }
0x220: {  	v61 =	vld [tilespmem:s16+$0x1200]  }
0x221: {  	s19 =	sor.u32 s17, s6;
	[tilespmem:s16+$0x7180] =	vst v11  }
0x222: {  	v11 =	vld [tilespmem:s19+$0x0]  }
0x223: {  	v62 =	vperm.xlane v3, v10;
	_ =	sdelay $0x1  }
0x224: {  	v12 =	vmul.f32 v61, v62;
	_ =	sdelay $0x1  }
0x225: {  	v11 =	vadd.f32 v12, v11  }
0x226: {  	s18 =	sadd.s32 $0x10, s9  }
0x227: {  	s19 =	sor.u32 $0x200, s18;
	[tilespmem:s16+$0x7200] =	vst v11  }
0x228: {  	v11 =	vld [tilespmem:s19+$0x1080]  }
0x229: {  	s20 =	sor.u32 s17, s8  }
0x22a: {  	v63 =	vld [tilespmem:s20+$0x0]  }
0x22b: {  	v16 =	vperm.xlane v4, v10;
	_ =	sdelay $0x1  }
0x22c: {  	v11 =	vmul.f32 v11, v16;
	_ =	sdelay $0x1  }
0x22d: {  	v11 =	vadd.f32 v11, v63;
	_ =	sdelay $0x1  }
0x22e: {  	[tilespmem:s19+$0x7080] =	vst v11;
	s19 =	sor.u32 $0x280, s18  }
0x22f: {  	v11 =	vld [tilespmem:s19+$0x1080]  }
0x230: {  	s20 =	sor.u32 s17, s10  }
0x231: {  	v17 =	vld [tilespmem:s20+$0x0]  }
0x232: {  	v18 =	vperm.xlane v5, v10;
	_ =	sdelay $0x1  }
0x233: {  	v11 =	vmul.f32 v11, v18;
	_ =	sdelay $0x1  }
0x234: {  	v11 =	vadd.f32 v11, v17;
	_ =	sdelay $0x1  }
0x235: {  	[tilespmem:s19+$0x7080] =	vst v11;
	s19 =	sor.u32 $0x300, s18  }
0x236: {  	v11 =	vld [tilespmem:s19+$0x1080]  }
0x237: {  	s20 =	sor.u32 s17, s11  }
0x238: {  	v19 =	vld [tilespmem:s20+$0x0]  }
0x239: {  	v20 =	vperm.xlane v6, v10;
	_ =	sdelay $0x1  }
0x23a: {  	v11 =	vmul.f32 v11, v20;
	_ =	sdelay $0x1  }
0x23b: {  	v11 =	vadd.f32 v11, v19;
	_ =	sdelay $0x1  }
0x23c: {  	s18 =	sor.u32 $0x380, s18;
	[tilespmem:s19+$0x7080] =	vst v11  }
0x23d: {  	v11 =	vld [tilespmem:s18+$0x1080]  }
0x23e: {  	s20 =	sor.u32 s17, s12  }
0x23f: {  	v21 =	vld [tilespmem:s20+$0x0]  }
0x240: {  	v22 =	vperm.xlane v7, v10;
	_ =	sdelay $0x1  }
0x241: {  	v11 =	vmul.f32 v11, v22;
	_ =	sdelay $0x1  }
0x242: {  	v11 =	vadd.f32 v11, v21;
	_ =	sdelay $0x1  }
0x243: {  	[tilespmem:s18+$0x7080] =	vst v11  }
0x244: {  	v11 =	vld [tilespmem:s16+$0x3080]  }
0x245: {  	s20 =	sor.u32 s17, s13  }
0x246: {  	v23 =	vld [tilespmem:s20+$0x0]  }
0x247: {  	v24 =	vperm.xlane v8, v10;
	_ =	sdelay $0x1  }
0x248: {  	v11 =	vmul.f32 v11, v24;
	_ =	sdelay $0x1  }
0x249: {  	v11 =	vadd.f32 v11, v23  }
0x24a: {  	v25 =	vld [tilespmem:s16+$0x3100]  }
0x24b: {  	s17 =	sor.u32 s17, s14;
	[tilespmem:s16+$0x9080] =	vst v11  }
0x24c: {  	v11 =	vld [tilespmem:s17+$0x0]  }
0x24d: {  	v10 =	vperm.xlane v9, v10;
	_ =	sdelay $0x1  }
0x24e: {  	v10 =	vmul.f32 v25, v10;
	_ =	sdelay $0x1  }
0x24f: {  	v10 =	vadd.f32 v10, v11  }
0x250: {  	s17 =	sor.u32 $0x20, s7  }
0x251: {  	s19 =	sor.u32 s17, s15;
	[tilespmem:s16+$0x9100] =	vst v10  }
0x252: {  	v10 =	vld [tilespmem:s19+$0x0];
	_ =	sdelay $0x1  }
0x253: {  	s16 =	sor.u32 s22, s17  }
0x254: {  	v11 =	vld [tilespmem:s16+$0x1080]  }
0x255: {  	s20 =	sor.u32 s17, s28  }
0x256: {  	v26 =	vld [tilespmem:s20+$0x0];
	v10 =	vand.u32 $0xF, v10  }
0x257: {  	v27 =	vperm.xlane v0, v10;
	_ =	sdelay $0x1  }
0x258: {  	v11 =	vmul.f32 v11, v27;
	_ =	sdelay $0x1  }
0x259: {  	v11 =	vadd.f32 v11, v26  }
0x25a: {  	v28 =	vld [tilespmem:s16+$0x1100]  }
0x25b: {  	s19 =	sor.u32 s17, s31;
	[tilespmem:s16+$0x7080] =	vst v11  }
0x25c: {  	v11 =	vld [tilespmem:s19+$0x0]  }
0x25d: {  	v29 =	vperm.xlane v1, v10;
	_ =	sdelay $0x1  }
0x25e: {  	v12 =	vmul.f32 v28, v29;
	_ =	sdelay $0x1  }
0x25f: {  	v11 =	vadd.f32 v12, v11  }
0x260: {  	v30 =	vld [tilespmem:s16+$0x1180]  }
0x261: {  	s20 =	sor.u32 s17, s29;
	[tilespmem:s16+$0x7100] =	vst v11  }
0x262: {  	v11 =	vld [tilespmem:s20+$0x0]  }
0x263: {  	v31 =	vperm.xlane v2, v10;
	_ =	sdelay $0x1  }
0x264: {  	v12 =	vmul.f32 v30, v31;
	_ =	sdelay $0x1  }
0x265: {  	v11 =	vadd.f32 v12, v11  }
0x266: {  	v32 =	vld [tilespmem:s16+$0x1200]  }
0x267: {  	s19 =	sor.u32 s17, s6;
	[tilespmem:s16+$0x7180] =	vst v11  }
0x268: {  	v11 =	vld [tilespmem:s19+$0x0]  }
0x269: {  	v33 =	vperm.xlane v3, v10;
	_ =	sdelay $0x1  }
0x26a: {  	v12 =	vmul.f32 v32, v33;
	_ =	sdelay $0x1  }
0x26b: {  	v11 =	vadd.f32 v12, v11  }
0x26c: {  	s18 =	sadd.s32 $0x20, s9  }
0x26d: {  	s19 =	sor.u32 $0x200, s18;
	[tilespmem:s16+$0x7200] =	vst v11  }
0x26e: {  	v11 =	vld [tilespmem:s19+$0x1080]  }
0x26f: {  	s20 =	sor.u32 s17, s8  }
0x270: {  	v34 =	vld [tilespmem:s20+$0x0]  }
0x271: {  	v35 =	vperm.xlane v4, v10;
	_ =	sdelay $0x1  }
0x272: {  	v11 =	vmul.f32 v11, v35;
	_ =	sdelay $0x1  }
0x273: {  	v11 =	vadd.f32 v11, v34;
	_ =	sdelay $0x1  }
0x274: {  	[tilespmem:s19+$0x7080] =	vst v11;
	s19 =	sor.u32 $0x280, s18  }
0x275: {  	v11 =	vld [tilespmem:s19+$0x1080]  }
0x276: {  	s20 =	sor.u32 s17, s10  }
0x277: {  	v36 =	vld [tilespmem:s20+$0x0]  }
0x278: {  	v37 =	vperm.xlane v5, v10;
	_ =	sdelay $0x1  }
0x279: {  	v11 =	vmul.f32 v11, v37;
	_ =	sdelay $0x1  }
0x27a: {  	v11 =	vadd.f32 v11, v36;
	_ =	sdelay $0x1  }
0x27b: {  	[tilespmem:s19+$0x7080] =	vst v11;
	s19 =	sor.u32 $0x300, s18  }
0x27c: {  	v11 =	vld [tilespmem:s19+$0x1080]  }
0x27d: {  	s20 =	sor.u32 s17, s11  }
0x27e: {  	v38 =	vld [tilespmem:s20+$0x0]  }
0x27f: {  	v39 =	vperm.xlane v6, v10;
	_ =	sdelay $0x1  }
0x280: {  	v11 =	vmul.f32 v11, v39;
	_ =	sdelay $0x1  }
0x281: {  	v11 =	vadd.f32 v11, v38;
	_ =	sdelay $0x1  }
0x282: {  	s18 =	sor.u32 $0x380, s18;
	[tilespmem:s19+$0x7080] =	vst v11  }
0x283: {  	v11 =	vld [tilespmem:s18+$0x1080]  }
0x284: {  	s20 =	sor.u32 s17, s12  }
0x285: {  	v40 =	vld [tilespmem:s20+$0x0]  }
0x286: {  	v41 =	vperm.xlane v7, v10;
	_ =	sdelay $0x1  }
0x287: {  	v11 =	vmul.f32 v11, v41;
	_ =	sdelay $0x1  }
0x288: {  	v11 =	vadd.f32 v11, v40;
	_ =	sdelay $0x1  }
0x289: {  	[tilespmem:s18+$0x7080] =	vst v11  }
0x28a: {  	v11 =	vld [tilespmem:s16+$0x3080]  }
0x28b: {  	s20 =	sor.u32 s17, s13  }
0x28c: {  	v42 =	vld [tilespmem:s20+$0x0]  }
0x28d: {  	v43 =	vperm.xlane v8, v10;
	_ =	sdelay $0x1  }
0x28e: {  	v11 =	vmul.f32 v11, v43;
	_ =	sdelay $0x1  }
0x28f: {  	v11 =	vadd.f32 v11, v42  }
0x290: {  	v44 =	vld [tilespmem:s16+$0x3100]  }
0x291: {  	s17 =	sor.u32 s17, s14;
	[tilespmem:s16+$0x9080] =	vst v11  }
0x292: {  	v11 =	vld [tilespmem:s17+$0x0]  }
0x293: {  	v10 =	vperm.xlane v9, v10;
	_ =	sdelay $0x1  }
0x294: {  	v10 =	vmul.f32 v44, v10;
	_ =	sdelay $0x1  }
0x295: {  	v10 =	vadd.f32 v10, v11  }
0x296: {  	s17 =	sor.u32 $0x30, s7  }
0x297: {  	s7 =	sor.u32 s17, s15;
	[tilespmem:s16+$0x9100] =	vst v10  }
0x298: {  	v10 =	vld [tilespmem:s7+$0x0];
	_ =	sdelay $0x1  }
0x299: {  	s7 =	sor.u32 s22, s17  }
0x29a: {  	v11 =	vld [tilespmem:s7+$0x1080]  }
0x29b: {  	s22 =	sor.u32 s17, s28  }
0x29c: {  	v45 =	vld [tilespmem:s22+$0x0];
	v10 =	vand.u32 $0xF, v10  }
0x29d: {  	v46 =	vperm.xlane v0, v10;
	_ =	sdelay $0x1  }
0x29e: {  	v11 =	vmul.f32 v11, v46;
	_ =	sdelay $0x1  }
0x29f: {  	v11 =	vadd.f32 v11, v45  }
0x2a0: {  	v47 =	vld [tilespmem:s7+$0x1100]  }
0x2a1: {  	s28 =	sor.u32 s17, s31;
	[tilespmem:s7+$0x7080] =	vst v11  }
0x2a2: {  	v11 =	vld [tilespmem:s28+$0x0]  }
0x2a3: {  	v48 =	vperm.xlane v1, v10;
	_ =	sdelay $0x1  }
0x2a4: {  	v12 =	vmul.f32 v47, v48;
	_ =	sdelay $0x1  }
0x2a5: {  	v11 =	vadd.f32 v12, v11  }
0x2a6: {  	v49 =	vld [tilespmem:s7+$0x1180]  }
0x2a7: {  	s31 =	sor.u32 s17, s29;
	[tilespmem:s7+$0x7100] =	vst v11  }
0x2a8: {  	v11 =	vld [tilespmem:s31+$0x0]  }
0x2a9: {  	v50 =	vperm.xlane v2, v10;
	_ =	sdelay $0x1  }
0x2aa: {  	v12 =	vmul.f32 v49, v50;
	_ =	sdelay $0x1  }
0x2ab: {  	v11 =	vadd.f32 v12, v11  }
0x2ac: {  	v51 =	vld [tilespmem:s7+$0x1200]  }
0x2ad: {  	s6 =	sor.u32 s17, s6;
	[tilespmem:s7+$0x7180] =	vst v11  }
0x2ae: {  	v11 =	vld [tilespmem:s6+$0x0]  }
0x2af: {  	v52 =	vperm.xlane v3, v10;
	_ =	sdelay $0x1  }
0x2b0: {  	v12 =	vmul.f32 v51, v52;
	_ =	sdelay $0x1  }
0x2b1: {  	v11 =	vadd.f32 v12, v11  }
0x2b2: {  	s16 =	sadd.s32 $0x30, s9  }
0x2b3: {  	s9 =	sor.u32 $0x200, s16;
	[tilespmem:s7+$0x7200] =	vst v11  }
0x2b4: {  	v11 =	vld [tilespmem:s9+$0x1080]  }
0x2b5: {  	s8 =	sor.u32 s17, s8  }
0x2b6: {  	v53 =	vld [tilespmem:s8+$0x0]  }
0x2b7: {  	v54 =	vperm.xlane v4, v10;
	_ =	sdelay $0x1  }
0x2b8: {  	v11 =	vmul.f32 v11, v54;
	_ =	sdelay $0x1  }
0x2b9: {  	v11 =	vadd.f32 v11, v53;
	_ =	sdelay $0x1  }
0x2ba: {  	s18 =	sor.u32 $0x280, s16;
	[tilespmem:s9+$0x7080] =	vst v11  }
0x2bb: {  	v11 =	vld [tilespmem:s18+$0x1080]  }
0x2bc: {  	s19 =	sor.u32 s17, s10  }
0x2bd: {  	v55 =	vld [tilespmem:s19+$0x0]  }
0x2be: {  	v56 =	vperm.xlane v5, v10;
	_ =	sdelay $0x1  }
0x2bf: {  	v11 =	vmul.f32 v11, v56;
	_ =	sdelay $0x1  }
0x2c0: {  	v11 =	vadd.f32 v11, v55;
	_ =	sdelay $0x1  }
0x2c1: {  	s20 =	sor.u32 $0x300, s16;
	[tilespmem:s18+$0x7080] =	vst v11  }
0x2c2: {  	v11 =	vld [tilespmem:s20+$0x1080]  }
0x2c3: {  	s22 =	sor.u32 s17, s11  }
0x2c4: {  	v57 =	vld [tilespmem:s22+$0x0]  }
0x2c5: {  	v58 =	vperm.xlane v6, v10;
	_ =	sdelay $0x1  }
0x2c6: {  	v11 =	vmul.f32 v11, v58;
	_ =	sdelay $0x1  }
0x2c7: {  	v11 =	vadd.f32 v11, v57;
	_ =	sdelay $0x1  }
0x2c8: {  	s6 =	sor.u32 $0x380, s16;
	[tilespmem:s20+$0x7080] =	vst v11  }
0x2c9: {  	v11 =	vld [tilespmem:s6+$0x1080]  }
0x2ca: {  	s28 =	sor.u32 s17, s12  }
0x2cb: {  	v59 =	vld [tilespmem:s28+$0x0]  }
0x2cc: {  	v60 =	vperm.xlane v7, v10;
	_ =	sdelay $0x1  }
0x2cd: {  	v11 =	vmul.f32 v11, v60;
	_ =	sdelay $0x1  }
0x2ce: {  	v11 =	vadd.f32 v11, v59;
	_ =	sdelay $0x1  }
0x2cf: {  	[tilespmem:s6+$0x7080] =	vst v11  }
0x2d0: {  	v11 =	vld [tilespmem:s7+$0x3080]  }
0x2d1: {  	s29 =	sor.u32 s17, s13  }
0x2d2: {  	v61 =	vld [tilespmem:s29+$0x0]  }
0x2d3: {  	v62 =	vperm.xlane v8, v10;
	_ =	sdelay $0x1  }
0x2d4: {  	v11 =	vmul.f32 v11, v62;
	_ =	sdelay $0x1  }
0x2d5: {  	v11 =	vadd.f32 v11, v61  }
0x2d6: {  	v63 =	vld [tilespmem:s7+$0x3100]  }
0x2d7: {  	s31 =	sor.u32 s17, s14;
	[tilespmem:s7+$0x9080] =	vst v11  }
0x2d8: {  	v11 =	vld [tilespmem:s31+$0x0]  }
0x2d9: {  	s2 =	sadd.s32 $0x4, s2;
	v10 =	vperm.xlane v9, v10  }
0x2da: {  	p1 =	slt.u32 s2, $0x3C  }
.Ltmp0:
0x2db: {  	v10 =	vmul.f32 v63, v10;
	(pc) =	sbr.rel @p1 .LBB2_2-.Ltmp0, $4  }
0x2dc: {  	_ = 	snop  }
0x2dd: {  	v10 =	vadd.f32 v10, v11  }
0x2de: {  	s1 =	sadd.s32 $0x40, s1  }
0x2df: {  	p0 =	por !p0, !p0;
	s5 =	sadd.s32 $0x200, s5;
	s4 =	sadd.s32 $0x40, s4;
	[tilespmem:s7+$0x9100] =	vst v10  }
0x2e0: {  	s1 =	rddreg [dreg:$0x16]  }
0x2e1: {  	s5 =	simm.s32 $0x2000;
	s2 =	simm.s32 $0x40000;
	s4 =	simm.s32 $0x7080  }
0x2e2: {  	[hbm4b:s1+s5] =	stream.strided.scatter [tilespmem:s4], [sflag:$0x2], $0x4000, s2, s5, $0x38;
	[tilespmem:$0xB080] =	vst v63  }
0x2e3: {  	s2 =	simm.s32 $0x2  }
0x2e4: {  	_ =	swait.ge [sflag:s2], $0x4000  }
0x2e5: {  	s30 =	sadd.s32 $0x1, s30;
	s31 =	rddreg [dreg:$0x17]  }
0x2e6: {  	p0 =	sne.s32 s30, s31  }
.Ltmp1:
0x2e7: {  	_ = 	snop;
	(pc) =	sbr.rel @p0 .LBB2_1-.Ltmp1, $3  }
0x2e8: {  	_ =	sdelay $0x1  }
0x2e9: {  	[sflag:s2] =	ssyncset.done $0x0  }
0x2ea: {  	[sflag:s2] =	ssyncadd.s32 $0xFFFFC000  }
0x2eb: {  	_ =	sfence.sel $0x180000  }
0x2ec: {  	[bflag:$0x0] =	sbarrier.arrive $0xFFFF  }
0x2ed: {  	_ =	strace $0x90000047  }
0x2ee: {  	s0 =	stileid.u32;
	[bflag:$0x2] =	sbarrier.arrive $0xFFFF  }
0x2ef: {  	p0 =	sne.s32 s0, $0x0;
	s0 =	rddreg [dreg:$0x4]  }
0x2f0: {  	s0 =	sadd.s32 @!p0 $0x100000, s0  }
0x2f1: {  	[sflag:s0] =	ssyncadd.tile.s32 @!p0 $0x1;
	_ =	shalt  }
.Lfunc_end2:
_tile_overlayer_lowered:
.L_overlay_start_2:
0x2f2: {  	(tag) =	ssettag $0x2  }
0x2f3: {  	s0 =	rddreg [dreg:$0x0];
	s2 =	stileid.u32  }
0x2f4: {  	s1 =	rddreg [dreg:$0x1];
	p0 =	sne.s32 s2, $0x0  }
0x2f5: {  	s3 =	rddreg [dreg:$0x2];
	[bflag:$0x3] =	sbarrier.arrive $0xFFFF;
	s2 =	simm.s32 @!p0 $0x1C02  }
0x2f6: {  	[timem:s3], [sflag:s2] =	dma.local @!p0 [hbm:s0], s1  }
0x2f7: {  	s0 =	simm.s32 @!p0 $0x2  }
0x2f8: {  	_ =	swait.ge @!p0 [sflag:s0], s1  }
0x2f9: {  	s1 =	ssub.s32 @!p0 $0x0, s1;
	[sflag:s0] =	ssyncset.done @!p0 $0x0  }
0x2fa: {  	[sflag:s0] =	ssyncadd.s32 @!p0 s1  }
0x2fb: {  	[bflag:$0x3] =	sbarrier.arrive $0xFFFF  }
0x2fc: {  	_ =	shalt  }

</sc_bundles>
